<compile_context>
chip_gen: v7x
topology: tpu7x:2x2x1
jax: 0.10.2.dev20260603
libtpu: 0.0.44.dev20260713+nightly
codegen_flags: <defaults>
</compile_context>

<pallas_src>
import functools

import jax
import jax.numpy as jnp
from jax import lax
from jax.experimental import pallas as pl
from jax.experimental.pallas import tpu as pltpu
from jax.experimental.pallas import tpu_sc as plsc

_VOCAB = 29599
_GLOVE = 50
_DM = 128
_B = 16384
_L = 50

_NC = 2
_NS = 16
_NW = _NC * _NS
_BPW = _B // _NW
_TPW = _BPW * _L
_GB = 4
_GROWS = _GB * _L
_NB = 4
_NGRP = _BPW // _GB
_CHUNKS = ((0, 128), (128, 72))

_PROJ_BLK = 1024


def _proj_body(tbl_ref, wt_ref, b_ref, out_ref):
    out_ref[...] = (
        jnp.dot(tbl_ref[...], wt_ref[...], preferred_element_type=jnp.float32)
        + b_ref[...]
    )


def _project_table(emb_table, W, b):
    v = emb_table.shape[0]
    vp = ((v + _PROJ_BLK - 1) // _PROJ_BLK) * _PROJ_BLK
    wt = W.T
    return pl.pallas_call(
        _proj_body,
        grid=(vp // _PROJ_BLK,),
        in_specs=[
            pl.BlockSpec((_PROJ_BLK, _GLOVE), lambda i: (i, 0)),
            pl.BlockSpec((_GLOVE, _DM), lambda i: (0, 0)),
            pl.BlockSpec((1, _DM), lambda i: (0, 0)),
        ],
        out_specs=pl.BlockSpec((_PROJ_BLK, _DM), lambda i: (i, 0)),
        out_shape=jax.ShapeDtypeStruct((v, _DM), jnp.float32),
    )(emb_table, wt, b.reshape(1, _DM))


def _sc_gather(p_tab, idx2):
    mesh = plsc.VectorSubcoreMesh(core_axis_name="c", subcore_axis_name="s")

    @functools.partial(
        pl.kernel,
        mesh=mesh,
        out_type=jax.ShapeDtypeStruct((_B, _L, _DM), jnp.float32),
        scratch_types=[
            pltpu.VMEM((_TPW,), jnp.int32),
            pltpu.VMEM((_NB, _GROWS, _DM), jnp.float32),
            pltpu.SemaphoreType.DMA((_NB,)),
            pltpu.SemaphoreType.DMA((_NB,)),
        ],
    )
    def k(p_hbm, idx_hbm, out_hbm, idx_v, bufs, gsem, wsem):
        wid = lax.axis_index("s") * _NC + lax.axis_index("c")
        pltpu.sync_copy(idx_hbm.at[wid], idx_v)
        base = wid * _BPW

        def start_gather(g, s):
            for off, ln in _CHUNKS:
                pltpu.async_copy(
                    p_hbm.at[idx_v.at[pl.ds(g * _GROWS + off, ln)]],
                    bufs.at[s, pl.ds(off, ln)],
                    gsem.at[s],
                )

        def wait_gather(g, s):
            for off, ln in _CHUNKS:
                pltpu.make_async_copy(
                    p_hbm.at[idx_v.at[pl.ds(g * _GROWS + off, ln)]],
                    bufs.at[s, pl.ds(off, ln)],
                    gsem.at[s],
                ).wait()

        def start_write(g, s):
            for i in range(_GB):
                pltpu.async_copy(
                    bufs.at[s, pl.ds(i * _L, _L)],
                    out_hbm.at[base + g * _GB + i],
                    wsem.at[s],
                )

        def wait_write(g, s):
            for i in range(_GB):
                pltpu.make_async_copy(
                    bufs.at[s, pl.ds(i * _L, _L)],
                    out_hbm.at[base + g * _GB + i],
                    wsem.at[s],
                ).wait()

        for s in range(_NB):
            start_gather(s, s)

        def group_body(g, _):
            for s in range(_NB):
                j = g * _NB + s
                wait_gather(j, s)
                start_write(j, s)
            for s in range(_NB):
                j = g * _NB + s
                wait_write(j, s)
                start_gather(j + _NB, s)
            return 0

        lax.fori_loop(0, _NGRP // _NB - 1, group_body, 0)

        for s in range(_NB):
            j = (_NGRP // _NB - 1) * _NB + s
            wait_gather(j, s)
            start_write(j, s)
        for s in range(_NB):
            j = (_NGRP // _NB - 1) * _NB + s
            wait_write(j, s)

    return k(p_tab, idx2)


def kernel(x, emb_table, W, b):
    p_tab = _project_table(emb_table, W, b)
    idx2 = x.astype(jnp.int32).reshape(_NW, _TPW)
    return _sc_gather(p_tab, idx2)

# --- scband reference (transcript-rebuilt; emitter-appended) ---
"""Pipeline reference for scband-embeddings-8727373546129 (READ-ONLY COPY).

The authoritative reference and input builder live on the scoring server;
editing this copy changes nothing except your own understanding.
"""

import jax, jax.numpy as jnp
import numpy as np

VOCAB = 29599
GLOVE_DIM = 50
D_MODEL = 128
B = 16384
L = 50


def setup_inputs(seed: int = 0) -> dict:
    key = jax.random.key(seed)
    k1, k2, k3, k4 = jax.random.split(key, 4)
    x = jax.random.randint(k1, (B, L), 0, VOCAB)
    emb_table = jax.random.normal(k2, (VOCAB, GLOVE_DIM), dtype=jnp.float32)
    # nn.Linear(glove_dim, d_model): weight [out, in], bias [out]
    W = jax.random.normal(k3, (D_MODEL, GLOVE_DIM), dtype=jnp.float32) * (1.0 / np.sqrt(GLOVE_DIM))
    b = jax.random.normal(k4, (D_MODEL,), dtype=jnp.float32) * 0.01
    return {"x": x, "emb_table": emb_table, "W": W, "b": b}


def reference(x, emb_table, W, b):
    # self.embedding(x): gather rows from table
    emb = jnp.take(emb_table, x, axis=0)  # [B, L, GLOVE_DIM]
    # self.pro(emb): linear projection, y = emb @ W.T + b
    out = emb @ W.T + b  # [B, L, D_MODEL]
    return out

if __name__ == "__main__":
    import jax
    _d = setup_inputs()
    print(jax.jit(kernel)(*tuple(_d.values())))

</pallas_src>

<mosaic_0001>
#map = affine_map<(d0, d1) -> (0, 0)>
#map1 = affine_map<(d0, d1) -> (0, 0, 0)>
module attributes {stable_mosaic.version = 14 : i64} {
  func.func @k(%arg0: i32, %arg1: i32, %arg2: memref<29599x128xf32, #tpu.memory_space<hbm>>, %arg3: memref<32x25600xi32, #tpu.memory_space<hbm>>, %arg4: memref<16384x50x128xf32, #tpu.memory_space<hbm>>, %arg5: memref<25600xi32, #tpu.memory_space<vmem>>, %arg6: memref<4x200x128xf32, #tpu.memory_space<vmem>>, %arg7: memref<4x!tpu.dma_semaphore, #tpu.memory_space<semaphore_mem>>, %arg8: memref<4x!tpu.dma_semaphore, #tpu.memory_space<semaphore_mem>>) attributes {dimension_semantics = [#tpu.dimension_semantics<core_parallel>, #tpu.dimension_semantics<subcore_parallel>], iteration_bounds = array<i64: 2, 16>, scalar_prefetch = 0 : i64, scratch_operands = 4 : i64, tpu.core_type = #tpu.core_type<sc_vector_subcore>, window_params = [{transform_indices = #map}, {transform_indices = #map}, {transform_indices = #map1}]} {
    %mul3A = arith.constant 2 : i32
    %mul3A_0 = arith.muli %arg1, %mul3A : i32
    %add3A = arith.addi %mul3A_0, %arg0 : i32
    "tpu.region"() ({
      %run_scoped3A = tpu.sem_alloc : memref<!tpu.dma_semaphore, #tpu.memory_space<semaphore_mem>>
      %dma_start3A_983 = arith.constant 0 : i32
      %dma_start3A_984 = tpu.memref_slice %arg3[%add3A, %dma_start3A_983] : memref<32x25600xi32, #tpu.memory_space<hbm>> -> memref<1x25600xi32, #tpu.memory_space<hbm>>
      %dma_start3A_985 = tpu.memref_squeeze %dma_start3A_984 : memref<1x25600xi32, #tpu.memory_space<hbm>> -> memref<25600xi32, #tpu.memory_space<hbm>>
      %dma_start3A_986 = arith.constant 0 : i32
      %dma_start3A_987 = tpu.memref_slice %arg3[%add3A, %dma_start3A_986] : memref<32x25600xi32, #tpu.memory_space<hbm>> -> memref<1x25600xi32, #tpu.memory_space<hbm>>
      %dma_start3A_988 = tpu.memref_squeeze %dma_start3A_987 : memref<1x25600xi32, #tpu.memory_space<hbm>> -> memref<25600xi32, #tpu.memory_space<hbm>>
      tpu.enqueue_dma source(%dma_start3A_988 : memref<25600xi32, #tpu.memory_space<hbm>>) target(%arg5 : memref<25600xi32, #tpu.memory_space<vmem>>) target_semaphore(%run_scoped3A : memref<!tpu.dma_semaphore, #tpu.memory_space<semaphore_mem>>)
      %dma_wait3A_989 = arith.constant 0 : i32
      %dma_wait3A_990 = tpu.memref_slice %arg3[%add3A, %dma_wait3A_989] : memref<32x25600xi32, #tpu.memory_space<hbm>> -> memref<1x25600xi32, #tpu.memory_space<hbm>>
      %dma_wait3A_991 = tpu.memref_squeeze %dma_wait3A_990 : memref<1x25600xi32, #tpu.memory_space<hbm>> -> memref<25600xi32, #tpu.memory_space<hbm>>
      %dma_wait3A_992 = arith.constant 0 : i32
      %dma_wait3A_993 = tpu.memref_slice %arg3[%add3A, %dma_wait3A_992] : memref<32x25600xi32, #tpu.memory_space<hbm>> -> memref<1x25600xi32, #tpu.memory_space<hbm>>
      %dma_wait3A_994 = tpu.memref_squeeze %dma_wait3A_993 : memref<1x25600xi32, #tpu.memory_space<hbm>> -> memref<25600xi32, #tpu.memory_space<hbm>>
      tpu.wait_dma2 semaphore(%run_scoped3A : memref<!tpu.dma_semaphore, #tpu.memory_space<semaphore_mem>>) src(%dma_wait3A_994 : memref<25600xi32, #tpu.memory_space<hbm>>) dst(%arg5 : memref<25600xi32, #tpu.memory_space<vmem>>)
      tpu.yield
    }) : () -> ()
    %mul3A_1 = arith.constant 512 : i32
    %mul3A_2 = arith.muli %add3A, %mul3A_1 : i32
    %dma_start3A = arith.constant 0 : i32
    %dma_start3A_3 = arith.constant 0 : i32
    %dma_start3A_4 = arith.constant 0 : i32
    %dma_start3A_5 = arith.constant 0 : i32
    %dma_start3A_6 = tpu.memref_slice %arg6[%dma_start3A, %dma_start3A_4, %dma_start3A_5] : memref<4x200x128xf32, #tpu.memory_space<vmem>> -> memref<1x128x128xf32, #tpu.memory_space<vmem>>
    %dma_start3A_7 = tpu.memref_squeeze %dma_start3A_6 : memref<1x128x128xf32, #tpu.memory_space<vmem>> -> memref<128x128xf32, #tpu.memory_space<vmem>>
    %dma_start3A_8 = arith.constant 0 : i32
    %dma_start3A_9 = tpu.memref_slice %arg5[%dma_start3A_8] : memref<25600xi32, #tpu.memory_space<vmem>> -> memref<128xi32, #tpu.memory_space<vmem>>
    %dma_start3A_10 = arith.constant 0 : i32
    %dma_start3A_11 = arith.constant 0 : i32
    %dma_start3A_12 = tpu.memref_slice %arg2[%dma_start3A_10, %dma_start3A_11] : memref<29599x128xf32, #tpu.memory_space<hbm>> -> memref<29599x128xf32, #tpu.memory_space<hbm>>
    %dma_start3A_13 = tpu.memref_slice %arg7[%dma_start3A_3] : memref<4x!tpu.dma_semaphore, #tpu.memory_space<semaphore_mem>> -> memref<1x!tpu.dma_semaphore, #tpu.memory_space<semaphore_mem>>
    %dma_start3A_14 = tpu.memref_squeeze %dma_start3A_13 : memref<1x!tpu.dma_semaphore, #tpu.memory_space<semaphore_mem>> -> memref<!tpu.dma_semaphore, #tpu.memory_space<semaphore_mem>>
    tpu.enqueue_indirect_dma source(%dma_start3A_12 : memref<29599x128xf32, #tpu.memory_space<hbm>>) target(%dma_start3A_7 : memref<128x128xf32, #tpu.memory_space<vmem>>) offsets(%dma_start3A_9 : memref<128xi32, #tpu.memory_space<vmem>>) semaphore(%dma_start3A_14 : memref<!tpu.dma_semaphore, #tpu.memory_space<semaphore_mem>>)
    %dma_start3A_15 = arith.constant 0 : i32
    %dma_start3A_16 = arith.constant 0 : i32
    %dma_start3A_17 = arith.constant 128 : i32
    %dma_start3A_18 = arith.constant 0 : i32
    %dma_start3A_19 = tpu.memref_slice %arg6[%dma_start3A_15, %dma_start3A_17, %dma_start3A_18] : memref<4x200x128xf32, #tpu.memory_space<vmem>> -> memref<1x72x128xf32, #tpu.memory_space<vmem>>
    %dma_start3A_20 = tpu.memref_squeeze %dma_start3A_19 : memref<1x72x128xf32, #tpu.memory_space<vmem>> -> memref<72x128xf32, #tpu.memory_space<vmem>>
    %dma_start3A_21 = arith.constant 128 : i32
    %dma_start3A_22 = tpu.memref_slice %arg5[%dma_start3A_21] : memref<25600xi32, #tpu.memory_space<vmem>> -> memref<72xi32, #tpu.memory_space<vmem>>
    %dma_start3A_23 = arith.constant 0 : i32
    %dma_start3A_24 = arith.constant 0 : i32
    %dma_start3A_25 = tpu.memref_slice %arg2[%dma_start3A_23, %dma_start3A_24] : memref<29599x128xf32, #tpu.memory_space<hbm>> -> memref<29599x128xf32, #tpu.memory_space<hbm>>
    %dma_start3A_26 = tpu.memref_slice %arg7[%dma_start3A_16] : memref<4x!tpu.dma_semaphore, #tpu.memory_space<semaphore_mem>> -> memref<1x!tpu.dma_semaphore, #tpu.memory_space<semaphore_mem>>
    %dma_start3A_27 = tpu.memref_squeeze %dma_start3A_26 : memref<1x!tpu.dma_semaphore, #tpu.memory_space<semaphore_mem>> -> memref<!tpu.dma_semaphore, #tpu.memory_space<semaphore_mem>>
    tpu.enqueue_indirect_dma source(%dma_start3A_25 : memref<29599x128xf32, #tpu.memory_space<hbm>>) target(%dma_start3A_20 : memref<72x128xf32, #tpu.memory_space<vmem>>) offsets(%dma_start3A_22 : memref<72xi32, #tpu.memory_space<vmem>>) semaphore(%dma_start3A_27 : memref<!tpu.dma_semaphore, #tpu.memory_space<semaphore_mem>>)
    %dma_start3A_28 = arith.constant 1 : i32
    %dma_start3A_29 = arith.constant 1 : i32
    %dma_start3A_30 = arith.constant 0 : i32
    %dma_start3A_31 = arith.constant 0 : i32
    %dma_start3A_32 = tpu.memref_slice %arg6[%dma_start3A_28, %dma_start3A_30, %dma_start3A_31] : memref<4x200x128xf32, #tpu.memory_space<vmem>> -> memref<1x128x128xf32, #tpu.memory_space<vmem>>
    %dma_start3A_33 = tpu.memref_squeeze %dma_start3A_32 : memref<1x128x128xf32, #tpu.memory_space<vmem>> -> memref<128x128xf32, #tpu.memory_space<vmem>>
    %dma_start3A_34 = arith.constant 200 : i32
    %dma_start3A_35 = tpu.memref_slice %arg5[%dma_start3A_34] : memref<25600xi32, #tpu.memory_space<vmem>> -> memref<128xi32, #tpu.memory_space<vmem>>
    %dma_start3A_36 = arith.constant 0 : i32
    %dma_start3A_37 = arith.constant 0 : i32
    %dma_start3A_38 = tpu.memref_slice %arg2[%dma_start3A_36, %dma_start3A_37] : memref<29599x128xf32, #tpu.memory_space<hbm>> -> memref<29599x128xf32, #tpu.memory_space<hbm>>
    %dma_start3A_39 = tpu.memref_slice %arg7[%dma_start3A_29] : memref<4x!tpu.dma_semaphore, #tpu.memory_space<semaphore_mem>> -> memref<1x!tpu.dma_semaphore, #tpu.memory_space<semaphore_mem>>
    %dma_start3A_40 = tpu.memref_squeeze %dma_start3A_39 : memref<1x!tpu.dma_semaphore, #tpu.memory_space<semaphore_mem>> -> memref<!tpu.dma_semaphore, #tpu.memory_space<semaphore_mem>>
    tpu.enqueue_indirect_dma source(%dma_start3A_38 : memref<29599x128xf32, #tpu.memory_space<hbm>>) target(%dma_start3A_33 : memref<128x128xf32, #tpu.memory_space<vmem>>) offsets(%dma_start3A_35 : memref<128xi32, #tpu.memory_space<vmem>>) semaphore(%dma_start3A_40 : memref<!tpu.dma_semaphore, #tpu.memory_space<semaphore_mem>>)
    %dma_start3A_41 = arith.constant 1 : i32
    %dma_start3A_42 = arith.constant 1 : i32
    %dma_start3A_43 = arith.constant 128 : i32
    %dma_start3A_44 = arith.constant 0 : i32
    %dma_start3A_45 = tpu.memref_slice %arg6[%dma_start3A_41, %dma_start3A_43, %dma_start3A_44] : memref<4x200x128xf32, #tpu.memory_space<vmem>> -> memref<1x72x128xf32, #tpu.memory_space<vmem>>
    %dma_start3A_46 = tpu.memref_squeeze %dma_start3A_45 : memref<1x72x128xf32, #tpu.memory_space<vmem>> -> memref<72x128xf32, #tpu.memory_space<vmem>>
    %dma_start3A_47 = arith.constant 328 : i32
    %dma_start3A_48 = tpu.memref_slice %arg5[%dma_start3A_47] : memref<25600xi32, #tpu.memory_space<vmem>> -> memref<72xi32, #tpu.memory_space<vmem>>
    %dma_start3A_49 = arith.constant 0 : i32
    %dma_start3A_50 = arith.constant 0 : i32
    %dma_start3A_51 = tpu.memref_slice %arg2[%dma_start3A_49, %dma_start3A_50] : memref<29599x128xf32, #tpu.memory_space<hbm>> -> memref<29599x128xf32, #tpu.memory_space<hbm>>
    %dma_start3A_52 = tpu.memref_slice %arg7[%dma_start3A_42] : memref<4x!tpu.dma_semaphore, #tpu.memory_space<semaphore_mem>> -> memref<1x!tpu.dma_semaphore, #tpu.memory_space<semaphore_mem>>
    %dma_start3A_53 = tpu.memref_squeeze %dma_start3A_52 : memref<1x!tpu.dma_semaphore, #tpu.memory_space<semaphore_mem>> -> memref<!tpu.dma_semaphore, #tpu.memory_space<semaphore_mem>>
    tpu.enqueue_indirect_dma source(%dma_start3A_51 : memref<29599x128xf32, #tpu.memory_space<hbm>>) target(%dma_start3A_46 : memref<72x128xf32, #tpu.memory_space<vmem>>) offsets(%dma_start3A_48 : memref<72xi32, #tpu.memory_space<vmem>>) semaphore(%dma_start3A_53 : memref<!tpu.dma_semaphore, #tpu.memory_space<semaphore_mem>>)
    %dma_start3A_54 = arith.constant 2 : i32
    %dma_start3A_55 = arith.constant 2 : i32
    %dma_start3A_56 = arith.constant 0 : i32
    %dma_start3A_57 = arith.constant 0 : i32
    %dma_start3A_58 = tpu.memref_slice %arg6[%dma_start3A_54, %dma_start3A_56, %dma_start3A_57] : memref<4x200x128xf32, #tpu.memory_space<vmem>> -> memref<1x128x128xf32, #tpu.memory_space<vmem>>
    %dma_start3A_59 = tpu.memref_squeeze %dma_start3A_58 : memref<1x128x128xf32, #tpu.memory_space<vmem>> -> memref<128x128xf32, #tpu.memory_space<vmem>>
    %dma_start3A_60 = arith.constant 400 : i32
    %dma_start3A_61 = tpu.memref_slice %arg5[%dma_start3A_60] : memref<25600xi32, #tpu.memory_space<vmem>> -> memref<128xi32, #tpu.memory_space<vmem>>
    %dma_start3A_62 = arith.constant 0 : i32
    %dma_start3A_63 = arith.constant 0 : i32
    %dma_start3A_64 = tpu.memref_slice %arg2[%dma_start3A_62, %dma_start3A_63] : memref<29599x128xf32, #tpu.memory_space<hbm>> -> memref<29599x128xf32, #tpu.memory_space<hbm>>
    %dma_start3A_65 = tpu.memref_slice %arg7[%dma_start3A_55] : memref<4x!tpu.dma_semaphore, #tpu.memory_space<semaphore_mem>> -> memref<1x!tpu.dma_semaphore, #tpu.memory_space<semaphore_mem>>
    %dma_start3A_66 = tpu.memref_squeeze %dma_start3A_65 : memref<1x!tpu.dma_semaphore, #tpu.memory_space<semaphore_mem>> -> memref<!tpu.dma_semaphore, #tpu.memory_space<semaphore_mem>>
    tpu.enqueue_indirect_dma source(%dma_start3A_64 : memref<29599x128xf32, #tpu.memory_space<hbm>>) target(%dma_start3A_59 : memref<128x128xf32, #tpu.memory_space<vmem>>) offsets(%dma_start3A_61 : memref<128xi32, #tpu.memory_space<vmem>>) semaphore(%dma_start3A_66 : memref<!tpu.dma_semaphore, #tpu.memory_space<semaphore_mem>>)
    %dma_start3A_67 = arith.constant 2 : i32
    %dma_start3A_68 = arith.constant 2 : i32
    %dma_start3A_69 = arith.constant 128 : i32
    %dma_start3A_70 = arith.constant 0 : i32
    %dma_start3A_71 = tpu.memref_slice %arg6[%dma_start3A_67, %dma_start3A_69, %dma_start3A_70] : memref<4x200x128xf32, #tpu.memory_space<vmem>> -> memref<1x72x128xf32, #tpu.memory_space<vmem>>
    %dma_start3A_72 = tpu.memref_squeeze %dma_start3A_71 : memref<1x72x128xf32, #tpu.memory_space<vmem>> -> memref<72x128xf32, #tpu.memory_space<vmem>>
    %dma_start3A_73 = arith.constant 528 : i32
    %dma_start3A_74 = tpu.memref_slice %arg5[%dma_start3A_73] : memref<25600xi32, #tpu.memory_space<vmem>> -> memref<72xi32, #tpu.memory_space<vmem>>
    %dma_start3A_75 = arith.constant 0 : i32
    %dma_start3A_76 = arith.constant 0 : i32
    %dma_start3A_77 = tpu.memref_slice %arg2[%dma_start3A_75, %dma_start3A_76] : memref<29599x128xf32, #tpu.memory_space<hbm>> -> memref<29599x128xf32, #tpu.memory_space<hbm>>
    %dma_start3A_78 = tpu.memref_slice %arg7[%dma_start3A_68] : memref<4x!tpu.dma_semaphore, #tpu.memory_space<semaphore_mem>> -> memref<1x!tpu.dma_semaphore, #tpu.memory_space<semaphore_mem>>
    %dma_start3A_79 = tpu.memref_squeeze %dma_start3A_78 : memref<1x!tpu.dma_semaphore, #tpu.memory_space<semaphore_mem>> -> memref<!tpu.dma_semaphore, #tpu.memory_space<semaphore_mem>>
    tpu.enqueue_indirect_dma source(%dma_start3A_77 : memref<29599x128xf32, #tpu.memory_space<hbm>>) target(%dma_start3A_72 : memref<72x128xf32, #tpu.memory_space<vmem>>) offsets(%dma_start3A_74 : memref<72xi32, #tpu.memory_space<vmem>>) semaphore(%dma_start3A_79 : memref<!tpu.dma_semaphore, #tpu.memory_space<semaphore_mem>>)
    %dma_start3A_80 = arith.constant 3 : i32
    %dma_start3A_81 = arith.constant 3 : i32
    %dma_start3A_82 = arith.constant 0 : i32
    %dma_start3A_83 = arith.constant 0 : i32
    %dma_start3A_84 = tpu.memref_slice %arg6[%dma_start3A_80, %dma_start3A_82, %dma_start3A_83] : memref<4x200x128xf32, #tpu.memory_space<vmem>> -> memref<1x128x128xf32, #tpu.memory_space<vmem>>
    %dma_start3A_85 = tpu.memref_squeeze %dma_start3A_84 : memref<1x128x128xf32, #tpu.memory_space<vmem>> -> memref<128x128xf32, #tpu.memory_space<vmem>>
    %dma_start3A_86 = arith.constant 600 : i32
    %dma_start3A_87 = tpu.memref_slice %arg5[%dma_start3A_86] : memref<25600xi32, #tpu.memory_space<vmem>> -> memref<128xi32, #tpu.memory_space<vmem>>
    %dma_start3A_88 = arith.constant 0 : i32
    %dma_start3A_89 = arith.constant 0 : i32
    %dma_start3A_90 = tpu.memref_slice %arg2[%dma_start3A_88, %dma_start3A_89] : memref<29599x128xf32, #tpu.memory_space<hbm>> -> memref<29599x128xf32, #tpu.memory_space<hbm>>
    %dma_start3A_91 = tpu.memref_slice %arg7[%dma_start3A_81] : memref<4x!tpu.dma_semaphore, #tpu.memory_space<semaphore_mem>> -> memref<1x!tpu.dma_semaphore, #tpu.memory_space<semaphore_mem>>
    %dma_start3A_92 = tpu.memref_squeeze %dma_start3A_91 : memref<1x!tpu.dma_semaphore, #tpu.memory_space<semaphore_mem>> -> memref<!tpu.dma_semaphore, #tpu.memory_space<semaphore_mem>>
    tpu.enqueue_indirect_dma source(%dma_start3A_90 : memref<29599x128xf32, #tpu.memory_space<hbm>>) target(%dma_start3A_85 : memref<128x128xf32, #tpu.memory_space<vmem>>) offsets(%dma_start3A_87 : memref<128xi32, #tpu.memory_space<vmem>>) semaphore(%dma_start3A_92 : memref<!tpu.dma_semaphore, #tpu.memory_space<semaphore_mem>>)
    %dma_start3A_93 = arith.constant 3 : i32
    %dma_start3A_94 = arith.constant 3 : i32
    %dma_start3A_95 = arith.constant 128 : i32
    %dma_start3A_96 = arith.constant 0 : i32
    %dma_start3A_97 = tpu.memref_slice %arg6[%dma_start3A_93, %dma_start3A_95, %dma_start3A_96] : memref<4x200x128xf32, #tpu.memory_space<vmem>> -> memref<1x72x128xf32, #tpu.memory_space<vmem>>
    %dma_start3A_98 = tpu.memref_squeeze %dma_start3A_97 : memref<1x72x128xf32, #tpu.memory_space<vmem>> -> memref<72x128xf32, #tpu.memory_space<vmem>>
    %dma_start3A_99 = arith.constant 728 : i32
    %dma_start3A_100 = tpu.memref_slice %arg5[%dma_start3A_99] : memref<25600xi32, #tpu.memory_space<vmem>> -> memref<72xi32, #tpu.memory_space<vmem>>
    %dma_start3A_101 = arith.constant 0 : i32
    %dma_start3A_102 = arith.constant 0 : i32
    %dma_start3A_103 = tpu.memref_slice %arg2[%dma_start3A_101, %dma_start3A_102] : memref<29599x128xf32, #tpu.memory_space<hbm>> -> memref<29599x128xf32, #tpu.memory_space<hbm>>
    %dma_start3A_104 = tpu.memref_slice %arg7[%dma_start3A_94] : memref<4x!tpu.dma_semaphore, #tpu.memory_space<semaphore_mem>> -> memref<1x!tpu.dma_semaphore, #tpu.memory_space<semaphore_mem>>
    %dma_start3A_105 = tpu.memref_squeeze %dma_start3A_104 : memref<1x!tpu.dma_semaphore, #tpu.memory_space<semaphore_mem>> -> memref<!tpu.dma_semaphore, #tpu.memory_space<semaphore_mem>>
    tpu.enqueue_indirect_dma source(%dma_start3A_103 : memref<29599x128xf32, #tpu.memory_space<hbm>>) target(%dma_start3A_98 : memref<72x128xf32, #tpu.memory_space<vmem>>) offsets(%dma_start3A_100 : memref<72xi32, #tpu.memory_space<vmem>>) semaphore(%dma_start3A_105 : memref<!tpu.dma_semaphore, #tpu.memory_space<semaphore_mem>>)
    %scan3A = arith.constant 0 : i32
    %scan3A_106 = arith.constant 0 : i32
    %scan3A_107 = arith.constant 31 : i32
    %scan3A_108 = arith.addi %scan3A_106, %scan3A_107 : i32
    %scan3A_109 = arith.constant 1 : i32
    %scan3A_110 = scf.for %scan3A_983 = %scan3A_106 to %scan3A_108 step %scan3A_109 iter_args(%scan3A_984 = %scan3A) -> (i32)  : i32 {
      %mul3A_985 = arith.constant 4 : i32
      %mul3A_986 = arith.muli %scan3A_983, %mul3A_985 : i32
      %add3A_987 = arith.constant 0 : i32
      %add3A_988 = arith.addi %mul3A_986, %add3A_987 : i32
      %mul3A_989 = arith.constant 200 : i32
      %mul3A_990 = arith.muli %add3A_988, %mul3A_989 : i32
      %add3A_991 = arith.constant 0 : i32
      %add3A_992 = arith.addi %mul3A_990, %add3A_991 : i32
      %dma_wait3A_993 = arith.constant 0 : i32
      %dma_wait3A_994 = arith.constant 0 : i32
      %dma_wait3A_995 = arith.constant 0 : i32
      %dma_wait3A_996 = arith.constant 0 : i32
      %dma_wait3A_997 = tpu.memref_slice %arg6[%dma_wait3A_993, %dma_wait3A_995, %dma_wait3A_996] : memref<4x200x128xf32, #tpu.memory_space<vmem>> -> memref<1x128x128xf32, #tpu.memory_space<vmem>>
      %dma_wait3A_998 = tpu.memref_squeeze %dma_wait3A_997 : memref<1x128x128xf32, #tpu.memory_space<vmem>> -> memref<128x128xf32, #tpu.memory_space<vmem>>
      %dma_wait3A_999 = tpu.memref_slice %arg5[%add3A_992] : memref<25600xi32, #tpu.memory_space<vmem>> -> memref<128xi32, #tpu.memory_space<vmem>>
      %dma_wait3A_1000 = arith.constant 0 : i32
      %dma_wait3A_1001 = arith.constant 0 : i32
      %dma_wait3A_1002 = tpu.memref_slice %arg2[%dma_wait3A_1000, %dma_wait3A_1001] : memref<29599x128xf32, #tpu.memory_space<hbm>> -> memref<29599x128xf32, #tpu.memory_space<hbm>>
      %dma_wait3A_1003 = tpu.memref_slice %arg7[%dma_wait3A_994] : memref<4x!tpu.dma_semaphore, #tpu.memory_space<semaphore_mem>> -> memref<1x!tpu.dma_semaphore, #tpu.memory_space<semaphore_mem>>
      %dma_wait3A_1004 = tpu.memref_squeeze %dma_wait3A_1003 : memref<1x!tpu.dma_semaphore, #tpu.memory_space<semaphore_mem>> -> memref<!tpu.dma_semaphore, #tpu.memory_space<semaphore_mem>>
      tpu.wait_indirect_dma semaphore(%dma_wait3A_1004 : memref<!tpu.dma_semaphore, #tpu.memory_space<semaphore_mem>>) src(%dma_wait3A_1002 : memref<29599x128xf32, #tpu.memory_space<hbm>>) dst(%dma_wait3A_998 : memref<128x128xf32, #tpu.memory_space<vmem>>)
      %mul3A_1005 = arith.constant 200 : i32
      %mul3A_1006 = arith.muli %add3A_988, %mul3A_1005 : i32
      %add3A_1007 = arith.constant 128 : i32
      %add3A_1008 = arith.addi %mul3A_1006, %add3A_1007 : i32
      %dma_wait3A_1009 = arith.constant 0 : i32
      %dma_wait3A_1010 = arith.constant 0 : i32
      %dma_wait3A_1011 = arith.constant 128 : i32
      %dma_wait3A_1012 = arith.constant 0 : i32
      %dma_wait3A_1013 = tpu.memref_slice %arg6[%dma_wait3A_1009, %dma_wait3A_1011, %dma_wait3A_1012] : memref<4x200x128xf32, #tpu.memory_space<vmem>> -> memref<1x72x128xf32, #tpu.memory_space<vmem>>
      %dma_wait3A_1014 = tpu.memref_squeeze %dma_wait3A_1013 : memref<1x72x128xf32, #tpu.memory_space<vmem>> -> memref<72x128xf32, #tpu.memory_space<vmem>>
      %dma_wait3A_1015 = tpu.memref_slice %arg5[%add3A_1008] : memref<25600xi32, #tpu.memory_space<vmem>> -> memref<72xi32, #tpu.memory_space<vmem>>
      %dma_wait3A_1016 = arith.constant 0 : i32
      %dma_wait3A_1017 = arith.constant 0 : i32
      %dma_wait3A_1018 = tpu.memref_slice %arg2[%dma_wait3A_1016, %dma_wait3A_1017] : memref<29599x128xf32, #tpu.memory_space<hbm>> -> memref<29599x128xf32, #tpu.memory_space<hbm>>
      %dma_wait3A_1019 = tpu.memref_slice %arg7[%dma_wait3A_1010] : memref<4x!tpu.dma_semaphore, #tpu.memory_space<semaphore_mem>> -> memref<1x!tpu.dma_semaphore, #tpu.memory_space<semaphore_mem>>
      %dma_wait3A_1020 = tpu.memref_squeeze %dma_wait3A_1019 : memref<1x!tpu.dma_semaphore, #tpu.memory_space<semaphore_mem>> -> memref<!tpu.dma_semaphore, #tpu.memory_space<semaphore_mem>>
      tpu.wait_indirect_dma semaphore(%dma_wait3A_1020 : memref<!tpu.dma_semaphore, #tpu.memory_space<semaphore_mem>>) src(%dma_wait3A_1018 : memref<29599x128xf32, #tpu.memory_space<hbm>>) dst(%dma_wait3A_1014 : memref<72x128xf32, #tpu.memory_space<vmem>>)
      %mul3A_1021 = arith.constant 4 : i32
      %mul3A_1022 = arith.muli %add3A_988, %mul3A_1021 : i32
      %add3A_1023 = arith.addi %mul3A_2, %mul3A_1022 : i32
      %add3A_1024 = arith.constant 0 : i32
      %add3A_1025 = arith.addi %add3A_1023, %add3A_1024 : i32
      %dma_start3A_1026 = arith.constant 0 : i32
      %dma_start3A_1027 = arith.constant 0 : i32
      %dma_start3A_1028 = arith.constant 0 : i32
      %dma_start3A_1029 = arith.constant 0 : i32
      %dma_start3A_1030 = tpu.memref_slice %arg6[%dma_start3A_1026, %dma_start3A_1028, %dma_start3A_1029] : memref<4x200x128xf32, #tpu.memory_space<vmem>> -> memref<1x50x128xf32, #tpu.memory_space<vmem>>
      %dma_start3A_1031 = tpu.memref_squeeze %dma_start3A_1030 : memref<1x50x128xf32, #tpu.memory_space<vmem>> -> memref<50x128xf32, #tpu.memory_space<vmem>>
      %dma_start3A_1032 = arith.constant 0 : i32
      %dma_start3A_1033 = arith.constant 0 : i32
      %dma_start3A_1034 = tpu.memref_slice %arg4[%add3A_1025, %dma_start3A_1032, %dma_start3A_1033] : memref<16384x50x128xf32, #tpu.memory_space<hbm>> -> memref<1x50x128xf32, #tpu.memory_space<hbm>>
      %dma_start3A_1035 = tpu.memref_squeeze %dma_start3A_1034 : memref<1x50x128xf32, #tpu.memory_space<hbm>> -> memref<50x128xf32, #tpu.memory_space<hbm>>
      %dma_start3A_1036 = tpu.memref_slice %arg8[%dma_start3A_1027] : memref<4x!tpu.dma_semaphore, #tpu.memory_space<semaphore_mem>> -> memref<1x!tpu.dma_semaphore, #tpu.memory_space<semaphore_mem>>
      %dma_start3A_1037 = tpu.memref_squeeze %dma_start3A_1036 : memref<1x!tpu.dma_semaphore, #tpu.memory_space<semaphore_mem>> -> memref<!tpu.dma_semaphore, #tpu.memory_space<semaphore_mem>>
      %dma_start3A_1038 = arith.constant 0 : i32
      %dma_start3A_1039 = arith.constant 0 : i32
      %dma_start3A_1040 = tpu.memref_slice %arg4[%add3A_1025, %dma_start3A_1038, %dma_start3A_1039] : memref<16384x50x128xf32, #tpu.memory_space<hbm>> -> memref<1x50x128xf32, #tpu.memory_space<hbm>>
      %dma_start3A_1041 = tpu.memref_squeeze %dma_start3A_1040 : memref<1x50x128xf32, #tpu.memory_space<hbm>> -> memref<50x128xf32, #tpu.memory_space<hbm>>
      %dma_start3A_1042 = arith.constant 0 : i32
      %dma_start3A_1043 = arith.constant 0 : i32
      %dma_start3A_1044 = tpu.memref_slice %arg6[%dma_start3A_1026, %dma_start3A_1042, %dma_start3A_1043] : memref<4x200x128xf32, #tpu.memory_space<vmem>> -> memref<1x50x128xf32, #tpu.memory_space<vmem>>
      %dma_start3A_1045 = tpu.memref_squeeze %dma_start3A_1044 : memref<1x50x128xf32, #tpu.memory_space<vmem>> -> memref<50x128xf32, #tpu.memory_space<vmem>>
      tpu.enqueue_dma source(%dma_start3A_1045 : memref<50x128xf32, #tpu.memory_space<vmem>>) target(%dma_start3A_1041 : memref<50x128xf32, #tpu.memory_space<hbm>>) target_semaphore(%dma_start3A_1037 : memref<!tpu.dma_semaphore, #tpu.memory_space<semaphore_mem>>)
      %mul3A_1046 = arith.constant 4 : i32
      %mul3A_1047 = arith.muli %add3A_988, %mul3A_1046 : i32
      %add3A_1048 = arith.addi %mul3A_2, %mul3A_1047 : i32
      %add3A_1049 = arith.constant 1 : i32
      %add3A_1050 = arith.addi %add3A_1048, %add3A_1049 : i32
      %dma_start3A_1051 = arith.constant 0 : i32
      %dma_start3A_1052 = arith.constant 0 : i32
      %dma_start3A_1053 = arith.constant 50 : i32
      %dma_start3A_1054 = arith.constant 0 : i32
      %dma_start3A_1055 = tpu.memref_slice %arg6[%dma_start3A_1051, %dma_start3A_1053, %dma_start3A_1054] : memref<4x200x128xf32, #tpu.memory_space<vmem>> -> memref<1x50x128xf32, #tpu.memory_space<vmem>>
      %dma_start3A_1056 = tpu.memref_squeeze %dma_start3A_1055 : memref<1x50x128xf32, #tpu.memory_space<vmem>> -> memref<50x128xf32, #tpu.memory_space<vmem>>
      %dma_start3A_1057 = arith.constant 0 : i32
      %dma_start3A_1058 = arith.constant 0 : i32
      %dma_start3A_1059 = tpu.memref_slice %arg4[%add3A_1050, %dma_start3A_1057, %dma_start3A_1058] : memref<16384x50x128xf32, #tpu.memory_space<hbm>> -> memref<1x50x128xf32, #tpu.memory_space<hbm>>
      %dma_start3A_1060 = tpu.memref_squeeze %dma_start3A_1059 : memref<1x50x128xf32, #tpu.memory_space<hbm>> -> memref<50x128xf32, #tpu.memory_space<hbm>>
      %dma_start3A_1061 = tpu.memref_slice %arg8[%dma_start3A_1052] : memref<4x!tpu.dma_semaphore, #tpu.memory_space<semaphore_mem>> -> memref<1x!tpu.dma_semaphore, #tpu.memory_space<semaphore_mem>>
      %dma_start3A_1062 = tpu.memref_squeeze %dma_start3A_1061 : memref<1x!tpu.dma_semaphore, #tpu.memory_space<semaphore_mem>> -> memref<!tpu.dma_semaphore, #tpu.memory_space<semaphore_mem>>
      %dma_start3A_1063 = arith.constant 0 : i32
      %dma_start3A_1064 = arith.constant 0 : i32
      %dma_start3A_1065 = tpu.memref_slice %arg4[%add3A_1050, %dma_start3A_1063, %dma_start3A_1064] : memref<16384x50x128xf32, #tpu.memory_space<hbm>> -> memref<1x50x128xf32, #tpu.memory_space<hbm>>
      %dma_start3A_1066 = tpu.memref_squeeze %dma_start3A_1065 : memref<1x50x128xf32, #tpu.memory_space<hbm>> -> memref<50x128xf32, #tpu.memory_space<hbm>>
      %dma_start3A_1067 = arith.constant 50 : i32
      %dma_start3A_1068 = arith.constant 0 : i32
      %dma_start3A_1069 = tpu.memref_slice %arg6[%dma_start3A_1051, %dma_start3A_1067, %dma_start3A_1068] : memref<4x200x128xf32, #tpu.memory_space<vmem>> -> memref<1x50x128xf32, #tpu.memory_space<vmem>>
      %dma_start3A_1070 = tpu.memref_squeeze %dma_start3A_1069 : memref<1x50x128xf32, #tpu.memory_space<vmem>> -> memref<50x128xf32, #tpu.memory_space<vmem>>
      tpu.enqueue_dma source(%dma_start3A_1070 : memref<50x128xf32, #tpu.memory_space<vmem>>) target(%dma_start3A_1066 : memref<50x128xf32, #tpu.memory_space<hbm>>) target_semaphore(%dma_start3A_1062 : memref<!tpu.dma_semaphore, #tpu.memory_space<semaphore_mem>>)
      %mul3A_1071 = arith.constant 4 : i32
      %mul3A_1072 = arith.muli %add3A_988, %mul3A_1071 : i32
      %add3A_1073 = arith.addi %mul3A_2, %mul3A_1072 : i32
      %add3A_1074 = arith.constant 2 : i32
      %add3A_1075 = arith.addi %add3A_1073, %add3A_1074 : i32
      %dma_start3A_1076 = arith.constant 0 : i32
      %dma_start3A_1077 = arith.constant 0 : i32
      %dma_start3A_1078 = arith.constant 100 : i32
      %dma_start3A_1079 = arith.constant 0 : i32
      %dma_start3A_1080 = tpu.memref_slice %arg6[%dma_start3A_1076, %dma_start3A_1078, %dma_start3A_1079] : memref<4x200x128xf32, #tpu.memory_space<vmem>> -> memref<1x50x128xf32, #tpu.memory_space<vmem>>
      %dma_start3A_1081 = tpu.memref_squeeze %dma_start3A_1080 : memref<1x50x128xf32, #tpu.memory_space<vmem>> -> memref<50x128xf32, #tpu.memory_space<vmem>>
      %dma_start3A_1082 = arith.constant 0 : i32
      %dma_start3A_1083 = arith.constant 0 : i32
      %dma_start3A_1084 = tpu.memref_slice %arg4[%add3A_1075, %dma_start3A_1082, %dma_start3A_1083] : memref<16384x50x128xf32, #tpu.memory_space<hbm>> -> memref<1x50x128xf32, #tpu.memory_space<hbm>>
      %dma_start3A_1085 = tpu.memref_squeeze %dma_start3A_1084 : memref<1x50x128xf32, #tpu.memory_space<hbm>> -> memref<50x128xf32, #tpu.memory_space<hbm>>
      %dma_start3A_1086 = tpu.memref_slice %arg8[%dma_start3A_1077] : memref<4x!tpu.dma_semaphore, #tpu.memory_space<semaphore_mem>> -> memref<1x!tpu.dma_semaphore, #tpu.memory_space<semaphore_mem>>
      %dma_start3A_1087 = tpu.memref_squeeze %dma_start3A_1086 : memref<1x!tpu.dma_semaphore, #tpu.memory_space<semaphore_mem>> -> memref<!tpu.dma_semaphore, #tpu.memory_space<semaphore_mem>>
      %dma_start3A_1088 = arith.constant 0 : i32
      %dma_start3A_1089 = arith.constant 0 : i32
      %dma_start3A_1090 = tpu.memref_slice %arg4[%add3A_1075, %dma_start3A_1088, %dma_start3A_1089] : memref<16384x50x128xf32, #tpu.memory_space<hbm>> -> memref<1x50x128xf32, #tpu.memory_space<hbm>>
      %dma_start3A_1091 = tpu.memref_squeeze %dma_start3A_1090 : memref<1x50x128xf32, #tpu.memory_space<hbm>> -> memref<50x128xf32, #tpu.memory_space<hbm>>
      %dma_start3A_1092 = arith.constant 100 : i32
      %dma_start3A_1093 = arith.constant 0 : i32
      %dma_start3A_1094 = tpu.memref_slice %arg6[%dma_start3A_1076, %dma_start3A_1092, %dma_start3A_1093] : memref<4x200x128xf32, #tpu.memory_space<vmem>> -> memref<1x50x128xf32, #tpu.memory_space<vmem>>
      %dma_start3A_1095 = tpu.memref_squeeze %dma_start3A_1094 : memref<1x50x128xf32, #tpu.memory_space<vmem>> -> memref<50x128xf32, #tpu.memory_space<vmem>>
      tpu.enqueue_dma source(%dma_start3A_1095 : memref<50x128xf32, #tpu.memory_space<vmem>>) target(%dma_start3A_1091 : memref<50x128xf32, #tpu.memory_space<hbm>>) target_semaphore(%dma_start3A_1087 : memref<!tpu.dma_semaphore, #tpu.memory_space<semaphore_mem>>)
      %mul3A_1096 = arith.constant 4 : i32
      %mul3A_1097 = arith.muli %add3A_988, %mul3A_1096 : i32
      %add3A_1098 = arith.addi %mul3A_2, %mul3A_1097 : i32
      %add3A_1099 = arith.constant 3 : i32
      %add3A_1100 = arith.addi %add3A_1098, %add3A_1099 : i32
      %dma_start3A_1101 = arith.constant 0 : i32
      %dma_start3A_1102 = arith.constant 0 : i32
      %dma_start3A_1103 = arith.constant 150 : i32
      %dma_start3A_1104 = arith.constant 0 : i32
      %dma_start3A_1105 = tpu.memref_slice %arg6[%dma_start3A_1101, %dma_start3A_1103, %dma_start3A_1104] : memref<4x200x128xf32, #tpu.memory_space<vmem>> -> memref<1x50x128xf32, #tpu.memory_space<vmem>>
      %dma_start3A_1106 = tpu.memref_squeeze %dma_start3A_1105 : memref<1x50x128xf32, #tpu.memory_space<vmem>> -> memref<50x128xf32, #tpu.memory_space<vmem>>
      %dma_start3A_1107 = arith.constant 0 : i32
      %dma_start3A_1108 = arith.constant 0 : i32
      %dma_start3A_1109 = tpu.memref_slice %arg4[%add3A_1100, %dma_start3A_1107, %dma_start3A_1108] : memref<16384x50x128xf32, #tpu.memory_space<hbm>> -> memref<1x50x128xf32, #tpu.memory_space<hbm>>
      %dma_start3A_1110 = tpu.memref_squeeze %dma_start3A_1109 : memref<1x50x128xf32, #tpu.memory_space<hbm>> -> memref<50x128xf32, #tpu.memory_space<hbm>>
      %dma_start3A_1111 = tpu.memref_slice %arg8[%dma_start3A_1102] : memref<4x!tpu.dma_semaphore, #tpu.memory_space<semaphore_mem>> -> memref<1x!tpu.dma_semaphore, #tpu.memory_space<semaphore_mem>>
      %dma_start3A_1112 = tpu.memref_squeeze %dma_start3A_1111 : memref<1x!tpu.dma_semaphore, #tpu.memory_space<semaphore_mem>> -> memref<!tpu.dma_semaphore, #tpu.memory_space<semaphore_mem>>
      %dma_start3A_1113 = arith.constant 0 : i32
      %dma_start3A_1114 = arith.constant 0 : i32
      %dma_start3A_1115 = tpu.memref_slice %arg4[%add3A_1100, %dma_start3A_1113, %dma_start3A_1114] : memref<16384x50x128xf32, #tpu.memory_space<hbm>> -> memref<1x50x128xf32, #tpu.memory_space<hbm>>
      %dma_start3A_1116 = tpu.memref_squeeze %dma_start3A_1115 : memref<1x50x128xf32, #tpu.memory_space<hbm>> -> memref<50x128xf32, #tpu.memory_space<hbm>>
      %dma_start3A_1117 = arith.constant 150 : i32
      %dma_start3A_1118 = arith.constant 0 : i32
      %dma_start3A_1119 = tpu.memref_slice %arg6[%dma_start3A_1101, %dma_start3A_1117, %dma_start3A_1118] : memref<4x200x128xf32, #tpu.memory_space<vmem>> -> memref<1x50x128xf32, #tpu.memory_space<vmem>>
      %dma_start3A_1120 = tpu.memref_squeeze %dma_start3A_1119 : memref<1x50x128xf32, #tpu.memory_space<vmem>> -> memref<50x128xf32, #tpu.memory_space<vmem>>
      tpu.enqueue_dma source(%dma_start3A_1120 : memref<50x128xf32, #tpu.memory_space<vmem>>) target(%dma_start3A_1116 : memref<50x128xf32, #tpu.memory_space<hbm>>) target_semaphore(%dma_start3A_1112 : memref<!tpu.dma_semaphore, #tpu.memory_space<semaphore_mem>>)
      %mul3A_1121 = arith.constant 4 : i32
      %mul3A_1122 = arith.muli %scan3A_983, %mul3A_1121 : i32
      %add3A_1123 = arith.constant 1 : i32
      %add3A_1124 = arith.addi %mul3A_1122, %add3A_1123 : i32
      %mul3A_1125 = arith.constant 200 : i32
      %mul3A_1126 = arith.muli %add3A_1124, %mul3A_1125 : i32
      %add3A_1127 = arith.constant 0 : i32
      %add3A_1128 = arith.addi %mul3A_1126, %add3A_1127 : i32
      %dma_wait3A_1129 = arith.constant 1 : i32
      %dma_wait3A_1130 = arith.constant 1 : i32
      %dma_wait3A_1131 = arith.constant 0 : i32
      %dma_wait3A_1132 = arith.constant 0 : i32
      %dma_wait3A_1133 = tpu.memref_slice %arg6[%dma_wait3A_1129, %dma_wait3A_1131, %dma_wait3A_1132] : memref<4x200x128xf32, #tpu.memory_space<vmem>> -> memref<1x128x128xf32, #tpu.memory_space<vmem>>
      %dma_wait3A_1134 = tpu.memref_squeeze %dma_wait3A_1133 : memref<1x128x128xf32, #tpu.memory_space<vmem>> -> memref<128x128xf32, #tpu.memory_space<vmem>>
      %dma_wait3A_1135 = tpu.memref_slice %arg5[%add3A_1128] : memref<25600xi32, #tpu.memory_space<vmem>> -> memref<128xi32, #tpu.memory_space<vmem>>
      %dma_wait3A_1136 = arith.constant 0 : i32
      %dma_wait3A_1137 = arith.constant 0 : i32
      %dma_wait3A_1138 = tpu.memref_slice %arg2[%dma_wait3A_1136, %dma_wait3A_1137] : memref<29599x128xf32, #tpu.memory_space<hbm>> -> memref<29599x128xf32, #tpu.memory_space<hbm>>
      %dma_wait3A_1139 = tpu.memref_slice %arg7[%dma_wait3A_1130] : memref<4x!tpu.dma_semaphore, #tpu.memory_space<semaphore_mem>> -> memref<1x!tpu.dma_semaphore, #tpu.memory_space<semaphore_mem>>
      %dma_wait3A_1140 = tpu.memref_squeeze %dma_wait3A_1139 : memref<1x!tpu.dma_semaphore, #tpu.memory_space<semaphore_mem>> -> memref<!tpu.dma_semaphore, #tpu.memory_space<semaphore_mem>>
      tpu.wait_indirect_dma semaphore(%dma_wait3A_1140 : memref<!tpu.dma_semaphore, #tpu.memory_space<semaphore_mem>>) src(%dma_wait3A_1138 : memref<29599x128xf32, #tpu.memory_space<hbm>>) dst(%dma_wait3A_1134 : memref<128x128xf32, #tpu.memory_space<vmem>>)
      %mul3A_1141 = arith.constant 200 : i32
      %mul3A_1142 = arith.muli %add3A_1124, %mul3A_1141 : i32
      %add3A_1143 = arith.constant 128 : i32
      %add3A_1144 = arith.addi %mul3A_1142, %add3A_1143 : i32
      %dma_wait3A_1145 = arith.constant 1 : i32
      %dma_wait3A_1146 = arith.constant 1 : i32
      %dma_wait3A_1147 = arith.constant 128 : i32
      %dma_wait3A_1148 = arith.constant 0 : i32
      %dma_wait3A_1149 = tpu.memref_slice %arg6[%dma_wait3A_1145, %dma_wait3A_1147, %dma_wait3A_1148] : memref<4x200x128xf32, #tpu.memory_space<vmem>> -> memref<1x72x128xf32, #tpu.memory_space<vmem>>
      %dma_wait3A_1150 = tpu.memref_squeeze %dma_wait3A_1149 : memref<1x72x128xf32, #tpu.memory_space<vmem>> -> memref<72x128xf32, #tpu.memory_space<vmem>>
      %dma_wait3A_1151 = tpu.memref_slice %arg5[%add3A_1144] : memref<25600xi32, #tpu.memory_space<vmem>> -> memref<72xi32, #tpu.memory_space<vmem>>
      %dma_wait3A_1152 = arith.constant 0 : i32
      %dma_wait3A_1153 = arith.constant 0 : i32
      %dma_wait3A_1154 = tpu.memref_slice %arg2[%dma_wait3A_1152, %dma_wait3A_1153] : memref<29599x128xf32, #tpu.memory_space<hbm>> -> memref<29599x128xf32, #tpu.memory_space<hbm>>
      %dma_wait3A_1155 = tpu.memref_slice %arg7[%dma_wait3A_1146] : memref<4x!tpu.dma_semaphore, #tpu.memory_space<semaphore_mem>> -> memref<1x!tpu.dma_semaphore, #tpu.memory_space<semaphore_mem>>
      %dma_wait3A_1156 = tpu.memref_squeeze %dma_wait3A_1155 : memref<1x!tpu.dma_semaphore, #tpu.memory_space<semaphore_mem>> -> memref<!tpu.dma_semaphore, #tpu.memory_space<semaphore_mem>>
      tpu.wait_indirect_dma semaphore(%dma_wait3A_1156 : memref<!tpu.dma_semaphore, #tpu.memory_space<semaphore_mem>>) src(%dma_wait3A_1154 : memref<29599x128xf32, #tpu.memory_space<hbm>>) dst(%dma_wait3A_1150 : memref<72x128xf32, #tpu.memory_space<vmem>>)
      %mul3A_1157 = arith.constant 4 : i32
      %mul3A_1158 = arith.muli %add3A_1124, %mul3A_1157 : i32
      %add3A_1159 = arith.addi %mul3A_2, %mul3A_1158 : i32
      %add3A_1160 = arith.constant 0 : i32
      %add3A_1161 = arith.addi %add3A_1159, %add3A_1160 : i32
      %dma_start3A_1162 = arith.constant 1 : i32
      %dma_start3A_1163 = arith.constant 1 : i32
      %dma_start3A_1164 = arith.constant 0 : i32
      %dma_start3A_1165 = arith.constant 0 : i32
      %dma_start3A_1166 = tpu.memref_slice %arg6[%dma_start3A_1162, %dma_start3A_1164, %dma_start3A_1165] : memref<4x200x128xf32, #tpu.memory_space<vmem>> -> memref<1x50x128xf32, #tpu.memory_space<vmem>>
      %dma_start3A_1167 = tpu.memref_squeeze %dma_start3A_1166 : memref<1x50x128xf32, #tpu.memory_space<vmem>> -> memref<50x128xf32, #tpu.memory_space<vmem>>
      %dma_start3A_1168 = arith.constant 0 : i32
      %dma_start3A_1169 = arith.constant 0 : i32
      %dma_start3A_1170 = tpu.memref_slice %arg4[%add3A_1161, %dma_start3A_1168, %dma_start3A_1169] : memref<16384x50x128xf32, #tpu.memory_space<hbm>> -> memref<1x50x128xf32, #tpu.memory_space<hbm>>
      %dma_start3A_1171 = tpu.memref_squeeze %dma_start3A_1170 : memref<1x50x128xf32, #tpu.memory_space<hbm>> -> memref<50x128xf32, #tpu.memory_space<hbm>>
      %dma_start3A_1172 = tpu.memref_slice %arg8[%dma_start3A_1163] : memref<4x!tpu.dma_semaphore, #tpu.memory_space<semaphore_mem>> -> memref<1x!tpu.dma_semaphore, #tpu.memory_space<semaphore_mem>>
      %dma_start3A_1173 = tpu.memref_squeeze %dma_start3A_1172 : memref<1x!tpu.dma_semaphore, #tpu.memory_space<semaphore_mem>> -> memref<!tpu.dma_semaphore, #tpu.memory_space<semaphore_mem>>
      %dma_start3A_1174 = arith.constant 0 : i32
      %dma_start3A_1175 = arith.constant 0 : i32
      %dma_start3A_1176 = tpu.memref_slice %arg4[%add3A_1161, %dma_start3A_1174, %dma_start3A_1175] : memref<16384x50x128xf32, #tpu.memory_space<hbm>> -> memref<1x50x128xf32, #tpu.memory_space<hbm>>
      %dma_start3A_1177 = tpu.memref_squeeze %dma_start3A_1176 : memref<1x50x128xf32, #tpu.memory_space<hbm>> -> memref<50x128xf32, #tpu.memory_space<hbm>>
      %dma_start3A_1178 = arith.constant 0 : i32
      %dma_start3A_1179 = arith.constant 0 : i32
      %dma_start3A_1180 = tpu.memref_slice %arg6[%dma_start3A_1162, %dma_start3A_1178, %dma_start3A_1179] : memref<4x200x128xf32, #tpu.memory_space<vmem>> -> memref<1x50x128xf32, #tpu.memory_space<vmem>>
      %dma_start3A_1181 = tpu.memref_squeeze %dma_start3A_1180 : memref<1x50x128xf32, #tpu.memory_space<vmem>> -> memref<50x128xf32, #tpu.memory_space<vmem>>
      tpu.enqueue_dma source(%dma_start3A_1181 : memref<50x128xf32, #tpu.memory_space<vmem>>) target(%dma_start3A_1177 : memref<50x128xf32, #tpu.memory_space<hbm>>) target_semaphore(%dma_start3A_1173 : memref<!tpu.dma_semaphore, #tpu.memory_space<semaphore_mem>>)
      %mul3A_1182 = arith.constant 4 : i32
      %mul3A_1183 = arith.muli %add3A_1124, %mul3A_1182 : i32
      %add3A_1184 = arith.addi %mul3A_2, %mul3A_1183 : i32
      %add3A_1185 = arith.constant 1 : i32
      %add3A_1186 = arith.addi %add3A_1184, %add3A_1185 : i32
      %dma_start3A_1187 = arith.constant 1 : i32
      %dma_start3A_1188 = arith.constant 1 : i32
      %dma_start3A_1189 = arith.constant 50 : i32
      %dma_start3A_1190 = arith.constant 0 : i32
      %dma_start3A_1191 = tpu.memref_slice %arg6[%dma_start3A_1187, %dma_start3A_1189, %dma_start3A_1190] : memref<4x200x128xf32, #tpu.memory_space<vmem>> -> memref<1x50x128xf32, #tpu.memory_space<vmem>>
      %dma_start3A_1192 = tpu.memref_squeeze %dma_start3A_1191 : memref<1x50x128xf32, #tpu.memory_space<vmem>> -> memref<50x128xf32, #tpu.memory_space<vmem>>
      %dma_start3A_1193 = arith.constant 0 : i32
      %dma_start3A_1194 = arith.constant 0 : i32
      %dma_start3A_1195 = tpu.memref_slice %arg4[%add3A_1186, %dma_start3A_1193, %dma_start3A_1194] : memref<16384x50x128xf32, #tpu.memory_space<hbm>> -> memref<1x50x128xf32, #tpu.memory_space<hbm>>
      %dma_start3A_1196 = tpu.memref_squeeze %dma_start3A_1195 : memref<1x50x128xf32, #tpu.memory_space<hbm>> -> memref<50x128xf32, #tpu.memory_space<hbm>>
      %dma_start3A_1197 = tpu.memref_slice %arg8[%dma_start3A_1188] : memref<4x!tpu.dma_semaphore, #tpu.memory_space<semaphore_mem>> -> memref<1x!tpu.dma_semaphore, #tpu.memory_space<semaphore_mem>>
      %dma_start3A_1198 = tpu.memref_squeeze %dma_start3A_1197 : memref<1x!tpu.dma_semaphore, #tpu.memory_space<semaphore_mem>> -> memref<!tpu.dma_semaphore, #tpu.memory_space<semaphore_mem>>
      %dma_start3A_1199 = arith.constant 0 : i32
      %dma_start3A_1200 = arith.constant 0 : i32
      %dma_start3A_1201 = tpu.memref_slice %arg4[%add3A_1186, %dma_start3A_1199, %dma_start3A_1200] : memref<16384x50x128xf32, #tpu.memory_space<hbm>> -> memref<1x50x128xf32, #tpu.memory_space<hbm>>
      %dma_start3A_1202 = tpu.memref_squeeze %dma_start3A_1201 : memref<1x50x128xf32, #tpu.memory_space<hbm>> -> memref<50x128xf32, #tpu.memory_space<hbm>>
      %dma_start3A_1203 = arith.constant 50 : i32
      %dma_start3A_1204 = arith.constant 0 : i32
      %dma_start3A_1205 = tpu.memref_slice %arg6[%dma_start3A_1187, %dma_start3A_1203, %dma_start3A_1204] : memref<4x200x128xf32, #tpu.memory_space<vmem>> -> memref<1x50x128xf32, #tpu.memory_space<vmem>>
      %dma_start3A_1206 = tpu.memref_squeeze %dma_start3A_1205 : memref<1x50x128xf32, #tpu.memory_space<vmem>> -> memref<50x128xf32, #tpu.memory_space<vmem>>
      tpu.enqueue_dma source(%dma_start3A_1206 : memref<50x128xf32, #tpu.memory_space<vmem>>) target(%dma_start3A_1202 : memref<50x128xf32, #tpu.memory_space<hbm>>) target_semaphore(%dma_start3A_1198 : memref<!tpu.dma_semaphore, #tpu.memory_space<semaphore_mem>>)
      %mul3A_1207 = arith.constant 4 : i32
      %mul3A_1208 = arith.muli %add3A_1124, %mul3A_1207 : i32
      %add3A_1209 = arith.addi %mul3A_2, %mul3A_1208 : i32
      %add3A_1210 = arith.constant 2 : i32
      %add3A_1211 = arith.addi %add3A_1209, %add3A_1210 : i32
      %dma_start3A_1212 = arith.constant 1 : i32
      %dma_start3A_1213 = arith.constant 1 : i32
      %dma_start3A_1214 = arith.constant 100 : i32
      %dma_start3A_1215 = arith.constant 0 : i32
      %dma_start3A_1216 = tpu.memref_slice %arg6[%dma_start3A_1212, %dma_start3A_1214, %dma_start3A_1215] : memref<4x200x128xf32, #tpu.memory_space<vmem>> -> memref<1x50x128xf32, #tpu.memory_space<vmem>>
      %dma_start3A_1217 = tpu.memref_squeeze %dma_start3A_1216 : memref<1x50x128xf32, #tpu.memory_space<vmem>> -> memref<50x128xf32, #tpu.memory_space<vmem>>
      %dma_start3A_1218 = arith.constant 0 : i32
      %dma_start3A_1219 = arith.constant 0 : i32
      %dma_start3A_1220 = tpu.memref_slice %arg4[%add3A_1211, %dma_start3A_1218, %dma_start3A_1219] : memref<16384x50x128xf32, #tpu.memory_space<hbm>> -> memref<1x50x128xf32, #tpu.memory_space<hbm>>
      %dma_start3A_1221 = tpu.memref_squeeze %dma_start3A_1220 : memref<1x50x128xf32, #tpu.memory_space<hbm>> -> memref<50x128xf32, #tpu.memory_space<hbm>>
      %dma_start3A_1222 = tpu.memref_slice %arg8[%dma_start3A_1213] : memref<4x!tpu.dma_semaphore, #tpu.memory_space<semaphore_mem>> -> memref<1x!tpu.dma_semaphore, #tpu.memory_space<semaphore_mem>>
      %dma_start3A_1223 = tpu.memref_squeeze %dma_start3A_1222 : memref<1x!tpu.dma_semaphore, #tpu.memory_space<semaphore_mem>> -> memref<!tpu.dma_semaphore, #tpu.memory_space<semaphore_mem>>
      %dma_start3A_1224 = arith.constant 0 : i32
      %dma_start3A_1225 = arith.constant 0 : i32
      %dma_start3A_1226 = tpu.memref_slice %arg4[%add3A_1211, %dma_start3A_1224, %dma_start3A_1225] : memref<16384x50x128xf32, #tpu.memory_space<hbm>> -> memref<1x50x128xf32, #tpu.memory_space<hbm>>
      %dma_start3A_1227 = tpu.memref_squeeze %dma_start3A_1226 : memref<1x50x128xf32, #tpu.memory_space<hbm>> -> memref<50x128xf32, #tpu.memory_space<hbm>>
      %dma_start3A_1228 = arith.constant 100 : i32
      %dma_start3A_1229 = arith.constant 0 : i32
      %dma_start3A_1230 = tpu.memref_slice %arg6[%dma_start3A_1212, %dma_start3A_1228, %dma_start3A_1229] : memref<4x200x128xf32, #tpu.memory_space<vmem>> -> memref<1x50x128xf32, #tpu.memory_space<vmem>>
      %dma_start3A_1231 = tpu.memref_squeeze %dma_start3A_1230 : memref<1x50x128xf32, #tpu.memory_space<vmem>> -> memref<50x128xf32, #tpu.memory_space<vmem>>
      tpu.enqueue_dma source(%dma_start3A_1231 : memref<50x128xf32, #tpu.memory_space<vmem>>) target(%dma_start3A_1227 : memref<50x128xf32, #tpu.memory_space<hbm>>) target_semaphore(%dma_start3A_1223 : memref<!tpu.dma_semaphore, #tpu.memory_space<semaphore_mem>>)
      %mul3A_1232 = arith.constant 4 : i32
      %mul3A_1233 = arith.muli %add3A_1124, %mul3A_1232 : i32
      %add3A_1234 = arith.addi %mul3A_2, %mul3A_1233 : i32
      %add3A_1235 = arith.constant 3 : i32
      %add3A_1236 = arith.addi %add3A_1234, %add3A_1235 : i32
      %dma_start3A_1237 = arith.constant 1 : i32
      %dma_start3A_1238 = arith.constant 1 : i32
      %dma_start3A_1239 = arith.constant 150 : i32
      %dma_start3A_1240 = arith.constant 0 : i32
      %dma_start3A_1241 = tpu.memref_slice %arg6[%dma_start3A_1237, %dma_start3A_1239, %dma_start3A_1240] : memref<4x200x128xf32, #tpu.memory_space<vmem>> -> memref<1x50x128xf32, #tpu.memory_space<vmem>>
      %dma_start3A_1242 = tpu.memref_squeeze %dma_start3A_1241 : memref<1x50x128xf32, #tpu.memory_space<vmem>> -> memref<50x128xf32, #tpu.memory_space<vmem>>
      %dma_start3A_1243 = arith.constant 0 : i32
      %dma_start3A_1244 = arith.constant 0 : i32
      %dma_start3A_1245 = tpu.memref_slice %arg4[%add3A_1236, %dma_start3A_1243, %dma_start3A_1244] : memref<16384x50x128xf32, #tpu.memory_space<hbm>> -> memref<1x50x128xf32, #tpu.memory_space<hbm>>
      %dma_start3A_1246 = tpu.memref_squeeze %dma_start3A_1245 : memref<1x50x128xf32, #tpu.memory_space<hbm>> -> memref<50x128xf32, #tpu.memory_space<hbm>>
      %dma_start3A_1247 = tpu.memref_slice %arg8[%dma_start3A_1238] : memref<4x!tpu.dma_semaphore, #tpu.memory_space<semaphore_mem>> -> memref<1x!tpu.dma_semaphore, #tpu.memory_space<semaphore_mem>>
      %dma_start3A_1248 = tpu.memref_squeeze %dma_start3A_1247 : memref<1x!tpu.dma_semaphore, #tpu.memory_space<semaphore_mem>> -> memref<!tpu.dma_semaphore, #tpu.memory_space<semaphore_mem>>
      %dma_start3A_1249 = arith.constant 0 : i32
      %dma_start3A_1250 = arith.constant 0 : i32
      %dma_start3A_1251 = tpu.memref_slice %arg4[%add3A_1236, %dma_start3A_1249, %dma_start3A_1250] : memref<16384x50x128xf32, #tpu.memory_space<hbm>> -> memref<1x50x128xf32, #tpu.memory_space<hbm>>
      %dma_start3A_1252 = tpu.memref_squeeze %dma_start3A_1251 : memref<1x50x128xf32, #tpu.memory_space<hbm>> -> memref<50x128xf32, #tpu.memory_space<hbm>>
      %dma_start3A_1253 = arith.constant 150 : i32
      %dma_start3A_1254 = arith.constant 0 : i32
      %dma_start3A_1255 = tpu.memref_slice %arg6[%dma_start3A_1237, %dma_start3A_1253, %dma_start3A_1254] : memref<4x200x128xf32, #tpu.memory_space<vmem>> -> memref<1x50x128xf32, #tpu.memory_space<vmem>>
      %dma_start3A_1256 = tpu.memref_squeeze %dma_start3A_1255 : memref<1x50x128xf32, #tpu.memory_space<vmem>> -> memref<50x128xf32, #tpu.memory_space<vmem>>
      tpu.enqueue_dma source(%dma_start3A_1256 : memref<50x128xf32, #tpu.memory_space<vmem>>) target(%dma_start3A_1252 : memref<50x128xf32, #tpu.memory_space<hbm>>) target_semaphore(%dma_start3A_1248 : memref<!tpu.dma_semaphore, #tpu.memory_space<semaphore_mem>>)
      %mul3A_1257 = arith.constant 4 : i32
      %mul3A_1258 = arith.muli %scan3A_983, %mul3A_1257 : i32
      %add3A_1259 = arith.constant 2 : i32
      %add3A_1260 = arith.addi %mul3A_1258, %add3A_1259 : i32
      %mul3A_1261 = arith.constant 200 : i32
      %mul3A_1262 = arith.muli %add3A_1260, %mul3A_1261 : i32
      %add3A_1263 = arith.constant 0 : i32
      %add3A_1264 = arith.addi %mul3A_1262, %add3A_1263 : i32
      %dma_wait3A_1265 = arith.constant 2 : i32
      %dma_wait3A_1266 = arith.constant 2 : i32
      %dma_wait3A_1267 = arith.constant 0 : i32
      %dma_wait3A_1268 = arith.constant 0 : i32
      %dma_wait3A_1269 = tpu.memref_slice %arg6[%dma_wait3A_1265, %dma_wait3A_1267, %dma_wait3A_1268] : memref<4x200x128xf32, #tpu.memory_space<vmem>> -> memref<1x128x128xf32, #tpu.memory_space<vmem>>
      %dma_wait3A_1270 = tpu.memref_squeeze %dma_wait3A_1269 : memref<1x128x128xf32, #tpu.memory_space<vmem>> -> memref<128x128xf32, #tpu.memory_space<vmem>>
      %dma_wait3A_1271 = tpu.memref_slice %arg5[%add3A_1264] : memref<25600xi32, #tpu.memory_space<vmem>> -> memref<128xi32, #tpu.memory_space<vmem>>
      %dma_wait3A_1272 = arith.constant 0 : i32
      %dma_wait3A_1273 = arith.constant 0 : i32
      %dma_wait3A_1274 = tpu.memref_slice %arg2[%dma_wait3A_1272, %dma_wait3A_1273] : memref<29599x128xf32, #tpu.memory_space<hbm>> -> memref<29599x128xf32, #tpu.memory_space<hbm>>
      %dma_wait3A_1275 = tpu.memref_slice %arg7[%dma_wait3A_1266] : memref<4x!tpu.dma_semaphore, #tpu.memory_space<semaphore_mem>> -> memref<1x!tpu.dma_semaphore, #tpu.memory_space<semaphore_mem>>
      %dma_wait3A_1276 = tpu.memref_squeeze %dma_wait3A_1275 : memref<1x!tpu.dma_semaphore, #tpu.memory_space<semaphore_mem>> -> memref<!tpu.dma_semaphore, #tpu.memory_space<semaphore_mem>>
      tpu.wait_indirect_dma semaphore(%dma_wait3A_1276 : memref<!tpu.dma_semaphore, #tpu.memory_space<semaphore_mem>>) src(%dma_wait3A_1274 : memref<29599x128xf32, #tpu.memory_space<hbm>>) dst(%dma_wait3A_1270 : memref<128x128xf32, #tpu.memory_space<vmem>>)
      %mul3A_1277 = arith.constant 200 : i32
      %mul3A_1278 = arith.muli %add3A_1260, %mul3A_1277 : i32
      %add3A_1279 = arith.constant 128 : i32
      %add3A_1280 = arith.addi %mul3A_1278, %add3A_1279 : i32
      %dma_wait3A_1281 = arith.constant 2 : i32
      %dma_wait3A_1282 = arith.constant 2 : i32
      %dma_wait3A_1283 = arith.constant 128 : i32
      %dma_wait3A_1284 = arith.constant 0 : i32
      %dma_wait3A_1285 = tpu.memref_slice %arg6[%dma_wait3A_1281, %dma_wait3A_1283, %dma_wait3A_1284] : memref<4x200x128xf32, #tpu.memory_space<vmem>> -> memref<1x72x128xf32, #tpu.memory_space<vmem>>
      %dma_wait3A_1286 = tpu.memref_squeeze %dma_wait3A_1285 : memref<1x72x128xf32, #tpu.memory_space<vmem>> -> memref<72x128xf32, #tpu.memory_space<vmem>>
      %dma_wait3A_1287 = tpu.memref_slice %arg5[%add3A_1280] : memref<25600xi32, #tpu.memory_space<vmem>> -> memref<72xi32, #tpu.memory_space<vmem>>
      %dma_wait3A_1288 = arith.constant 0 : i32
      %dma_wait3A_1289 = arith.constant 0 : i32
      %dma_wait3A_1290 = tpu.memref_slice %arg2[%dma_wait3A_1288, %dma_wait3A_1289] : memref<29599x128xf32, #tpu.memory_space<hbm>> -> memref<29599x128xf32, #tpu.memory_space<hbm>>
      %dma_wait3A_1291 = tpu.memref_slice %arg7[%dma_wait3A_1282] : memref<4x!tpu.dma_semaphore, #tpu.memory_space<semaphore_mem>> -> memref<1x!tpu.dma_semaphore, #tpu.memory_space<semaphore_mem>>
      %dma_wait3A_1292 = tpu.memref_squeeze %dma_wait3A_1291 : memref<1x!tpu.dma_semaphore, #tpu.memory_space<semaphore_mem>> -> memref<!tpu.dma_semaphore, #tpu.memory_space<semaphore_mem>>
      tpu.wait_indirect_dma semaphore(%dma_wait3A_1292 : memref<!tpu.dma_semaphore, #tpu.memory_space<semaphore_mem>>) src(%dma_wait3A_1290 : memref<29599x128xf32, #tpu.memory_space<hbm>>) dst(%dma_wait3A_1286 : memref<72x128xf32, #tpu.memory_space<vmem>>)
      %mul3A_1293 = arith.constant 4 : i32
      %mul3A_1294 = arith.muli %add3A_1260, %mul3A_1293 : i32
      %add3A_1295 = arith.addi %mul3A_2, %mul3A_1294 : i32
      %add3A_1296 = arith.constant 0 : i32
      %add3A_1297 = arith.addi %add3A_1295, %add3A_1296 : i32
      %dma_start3A_1298 = arith.constant 2 : i32
      %dma_start3A_1299 = arith.constant 2 : i32
      %dma_start3A_1300 = arith.constant 0 : i32
      %dma_start3A_1301 = arith.constant 0 : i32
      %dma_start3A_1302 = tpu.memref_slice %arg6[%dma_start3A_1298, %dma_start3A_1300, %dma_start3A_1301] : memref<4x200x128xf32, #tpu.memory_space<vmem>> -> memref<1x50x128xf32, #tpu.memory_space<vmem>>
      %dma_start3A_1303 = tpu.memref_squeeze %dma_start3A_1302 : memref<1x50x128xf32, #tpu.memory_space<vmem>> -> memref<50x128xf32, #tpu.memory_space<vmem>>
      %dma_start3A_1304 = arith.constant 0 : i32
      %dma_start3A_1305 = arith.constant 0 : i32
      %dma_start3A_1306 = tpu.memref_slice %arg4[%add3A_1297, %dma_start3A_1304, %dma_start3A_1305] : memref<16384x50x128xf32, #tpu.memory_space<hbm>> -> memref<1x50x128xf32, #tpu.memory_space<hbm>>
      %dma_start3A_1307 = tpu.memref_squeeze %dma_start3A_1306 : memref<1x50x128xf32, #tpu.memory_space<hbm>> -> memref<50x128xf32, #tpu.memory_space<hbm>>
      %dma_start3A_1308 = tpu.memref_slice %arg8[%dma_start3A_1299] : memref<4x!tpu.dma_semaphore, #tpu.memory_space<semaphore_mem>> -> memref<1x!tpu.dma_semaphore, #tpu.memory_space<semaphore_mem>>
      %dma_start3A_1309 = tpu.memref_squeeze %dma_start3A_1308 : memref<1x!tpu.dma_semaphore, #tpu.memory_space<semaphore_mem>> -> memref<!tpu.dma_semaphore, #tpu.memory_space<semaphore_mem>>
      %dma_start3A_1310 = arith.constant 0 : i32
      %dma_start3A_1311 = arith.constant 0 : i32
      %dma_start3A_1312 = tpu.memref_slice %arg4[%add3A_1297, %dma_start3A_1310, %dma_start3A_1311] : memref<16384x50x128xf32, #tpu.memory_space<hbm>> -> memref<1x50x128xf32, #tpu.memory_space<hbm>>
      %dma_start3A_1313 = tpu.memref_squeeze %dma_start3A_1312 : memref<1x50x128xf32, #tpu.memory_space<hbm>> -> memref<50x128xf32, #tpu.memory_space<hbm>>
      %dma_start3A_1314 = arith.constant 0 : i32
      %dma_start3A_1315 = arith.constant 0 : i32
      %dma_start3A_1316 = tpu.memref_slice %arg6[%dma_start3A_1298, %dma_start3A_1314, %dma_start3A_1315] : memref<4x200x128xf32, #tpu.memory_space<vmem>> -> memref<1x50x128xf32, #tpu.memory_space<vmem>>
      %dma_start3A_1317 = tpu.memref_squeeze %dma_start3A_1316 : memref<1x50x128xf32, #tpu.memory_space<vmem>> -> memref<50x128xf32, #tpu.memory_space<vmem>>
      tpu.enqueue_dma source(%dma_start3A_1317 : memref<50x128xf32, #tpu.memory_space<vmem>>) target(%dma_start3A_1313 : memref<50x128xf32, #tpu.memory_space<hbm>>) target_semaphore(%dma_start3A_1309 : memref<!tpu.dma_semaphore, #tpu.memory_space<semaphore_mem>>)
      %mul3A_1318 = arith.constant 4 : i32
      %mul3A_1319 = arith.muli %add3A_1260, %mul3A_1318 : i32
      %add3A_1320 = arith.addi %mul3A_2, %mul3A_1319 : i32
      %add3A_1321 = arith.constant 1 : i32
      %add3A_1322 = arith.addi %add3A_1320, %add3A_1321 : i32
      %dma_start3A_1323 = arith.constant 2 : i32
      %dma_start3A_1324 = arith.constant 2 : i32
      %dma_start3A_1325 = arith.constant 50 : i32
      %dma_start3A_1326 = arith.constant 0 : i32
      %dma_start3A_1327 = tpu.memref_slice %arg6[%dma_start3A_1323, %dma_start3A_1325, %dma_start3A_1326] : memref<4x200x128xf32, #tpu.memory_space<vmem>> -> memref<1x50x128xf32, #tpu.memory_space<vmem>>
      %dma_start3A_1328 = tpu.memref_squeeze %dma_start3A_1327 : memref<1x50x128xf32, #tpu.memory_space<vmem>> -> memref<50x128xf32, #tpu.memory_space<vmem>>
      %dma_start3A_1329 = arith.constant 0 : i32
      %dma_start3A_1330 = arith.constant 0 : i32
      %dma_start3A_1331 = tpu.memref_slice %arg4[%add3A_1322, %dma_start3A_1329, %dma_start3A_1330] : memref<16384x50x128xf32, #tpu.memory_space<hbm>> -> memref<1x50x128xf32, #tpu.memory_space<hbm>>
      %dma_start3A_1332 = tpu.memref_squeeze %dma_start3A_1331 : memref<1x50x128xf32, #tpu.memory_space<hbm>> -> memref<50x128xf32, #tpu.memory_space<hbm>>
      %dma_start3A_1333 = tpu.memref_slice %arg8[%dma_start3A_1324] : memref<4x!tpu.dma_semaphore, #tpu.memory_space<semaphore_mem>> -> memref<1x!tpu.dma_semaphore, #tpu.memory_space<semaphore_mem>>
      %dma_start3A_1334 = tpu.memref_squeeze %dma_start3A_1333 : memref<1x!tpu.dma_semaphore, #tpu.memory_space<semaphore_mem>> -> memref<!tpu.dma_semaphore, #tpu.memory_space<semaphore_mem>>
      %dma_start3A_1335 = arith.constant 0 : i32
      %dma_start3A_1336 = arith.constant 0 : i32
      %dma_start3A_1337 = tpu.memref_slice %arg4[%add3A_1322, %dma_start3A_1335, %dma_start3A_1336] : memref<16384x50x128xf32, #tpu.memory_space<hbm>> -> memref<1x50x128xf32, #tpu.memory_space<hbm>>
      %dma_start3A_1338 = tpu.memref_squeeze %dma_start3A_1337 : memref<1x50x128xf32, #tpu.memory_space<hbm>> -> memref<50x128xf32, #tpu.memory_space<hbm>>
      %dma_start3A_1339 = arith.constant 50 : i32
      %dma_start3A_1340 = arith.constant 0 : i32
      %dma_start3A_1341 = tpu.memref_slice %arg6[%dma_start3A_1323, %dma_start3A_1339, %dma_start3A_1340] : memref<4x200x128xf32, #tpu.memory_space<vmem>> -> memref<1x50x128xf32, #tpu.memory_space<vmem>>
      %dma_start3A_1342 = tpu.memref_squeeze %dma_start3A_1341 : memref<1x50x128xf32, #tpu.memory_space<vmem>> -> memref<50x128xf32, #tpu.memory_space<vmem>>
      tpu.enqueue_dma source(%dma_start3A_1342 : memref<50x128xf32, #tpu.memory_space<vmem>>) target(%dma_start3A_1338 : memref<50x128xf32, #tpu.memory_space<hbm>>) target_semaphore(%dma_start3A_1334 : memref<!tpu.dma_semaphore, #tpu.memory_space<semaphore_mem>>)
      %mul3A_1343 = arith.constant 4 : i32
      %mul3A_1344 = arith.muli %add3A_1260, %mul3A_1343 : i32
      %add3A_1345 = arith.addi %mul3A_2, %mul3A_1344 : i32
      %add3A_1346 = arith.constant 2 : i32
      %add3A_1347 = arith.addi %add3A_1345, %add3A_1346 : i32
      %dma_start3A_1348 = arith.constant 2 : i32
      %dma_start3A_1349 = arith.constant 2 : i32
      %dma_start3A_1350 = arith.constant 100 : i32
      %dma_start3A_1351 = arith.constant 0 : i32
      %dma_start3A_1352 = tpu.memref_slice %arg6[%dma_start3A_1348, %dma_start3A_1350, %dma_start3A_1351] : memref<4x200x128xf32, #tpu.memory_space<vmem>> -> memref<1x50x128xf32, #tpu.memory_space<vmem>>
      %dma_start3A_1353 = tpu.memref_squeeze %dma_start3A_1352 : memref<1x50x128xf32, #tpu.memory_space<vmem>> -> memref<50x128xf32, #tpu.memory_space<vmem>>
      %dma_start3A_1354 = arith.constant 0 : i32
      %dma_start3A_1355 = arith.constant 0 : i32
      %dma_start3A_1356 = tpu.memref_slice %arg4[%add3A_1347, %dma_start3A_1354, %dma_start3A_1355] : memref<16384x50x128xf32, #tpu.memory_space<hbm>> -> memref<1x50x128xf32, #tpu.memory_space<hbm>>
      %dma_start3A_1357 = tpu.memref_squeeze %dma_start3A_1356 : memref<1x50x128xf32, #tpu.memory_space<hbm>> -> memref<50x128xf32, #tpu.memory_space<hbm>>
      %dma_start3A_1358 = tpu.memref_slice %arg8[%dma_start3A_1349] : memref<4x!tpu.dma_semaphore, #tpu.memory_space<semaphore_mem>> -> memref<1x!tpu.dma_semaphore, #tpu.memory_space<semaphore_mem>>
      %dma_start3A_1359 = tpu.memref_squeeze %dma_start3A_1358 : memref<1x!tpu.dma_semaphore, #tpu.memory_space<semaphore_mem>> -> memref<!tpu.dma_semaphore, #tpu.memory_space<semaphore_mem>>
      %dma_start3A_1360 = arith.constant 0 : i32
      %dma_start3A_1361 = arith.constant 0 : i32
      %dma_start3A_1362 = tpu.memref_slice %arg4[%add3A_1347, %dma_start3A_1360, %dma_start3A_1361] : memref<16384x50x128xf32, #tpu.memory_space<hbm>> -> memref<1x50x128xf32, #tpu.memory_space<hbm>>
      %dma_start3A_1363 = tpu.memref_squeeze %dma_start3A_1362 : memref<1x50x128xf32, #tpu.memory_space<hbm>> -> memref<50x128xf32, #tpu.memory_space<hbm>>
      %dma_start3A_1364 = arith.constant 100 : i32
      %dma_start3A_1365 = arith.constant 0 : i32
      %dma_start3A_1366 = tpu.memref_slice %arg6[%dma_start3A_1348, %dma_start3A_1364, %dma_start3A_1365] : memref<4x200x128xf32, #tpu.memory_space<vmem>> -> memref<1x50x128xf32, #tpu.memory_space<vmem>>
      %dma_start3A_1367 = tpu.memref_squeeze %dma_start3A_1366 : memref<1x50x128xf32, #tpu.memory_space<vmem>> -> memref<50x128xf32, #tpu.memory_space<vmem>>
      tpu.enqueue_dma source(%dma_start3A_1367 : memref<50x128xf32, #tpu.memory_space<vmem>>) target(%dma_start3A_1363 : memref<50x128xf32, #tpu.memory_space<hbm>>) target_semaphore(%dma_start3A_1359 : memref<!tpu.dma_semaphore, #tpu.memory_space<semaphore_mem>>)
      %mul3A_1368 = arith.constant 4 : i32
      %mul3A_1369 = arith.muli %add3A_1260, %mul3A_1368 : i32
      %add3A_1370 = arith.addi %mul3A_2, %mul3A_1369 : i32
      %add3A_1371 = arith.constant 3 : i32
      %add3A_1372 = arith.addi %add3A_1370, %add3A_1371 : i32
      %dma_start3A_1373 = arith.constant 2 : i32
      %dma_start3A_1374 = arith.constant 2 : i32
      %dma_start3A_1375 = arith.constant 150 : i32
      %dma_start3A_1376 = arith.constant 0 : i32
      %dma_start3A_1377 = tpu.memref_slice %arg6[%dma_start3A_1373, %dma_start3A_1375, %dma_start3A_1376] : memref<4x200x128xf32, #tpu.memory_space<vmem>> -> memref<1x50x128xf32, #tpu.memory_space<vmem>>
      %dma_start3A_1378 = tpu.memref_squeeze %dma_start3A_1377 : memref<1x50x128xf32, #tpu.memory_space<vmem>> -> memref<50x128xf32, #tpu.memory_space<vmem>>
      %dma_start3A_1379 = arith.constant 0 : i32
      %dma_start3A_1380 = arith.constant 0 : i32
      %dma_start3A_1381 = tpu.memref_slice %arg4[%add3A_1372, %dma_start3A_1379, %dma_start3A_1380] : memref<16384x50x128xf32, #tpu.memory_space<hbm>> -> memref<1x50x128xf32, #tpu.memory_space<hbm>>
      %dma_start3A_1382 = tpu.memref_squeeze %dma_start3A_1381 : memref<1x50x128xf32, #tpu.memory_space<hbm>> -> memref<50x128xf32, #tpu.memory_space<hbm>>
      %dma_start3A_1383 = tpu.memref_slice %arg8[%dma_start3A_1374] : memref<4x!tpu.dma_semaphore, #tpu.memory_space<semaphore_mem>> -> memref<1x!tpu.dma_semaphore, #tpu.memory_space<semaphore_mem>>
      %dma_start3A_1384 = tpu.memref_squeeze %dma_start3A_1383 : memref<1x!tpu.dma_semaphore, #tpu.memory_space<semaphore_mem>> -> memref<!tpu.dma_semaphore, #tpu.memory_space<semaphore_mem>>
      %dma_start3A_1385 = arith.constant 0 : i32
      %dma_start3A_1386 = arith.constant 0 : i32
      %dma_start3A_1387 = tpu.memref_slice %arg4[%add3A_1372, %dma_start3A_1385, %dma_start3A_1386] : memref<16384x50x128xf32, #tpu.memory_space<hbm>> -> memref<1x50x128xf32, #tpu.memory_space<hbm>>
      %dma_start3A_1388 = tpu.memref_squeeze %dma_start3A_1387 : memref<1x50x128xf32, #tpu.memory_space<hbm>> -> memref<50x128xf32, #tpu.memory_space<hbm>>
      %dma_start3A_1389 = arith.constant 150 : i32
      %dma_start3A_1390 = arith.constant 0 : i32
      %dma_start3A_1391 = tpu.memref_slice %arg6[%dma_start3A_1373, %dma_start3A_1389, %dma_start3A_1390] : memref<4x200x128xf32, #tpu.memory_space<vmem>> -> memref<1x50x128xf32, #tpu.memory_space<vmem>>
      %dma_start3A_1392 = tpu.memref_squeeze %dma_start3A_1391 : memref<1x50x128xf32, #tpu.memory_space<vmem>> -> memref<50x128xf32, #tpu.memory_space<vmem>>
      tpu.enqueue_dma source(%dma_start3A_1392 : memref<50x128xf32, #tpu.memory_space<vmem>>) target(%dma_start3A_1388 : memref<50x128xf32, #tpu.memory_space<hbm>>) target_semaphore(%dma_start3A_1384 : memref<!tpu.dma_semaphore, #tpu.memory_space<semaphore_mem>>)
      %mul3A_1393 = arith.constant 4 : i32
      %mul3A_1394 = arith.muli %scan3A_983, %mul3A_1393 : i32
      %add3A_1395 = arith.constant 3 : i32
      %add3A_1396 = arith.addi %mul3A_1394, %add3A_1395 : i32
      %mul3A_1397 = arith.constant 200 : i32
      %mul3A_1398 = arith.muli %add3A_1396, %mul3A_1397 : i32
      %add3A_1399 = arith.constant 0 : i32
      %add3A_1400 = arith.addi %mul3A_1398, %add3A_1399 : i32
      %dma_wait3A_1401 = arith.constant 3 : i32
      %dma_wait3A_1402 = arith.constant 3 : i32
      %dma_wait3A_1403 = arith.constant 0 : i32
      %dma_wait3A_1404 = arith.constant 0 : i32
      %dma_wait3A_1405 = tpu.memref_slice %arg6[%dma_wait3A_1401, %dma_wait3A_1403, %dma_wait3A_1404] : memref<4x200x128xf32, #tpu.memory_space<vmem>> -> memref<1x128x128xf32, #tpu.memory_space<vmem>>
      %dma_wait3A_1406 = tpu.memref_squeeze %dma_wait3A_1405 : memref<1x128x128xf32, #tpu.memory_space<vmem>> -> memref<128x128xf32, #tpu.memory_space<vmem>>
      %dma_wait3A_1407 = tpu.memref_slice %arg5[%add3A_1400] : memref<25600xi32, #tpu.memory_space<vmem>> -> memref<128xi32, #tpu.memory_space<vmem>>
      %dma_wait3A_1408 = arith.constant 0 : i32
      %dma_wait3A_1409 = arith.constant 0 : i32
      %dma_wait3A_1410 = tpu.memref_slice %arg2[%dma_wait3A_1408, %dma_wait3A_1409] : memref<29599x128xf32, #tpu.memory_space<hbm>> -> memref<29599x128xf32, #tpu.memory_space<hbm>>
      %dma_wait3A_1411 = tpu.memref_slice %arg7[%dma_wait3A_1402] : memref<4x!tpu.dma_semaphore, #tpu.memory_space<semaphore_mem>> -> memref<1x!tpu.dma_semaphore, #tpu.memory_space<semaphore_mem>>
      %dma_wait3A_1412 = tpu.memref_squeeze %dma_wait3A_1411 : memref<1x!tpu.dma_semaphore, #tpu.memory_space<semaphore_mem>> -> memref<!tpu.dma_semaphore, #tpu.memory_space<semaphore_mem>>
      tpu.wait_indirect_dma semaphore(%dma_wait3A_1412 : memref<!tpu.dma_semaphore, #tpu.memory_space<semaphore_mem>>) src(%dma_wait3A_1410 : memref<29599x128xf32, #tpu.memory_space<hbm>>) dst(%dma_wait3A_1406 : memref<128x128xf32, #tpu.memory_space<vmem>>)
      %mul3A_1413 = arith.constant 200 : i32
      %mul3A_1414 = arith.muli %add3A_1396, %mul3A_1413 : i32
      %add3A_1415 = arith.constant 128 : i32
      %add3A_1416 = arith.addi %mul3A_1414, %add3A_1415 : i32
      %dma_wait3A_1417 = arith.constant 3 : i32
      %dma_wait3A_1418 = arith.constant 3 : i32
      %dma_wait3A_1419 = arith.constant 128 : i32
      %dma_wait3A_1420 = arith.constant 0 : i32
      %dma_wait3A_1421 = tpu.memref_slice %arg6[%dma_wait3A_1417, %dma_wait3A_1419, %dma_wait3A_1420] : memref<4x200x128xf32, #tpu.memory_space<vmem>> -> memref<1x72x128xf32, #tpu.memory_space<vmem>>
      %dma_wait3A_1422 = tpu.memref_squeeze %dma_wait3A_1421 : memref<1x72x128xf32, #tpu.memory_space<vmem>> -> memref<72x128xf32, #tpu.memory_space<vmem>>
      %dma_wait3A_1423 = tpu.memref_slice %arg5[%add3A_1416] : memref<25600xi32, #tpu.memory_space<vmem>> -> memref<72xi32, #tpu.memory_space<vmem>>
      %dma_wait3A_1424 = arith.constant 0 : i32
      %dma_wait3A_1425 = arith.constant 0 : i32
      %dma_wait3A_1426 = tpu.memref_slice %arg2[%dma_wait3A_1424, %dma_wait3A_1425] : memref<29599x128xf32, #tpu.memory_space<hbm>> -> memref<29599x128xf32, #tpu.memory_space<hbm>>
      %dma_wait3A_1427 = tpu.memref_slice %arg7[%dma_wait3A_1418] : memref<4x!tpu.dma_semaphore, #tpu.memory_space<semaphore_mem>> -> memref<1x!tpu.dma_semaphore, #tpu.memory_space<semaphore_mem>>
      %dma_wait3A_1428 = tpu.memref_squeeze %dma_wait3A_1427 : memref<1x!tpu.dma_semaphore, #tpu.memory_space<semaphore_mem>> -> memref<!tpu.dma_semaphore, #tpu.memory_space<semaphore_mem>>
      tpu.wait_indirect_dma semaphore(%dma_wait3A_1428 : memref<!tpu.dma_semaphore, #tpu.memory_space<semaphore_mem>>) src(%dma_wait3A_1426 : memref<29599x128xf32, #tpu.memory_space<hbm>>) dst(%dma_wait3A_1422 : memref<72x128xf32, #tpu.memory_space<vmem>>)
      %mul3A_1429 = arith.constant 4 : i32
      %mul3A_1430 = arith.muli %add3A_1396, %mul3A_1429 : i32
      %add3A_1431 = arith.addi %mul3A_2, %mul3A_1430 : i32
      %add3A_1432 = arith.constant 0 : i32
      %add3A_1433 = arith.addi %add3A_1431, %add3A_1432 : i32
      %dma_start3A_1434 = arith.constant 3 : i32
      %dma_start3A_1435 = arith.constant 3 : i32
      %dma_start3A_1436 = arith.constant 0 : i32
      %dma_start3A_1437 = arith.constant 0 : i32
      %dma_start3A_1438 = tpu.memref_slice %arg6[%dma_start3A_1434, %dma_start3A_1436, %dma_start3A_1437] : memref<4x200x128xf32, #tpu.memory_space<vmem>> -> memref<1x50x128xf32, #tpu.memory_space<vmem>>
      %dma_start3A_1439 = tpu.memref_squeeze %dma_start3A_1438 : memref<1x50x128xf32, #tpu.memory_space<vmem>> -> memref<50x128xf32, #tpu.memory_space<vmem>>
      %dma_start3A_1440 = arith.constant 0 : i32
      %dma_start3A_1441 = arith.constant 0 : i32
      %dma_start3A_1442 = tpu.memref_slice %arg4[%add3A_1433, %dma_start3A_1440, %dma_start3A_1441] : memref<16384x50x128xf32, #tpu.memory_space<hbm>> -> memref<1x50x128xf32, #tpu.memory_space<hbm>>
      %dma_start3A_1443 = tpu.memref_squeeze %dma_start3A_1442 : memref<1x50x128xf32, #tpu.memory_space<hbm>> -> memref<50x128xf32, #tpu.memory_space<hbm>>
      %dma_start3A_1444 = tpu.memref_slice %arg8[%dma_start3A_1435] : memref<4x!tpu.dma_semaphore, #tpu.memory_space<semaphore_mem>> -> memref<1x!tpu.dma_semaphore, #tpu.memory_space<semaphore_mem>>
      %dma_start3A_1445 = tpu.memref_squeeze %dma_start3A_1444 : memref<1x!tpu.dma_semaphore, #tpu.memory_space<semaphore_mem>> -> memref<!tpu.dma_semaphore, #tpu.memory_space<semaphore_mem>>
      %dma_start3A_1446 = arith.constant 0 : i32
      %dma_start3A_1447 = arith.constant 0 : i32
      %dma_start3A_1448 = tpu.memref_slice %arg4[%add3A_1433, %dma_start3A_1446, %dma_start3A_1447] : memref<16384x50x128xf32, #tpu.memory_space<hbm>> -> memref<1x50x128xf32, #tpu.memory_space<hbm>>
      %dma_start3A_1449 = tpu.memref_squeeze %dma_start3A_1448 : memref<1x50x128xf32, #tpu.memory_space<hbm>> -> memref<50x128xf32, #tpu.memory_space<hbm>>
      %dma_start3A_1450 = arith.constant 0 : i32
      %dma_start3A_1451 = arith.constant 0 : i32
      %dma_start3A_1452 = tpu.memref_slice %arg6[%dma_start3A_1434, %dma_start3A_1450, %dma_start3A_1451] : memref<4x200x128xf32, #tpu.memory_space<vmem>> -> memref<1x50x128xf32, #tpu.memory_space<vmem>>
      %dma_start3A_1453 = tpu.memref_squeeze %dma_start3A_1452 : memref<1x50x128xf32, #tpu.memory_space<vmem>> -> memref<50x128xf32, #tpu.memory_space<vmem>>
      tpu.enqueue_dma source(%dma_start3A_1453 : memref<50x128xf32, #tpu.memory_space<vmem>>) target(%dma_start3A_1449 : memref<50x128xf32, #tpu.memory_space<hbm>>) target_semaphore(%dma_start3A_1445 : memref<!tpu.dma_semaphore, #tpu.memory_space<semaphore_mem>>)
      %mul3A_1454 = arith.constant 4 : i32
      %mul3A_1455 = arith.muli %add3A_1396, %mul3A_1454 : i32
      %add3A_1456 = arith.addi %mul3A_2, %mul3A_1455 : i32
      %add3A_1457 = arith.constant 1 : i32
      %add3A_1458 = arith.addi %add3A_1456, %add3A_1457 : i32
      %dma_start3A_1459 = arith.constant 3 : i32
      %dma_start3A_1460 = arith.constant 3 : i32
      %dma_start3A_1461 = arith.constant 50 : i32
      %dma_start3A_1462 = arith.constant 0 : i32
      %dma_start3A_1463 = tpu.memref_slice %arg6[%dma_start3A_1459, %dma_start3A_1461, %dma_start3A_1462] : memref<4x200x128xf32, #tpu.memory_space<vmem>> -> memref<1x50x128xf32, #tpu.memory_space<vmem>>
      %dma_start3A_1464 = tpu.memref_squeeze %dma_start3A_1463 : memref<1x50x128xf32, #tpu.memory_space<vmem>> -> memref<50x128xf32, #tpu.memory_space<vmem>>
      %dma_start3A_1465 = arith.constant 0 : i32
      %dma_start3A_1466 = arith.constant 0 : i32
      %dma_start3A_1467 = tpu.memref_slice %arg4[%add3A_1458, %dma_start3A_1465, %dma_start3A_1466] : memref<16384x50x128xf32, #tpu.memory_space<hbm>> -> memref<1x50x128xf32, #tpu.memory_space<hbm>>
      %dma_start3A_1468 = tpu.memref_squeeze %dma_start3A_1467 : memref<1x50x128xf32, #tpu.memory_space<hbm>> -> memref<50x128xf32, #tpu.memory_space<hbm>>
      %dma_start3A_1469 = tpu.memref_slice %arg8[%dma_start3A_1460] : memref<4x!tpu.dma_semaphore, #tpu.memory_space<semaphore_mem>> -> memref<1x!tpu.dma_semaphore, #tpu.memory_space<semaphore_mem>>
      %dma_start3A_1470 = tpu.memref_squeeze %dma_start3A_1469 : memref<1x!tpu.dma_semaphore, #tpu.memory_space<semaphore_mem>> -> memref<!tpu.dma_semaphore, #tpu.memory_space<semaphore_mem>>
      %dma_start3A_1471 = arith.constant 0 : i32
      %dma_start3A_1472 = arith.constant 0 : i32
      %dma_start3A_1473 = tpu.memref_slice %arg4[%add3A_1458, %dma_start3A_1471, %dma_start3A_1472] : memref<16384x50x128xf32, #tpu.memory_space<hbm>> -> memref<1x50x128xf32, #tpu.memory_space<hbm>>
      %dma_start3A_1474 = tpu.memref_squeeze %dma_start3A_1473 : memref<1x50x128xf32, #tpu.memory_space<hbm>> -> memref<50x128xf32, #tpu.memory_space<hbm>>
      %dma_start3A_1475 = arith.constant 50 : i32
      %dma_start3A_1476 = arith.constant 0 : i32
      %dma_start3A_1477 = tpu.memref_slice %arg6[%dma_start3A_1459, %dma_start3A_1475, %dma_start3A_1476] : memref<4x200x128xf32, #tpu.memory_space<vmem>> -> memref<1x50x128xf32, #tpu.memory_space<vmem>>
      %dma_start3A_1478 = tpu.memref_squeeze %dma_start3A_1477 : memref<1x50x128xf32, #tpu.memory_space<vmem>> -> memref<50x128xf32, #tpu.memory_space<vmem>>
      tpu.enqueue_dma source(%dma_start3A_1478 : memref<50x128xf32, #tpu.memory_space<vmem>>) target(%dma_start3A_1474 : memref<50x128xf32, #tpu.memory_space<hbm>>) target_semaphore(%dma_start3A_1470 : memref<!tpu.dma_semaphore, #tpu.memory_space<semaphore_mem>>)
      %mul3A_1479 = arith.constant 4 : i32
      %mul3A_1480 = arith.muli %add3A_1396, %mul3A_1479 : i32
      %add3A_1481 = arith.addi %mul3A_2, %mul3A_1480 : i32
      %add3A_1482 = arith.constant 2 : i32
      %add3A_1483 = arith.addi %add3A_1481, %add3A_1482 : i32
      %dma_start3A_1484 = arith.constant 3 : i32
      %dma_start3A_1485 = arith.constant 3 : i32
      %dma_start3A_1486 = arith.constant 100 : i32
      %dma_start3A_1487 = arith.constant 0 : i32
      %dma_start3A_1488 = tpu.memref_slice %arg6[%dma_start3A_1484, %dma_start3A_1486, %dma_start3A_1487] : memref<4x200x128xf32, #tpu.memory_space<vmem>> -> memref<1x50x128xf32, #tpu.memory_space<vmem>>
      %dma_start3A_1489 = tpu.memref_squeeze %dma_start3A_1488 : memref<1x50x128xf32, #tpu.memory_space<vmem>> -> memref<50x128xf32, #tpu.memory_space<vmem>>
      %dma_start3A_1490 = arith.constant 0 : i32
      %dma_start3A_1491 = arith.constant 0 : i32
      %dma_start3A_1492 = tpu.memref_slice %arg4[%add3A_1483, %dma_start3A_1490, %dma_start3A_1491] : memref<16384x50x128xf32, #tpu.memory_space<hbm>> -> memref<1x50x128xf32, #tpu.memory_space<hbm>>
      %dma_start3A_1493 = tpu.memref_squeeze %dma_start3A_1492 : memref<1x50x128xf32, #tpu.memory_space<hbm>> -> memref<50x128xf32, #tpu.memory_space<hbm>>
      %dma_start3A_1494 = tpu.memref_slice %arg8[%dma_start3A_1485] : memref<4x!tpu.dma_semaphore, #tpu.memory_space<semaphore_mem>> -> memref<1x!tpu.dma_semaphore, #tpu.memory_space<semaphore_mem>>
      %dma_start3A_1495 = tpu.memref_squeeze %dma_start3A_1494 : memref<1x!tpu.dma_semaphore, #tpu.memory_space<semaphore_mem>> -> memref<!tpu.dma_semaphore, #tpu.memory_space<semaphore_mem>>
      %dma_start3A_1496 = arith.constant 0 : i32
      %dma_start3A_1497 = arith.constant 0 : i32
      %dma_start3A_1498 = tpu.memref_slice %arg4[%add3A_1483, %dma_start3A_1496, %dma_start3A_1497] : memref<16384x50x128xf32, #tpu.memory_space<hbm>> -> memref<1x50x128xf32, #tpu.memory_space<hbm>>
      %dma_start3A_1499 = tpu.memref_squeeze %dma_start3A_1498 : memref<1x50x128xf32, #tpu.memory_space<hbm>> -> memref<50x128xf32, #tpu.memory_space<hbm>>
      %dma_start3A_1500 = arith.constant 100 : i32
      %dma_start3A_1501 = arith.constant 0 : i32
      %dma_start3A_1502 = tpu.memref_slice %arg6[%dma_start3A_1484, %dma_start3A_1500, %dma_start3A_1501] : memref<4x200x128xf32, #tpu.memory_space<vmem>> -> memref<1x50x128xf32, #tpu.memory_space<vmem>>
      %dma_start3A_1503 = tpu.memref_squeeze %dma_start3A_1502 : memref<1x50x128xf32, #tpu.memory_space<vmem>> -> memref<50x128xf32, #tpu.memory_space<vmem>>
      tpu.enqueue_dma source(%dma_start3A_1503 : memref<50x128xf32, #tpu.memory_space<vmem>>) target(%dma_start3A_1499 : memref<50x128xf32, #tpu.memory_space<hbm>>) target_semaphore(%dma_start3A_1495 : memref<!tpu.dma_semaphore, #tpu.memory_space<semaphore_mem>>)
      %mul3A_1504 = arith.constant 4 : i32
      %mul3A_1505 = arith.muli %add3A_1396, %mul3A_1504 : i32
      %add3A_1506 = arith.addi %mul3A_2, %mul3A_1505 : i32
      %add3A_1507 = arith.constant 3 : i32
      %add3A_1508 = arith.addi %add3A_1506, %add3A_1507 : i32
      %dma_start3A_1509 = arith.constant 3 : i32
      %dma_start3A_1510 = arith.constant 3 : i32
      %dma_start3A_1511 = arith.constant 150 : i32
      %dma_start3A_1512 = arith.constant 0 : i32
      %dma_start3A_1513 = tpu.memref_slice %arg6[%dma_start3A_1509, %dma_start3A_1511, %dma_start3A_1512] : memref<4x200x128xf32, #tpu.memory_space<vmem>> -> memref<1x50x128xf32, #tpu.memory_space<vmem>>
      %dma_start3A_1514 = tpu.memref_squeeze %dma_start3A_1513 : memref<1x50x128xf32, #tpu.memory_space<vmem>> -> memref<50x128xf32, #tpu.memory_space<vmem>>
      %dma_start3A_1515 = arith.constant 0 : i32
      %dma_start3A_1516 = arith.constant 0 : i32
      %dma_start3A_1517 = tpu.memref_slice %arg4[%add3A_1508, %dma_start3A_1515, %dma_start3A_1516] : memref<16384x50x128xf32, #tpu.memory_space<hbm>> -> memref<1x50x128xf32, #tpu.memory_space<hbm>>
      %dma_start3A_1518 = tpu.memref_squeeze %dma_start3A_1517 : memref<1x50x128xf32, #tpu.memory_space<hbm>> -> memref<50x128xf32, #tpu.memory_space<hbm>>
      %dma_start3A_1519 = tpu.memref_slice %arg8[%dma_start3A_1510] : memref<4x!tpu.dma_semaphore, #tpu.memory_space<semaphore_mem>> -> memref<1x!tpu.dma_semaphore, #tpu.memory_space<semaphore_mem>>
      %dma_start3A_1520 = tpu.memref_squeeze %dma_start3A_1519 : memref<1x!tpu.dma_semaphore, #tpu.memory_space<semaphore_mem>> -> memref<!tpu.dma_semaphore, #tpu.memory_space<semaphore_mem>>
      %dma_start3A_1521 = arith.constant 0 : i32
      %dma_start3A_1522 = arith.constant 0 : i32
      %dma_start3A_1523 = tpu.memref_slice %arg4[%add3A_1508, %dma_start3A_1521, %dma_start3A_1522] : memref<16384x50x128xf32, #tpu.memory_space<hbm>> -> memref<1x50x128xf32, #tpu.memory_space<hbm>>
      %dma_start3A_1524 = tpu.memref_squeeze %dma_start3A_1523 : memref<1x50x128xf32, #tpu.memory_space<hbm>> -> memref<50x128xf32, #tpu.memory_space<hbm>>
      %dma_start3A_1525 = arith.constant 150 : i32
      %dma_start3A_1526 = arith.constant 0 : i32
      %dma_start3A_1527 = tpu.memref_slice %arg6[%dma_start3A_1509, %dma_start3A_1525, %dma_start3A_1526] : memref<4x200x128xf32, #tpu.memory_space<vmem>> -> memref<1x50x128xf32, #tpu.memory_space<vmem>>
      %dma_start3A_1528 = tpu.memref_squeeze %dma_start3A_1527 : memref<1x50x128xf32, #tpu.memory_space<vmem>> -> memref<50x128xf32, #tpu.memory_space<vmem>>
      tpu.enqueue_dma source(%dma_start3A_1528 : memref<50x128xf32, #tpu.memory_space<vmem>>) target(%dma_start3A_1524 : memref<50x128xf32, #tpu.memory_space<hbm>>) target_semaphore(%dma_start3A_1520 : memref<!tpu.dma_semaphore, #tpu.memory_space<semaphore_mem>>)
      %mul3A_1529 = arith.constant 4 : i32
      %mul3A_1530 = arith.muli %scan3A_983, %mul3A_1529 : i32
      %add3A_1531 = arith.constant 0 : i32
      %add3A_1532 = arith.addi %mul3A_1530, %add3A_1531 : i32
      %mul3A_1533 = arith.constant 4 : i32
      %mul3A_1534 = arith.muli %add3A_1532, %mul3A_1533 : i32
      %add3A_1535 = arith.addi %mul3A_2, %mul3A_1534 : i32
      %add3A_1536 = arith.constant 0 : i32
      %add3A_1537 = arith.addi %add3A_1535, %add3A_1536 : i32
      %dma_wait3A_1538 = arith.constant 0 : i32
      %dma_wait3A_1539 = arith.constant 0 : i32
      %dma_wait3A_1540 = arith.constant 0 : i32
      %dma_wait3A_1541 = arith.constant 0 : i32
      %dma_wait3A_1542 = tpu.memref_slice %arg6[%dma_wait3A_1538, %dma_wait3A_1540, %dma_wait3A_1541] : memref<4x200x128xf32, #tpu.memory_space<vmem>> -> memref<1x50x128xf32, #tpu.memory_space<vmem>>
      %dma_wait3A_1543 = tpu.memref_squeeze %dma_wait3A_1542 : memref<1x50x128xf32, #tpu.memory_space<vmem>> -> memref<50x128xf32, #tpu.memory_space<vmem>>
      %dma_wait3A_1544 = arith.constant 0 : i32
      %dma_wait3A_1545 = arith.constant 0 : i32
      %dma_wait3A_1546 = tpu.memref_slice %arg4[%add3A_1537, %dma_wait3A_1544, %dma_wait3A_1545] : memref<16384x50x128xf32, #tpu.memory_space<hbm>> -> memref<1x50x128xf32, #tpu.memory_space<hbm>>
      %dma_wait3A_1547 = tpu.memref_squeeze %dma_wait3A_1546 : memref<1x50x128xf32, #tpu.memory_space<hbm>> -> memref<50x128xf32, #tpu.memory_space<hbm>>
      %dma_wait3A_1548 = tpu.memref_slice %arg8[%dma_wait3A_1539] : memref<4x!tpu.dma_semaphore, #tpu.memory_space<semaphore_mem>> -> memref<1x!tpu.dma_semaphore, #tpu.memory_space<semaphore_mem>>
      %dma_wait3A_1549 = tpu.memref_squeeze %dma_wait3A_1548 : memref<1x!tpu.dma_semaphore, #tpu.memory_space<semaphore_mem>> -> memref<!tpu.dma_semaphore, #tpu.memory_space<semaphore_mem>>
      %dma_wait3A_1550 = arith.constant 0 : i32
      %dma_wait3A_1551 = arith.constant 0 : i32
      %dma_wait3A_1552 = tpu.memref_slice %arg4[%add3A_1537, %dma_wait3A_1550, %dma_wait3A_1551] : memref<16384x50x128xf32, #tpu.memory_space<hbm>> -> memref<1x50x128xf32, #tpu.memory_space<hbm>>
      %dma_wait3A_1553 = tpu.memref_squeeze %dma_wait3A_1552 : memref<1x50x128xf32, #tpu.memory_space<hbm>> -> memref<50x128xf32, #tpu.memory_space<hbm>>
      %dma_wait3A_1554 = arith.constant 0 : i32
      %dma_wait3A_1555 = arith.constant 0 : i32
      %dma_wait3A_1556 = tpu.memref_slice %arg6[%dma_wait3A_1538, %dma_wait3A_1554, %dma_wait3A_1555] : memref<4x200x128xf32, #tpu.memory_space<vmem>> -> memref<1x50x128xf32, #tpu.memory_space<vmem>>
      %dma_wait3A_1557 = tpu.memref_squeeze %dma_wait3A_1556 : memref<1x50x128xf32, #tpu.memory_space<vmem>> -> memref<50x128xf32, #tpu.memory_space<vmem>>
      tpu.wait_dma2 semaphore(%dma_wait3A_1549 : memref<!tpu.dma_semaphore, #tpu.memory_space<semaphore_mem>>) src(%dma_wait3A_1557 : memref<50x128xf32, #tpu.memory_space<vmem>>) dst(%dma_wait3A_1553 : memref<50x128xf32, #tpu.memory_space<hbm>>)
      %mul3A_1558 = arith.constant 4 : i32
      %mul3A_1559 = arith.muli %add3A_1532, %mul3A_1558 : i32
      %add3A_1560 = arith.addi %mul3A_2, %mul3A_1559 : i32
      %add3A_1561 = arith.constant 1 : i32
      %add3A_1562 = arith.addi %add3A_1560, %add3A_1561 : i32
      %dma_wait3A_1563 = arith.constant 0 : i32
      %dma_wait3A_1564 = arith.constant 0 : i32
      %dma_wait3A_1565 = arith.constant 50 : i32
      %dma_wait3A_1566 = arith.constant 0 : i32
      %dma_wait3A_1567 = tpu.memref_slice %arg6[%dma_wait3A_1563, %dma_wait3A_1565, %dma_wait3A_1566] : memref<4x200x128xf32, #tpu.memory_space<vmem>> -> memref<1x50x128xf32, #tpu.memory_space<vmem>>
      %dma_wait3A_1568 = tpu.memref_squeeze %dma_wait3A_1567 : memref<1x50x128xf32, #tpu.memory_space<vmem>> -> memref<50x128xf32, #tpu.memory_space<vmem>>
      %dma_wait3A_1569 = arith.constant 0 : i32
      %dma_wait3A_1570 = arith.constant 0 : i32
      %dma_wait3A_1571 = tpu.memref_slice %arg4[%add3A_1562, %dma_wait3A_1569, %dma_wait3A_1570] : memref<16384x50x128xf32, #tpu.memory_space<hbm>> -> memref<1x50x128xf32, #tpu.memory_space<hbm>>
      %dma_wait3A_1572 = tpu.memref_squeeze %dma_wait3A_1571 : memref<1x50x128xf32, #tpu.memory_space<hbm>> -> memref<50x128xf32, #tpu.memory_space<hbm>>
      %dma_wait3A_1573 = tpu.memref_slice %arg8[%dma_wait3A_1564] : memref<4x!tpu.dma_semaphore, #tpu.memory_space<semaphore_mem>> -> memref<1x!tpu.dma_semaphore, #tpu.memory_space<semaphore_mem>>
      %dma_wait3A_1574 = tpu.memref_squeeze %dma_wait3A_1573 : memref<1x!tpu.dma_semaphore, #tpu.memory_space<semaphore_mem>> -> memref<!tpu.dma_semaphore, #tpu.memory_space<semaphore_mem>>
      %dma_wait3A_1575 = arith.constant 0 : i32
      %dma_wait3A_1576 = arith.constant 0 : i32
      %dma_wait3A_1577 = tpu.memref_slice %arg4[%add3A_1562, %dma_wait3A_1575, %dma_wait3A_1576] : memref<16384x50x128xf32, #tpu.memory_space<hbm>> -> memref<1x50x128xf32, #tpu.memory_space<hbm>>
      %dma_wait3A_1578 = tpu.memref_squeeze %dma_wait3A_1577 : memref<1x50x128xf32, #tpu.memory_space<hbm>> -> memref<50x128xf32, #tpu.memory_space<hbm>>
      %dma_wait3A_1579 = arith.constant 50 : i32
      %dma_wait3A_1580 = arith.constant 0 : i32
      %dma_wait3A_1581 = tpu.memref_slice %arg6[%dma_wait3A_1563, %dma_wait3A_1579, %dma_wait3A_1580] : memref<4x200x128xf32, #tpu.memory_space<vmem>> -> memref<1x50x128xf32, #tpu.memory_space<vmem>>
      %dma_wait3A_1582 = tpu.memref_squeeze %dma_wait3A_1581 : memref<1x50x128xf32, #tpu.memory_space<vmem>> -> memref<50x128xf32, #tpu.memory_space<vmem>>
      tpu.wait_dma2 semaphore(%dma_wait3A_1574 : memref<!tpu.dma_semaphore, #tpu.memory_space<semaphore_mem>>) src(%dma_wait3A_1582 : memref<50x128xf32, #tpu.memory_space<vmem>>) dst(%dma_wait3A_1578 : memref<50x128xf32, #tpu.memory_space<hbm>>)
      %mul3A_1583 = arith.constant 4 : i32
      %mul3A_1584 = arith.muli %add3A_1532, %mul3A_1583 : i32
      %add3A_1585 = arith.addi %mul3A_2, %mul3A_1584 : i32
      %add3A_1586 = arith.constant 2 : i32
      %add3A_1587 = arith.addi %add3A_1585, %add3A_1586 : i32
      %dma_wait3A_1588 = arith.constant 0 : i32
      %dma_wait3A_1589 = arith.constant 0 : i32
      %dma_wait3A_1590 = arith.constant 100 : i32
      %dma_wait3A_1591 = arith.constant 0 : i32
      %dma_wait3A_1592 = tpu.memref_slice %arg6[%dma_wait3A_1588, %dma_wait3A_1590, %dma_wait3A_1591] : memref<4x200x128xf32, #tpu.memory_space<vmem>> -> memref<1x50x128xf32, #tpu.memory_space<vmem>>
      %dma_wait3A_1593 = tpu.memref_squeeze %dma_wait3A_1592 : memref<1x50x128xf32, #tpu.memory_space<vmem>> -> memref<50x128xf32, #tpu.memory_space<vmem>>
      %dma_wait3A_1594 = arith.constant 0 : i32
      %dma_wait3A_1595 = arith.constant 0 : i32
      %dma_wait3A_1596 = tpu.memref_slice %arg4[%add3A_1587, %dma_wait3A_1594, %dma_wait3A_1595] : memref<16384x50x128xf32, #tpu.memory_space<hbm>> -> memref<1x50x128xf32, #tpu.memory_space<hbm>>
      %dma_wait3A_1597 = tpu.memref_squeeze %dma_wait3A_1596 : memref<1x50x128xf32, #tpu.memory_space<hbm>> -> memref<50x128xf32, #tpu.memory_space<hbm>>
      %dma_wait3A_1598 = tpu.memref_slice %arg8[%dma_wait3A_1589] : memref<4x!tpu.dma_semaphore, #tpu.memory_space<semaphore_mem>> -> memref<1x!tpu.dma_semaphore, #tpu.memory_space<semaphore_mem>>
      %dma_wait3A_1599 = tpu.memref_squeeze %dma_wait3A_1598 : memref<1x!tpu.dma_semaphore, #tpu.memory_space<semaphore_mem>> -> memref<!tpu.dma_semaphore, #tpu.memory_space<semaphore_mem>>
      %dma_wait3A_1600 = arith.constant 0 : i32
      %dma_wait3A_1601 = arith.constant 0 : i32
      %dma_wait3A_1602 = tpu.memref_slice %arg4[%add3A_1587, %dma_wait3A_1600, %dma_wait3A_1601] : memref<16384x50x128xf32, #tpu.memory_space<hbm>> -> memref<1x50x128xf32, #tpu.memory_space<hbm>>
      %dma_wait3A_1603 = tpu.memref_squeeze %dma_wait3A_1602 : memref<1x50x128xf32, #tpu.memory_space<hbm>> -> memref<50x128xf32, #tpu.memory_space<hbm>>
      %dma_wait3A_1604 = arith.constant 100 : i32
      %dma_wait3A_1605 = arith.constant 0 : i32
      %dma_wait3A_1606 = tpu.memref_slice %arg6[%dma_wait3A_1588, %dma_wait3A_1604, %dma_wait3A_1605] : memref<4x200x128xf32, #tpu.memory_space<vmem>> -> memref<1x50x128xf32, #tpu.memory_space<vmem>>
      %dma_wait3A_1607 = tpu.memref_squeeze %dma_wait3A_1606 : memref<1x50x128xf32, #tpu.memory_space<vmem>> -> memref<50x128xf32, #tpu.memory_space<vmem>>
      tpu.wait_dma2 semaphore(%dma_wait3A_1599 : memref<!tpu.dma_semaphore, #tpu.memory_space<semaphore_mem>>) src(%dma_wait3A_1607 : memref<50x128xf32, #tpu.memory_space<vmem>>) dst(%dma_wait3A_1603 : memref<50x128xf32, #tpu.memory_space<hbm>>)
      %mul3A_1608 = arith.constant 4 : i32
      %mul3A_1609 = arith.muli %add3A_1532, %mul3A_1608 : i32
      %add3A_1610 = arith.addi %mul3A_2, %mul3A_1609 : i32
      %add3A_1611 = arith.constant 3 : i32
      %add3A_1612 = arith.addi %add3A_1610, %add3A_1611 : i32
      %dma_wait3A_1613 = arith.constant 0 : i32
      %dma_wait3A_1614 = arith.constant 0 : i32
      %dma_wait3A_1615 = arith.constant 150 : i32
      %dma_wait3A_1616 = arith.constant 0 : i32
      %dma_wait3A_1617 = tpu.memref_slice %arg6[%dma_wait3A_1613, %dma_wait3A_1615, %dma_wait3A_1616] : memref<4x200x128xf32, #tpu.memory_space<vmem>> -> memref<1x50x128xf32, #tpu.memory_space<vmem>>
      %dma_wait3A_1618 = tpu.memref_squeeze %dma_wait3A_1617 : memref<1x50x128xf32, #tpu.memory_space<vmem>> -> memref<50x128xf32, #tpu.memory_space<vmem>>
      %dma_wait3A_1619 = arith.constant 0 : i32
      %dma_wait3A_1620 = arith.constant 0 : i32
      %dma_wait3A_1621 = tpu.memref_slice %arg4[%add3A_1612, %dma_wait3A_1619, %dma_wait3A_1620] : memref<16384x50x128xf32, #tpu.memory_space<hbm>> -> memref<1x50x128xf32, #tpu.memory_space<hbm>>
      %dma_wait3A_1622 = tpu.memref_squeeze %dma_wait3A_1621 : memref<1x50x128xf32, #tpu.memory_space<hbm>> -> memref<50x128xf32, #tpu.memory_space<hbm>>
      %dma_wait3A_1623 = tpu.memref_slice %arg8[%dma_wait3A_1614] : memref<4x!tpu.dma_semaphore, #tpu.memory_space<semaphore_mem>> -> memref<1x!tpu.dma_semaphore, #tpu.memory_space<semaphore_mem>>
      %dma_wait3A_1624 = tpu.memref_squeeze %dma_wait3A_1623 : memref<1x!tpu.dma_semaphore, #tpu.memory_space<semaphore_mem>> -> memref<!tpu.dma_semaphore, #tpu.memory_space<semaphore_mem>>
      %dma_wait3A_1625 = arith.constant 0 : i32
      %dma_wait3A_1626 = arith.constant 0 : i32
      %dma_wait3A_1627 = tpu.memref_slice %arg4[%add3A_1612, %dma_wait3A_1625, %dma_wait3A_1626] : memref<16384x50x128xf32, #tpu.memory_space<hbm>> -> memref<1x50x128xf32, #tpu.memory_space<hbm>>
      %dma_wait3A_1628 = tpu.memref_squeeze %dma_wait3A_1627 : memref<1x50x128xf32, #tpu.memory_space<hbm>> -> memref<50x128xf32, #tpu.memory_space<hbm>>
      %dma_wait3A_1629 = arith.constant 150 : i32
      %dma_wait3A_1630 = arith.constant 0 : i32
      %dma_wait3A_1631 = tpu.memref_slice %arg6[%dma_wait3A_1613, %dma_wait3A_1629, %dma_wait3A_1630] : memref<4x200x128xf32, #tpu.memory_space<vmem>> -> memref<1x50x128xf32, #tpu.memory_space<vmem>>
      %dma_wait3A_1632 = tpu.memref_squeeze %dma_wait3A_1631 : memref<1x50x128xf32, #tpu.memory_space<vmem>> -> memref<50x128xf32, #tpu.memory_space<vmem>>
      tpu.wait_dma2 semaphore(%dma_wait3A_1624 : memref<!tpu.dma_semaphore, #tpu.memory_space<semaphore_mem>>) src(%dma_wait3A_1632 : memref<50x128xf32, #tpu.memory_space<vmem>>) dst(%dma_wait3A_1628 : memref<50x128xf32, #tpu.memory_space<hbm>>)
      %add3A_1633 = arith.constant 4 : i32
      %add3A_1634 = arith.addi %add3A_1532, %add3A_1633 : i32
      %mul3A_1635 = arith.constant 200 : i32
      %mul3A_1636 = arith.muli %add3A_1634, %mul3A_1635 : i32
      %add3A_1637 = arith.constant 0 : i32
      %add3A_1638 = arith.addi %mul3A_1636, %add3A_1637 : i32
      %dma_start3A_1639 = arith.constant 0 : i32
      %dma_start3A_1640 = arith.constant 0 : i32
      %dma_start3A_1641 = arith.constant 0 : i32
      %dma_start3A_1642 = arith.constant 0 : i32
      %dma_start3A_1643 = tpu.memref_slice %arg6[%dma_start3A_1639, %dma_start3A_1641, %dma_start3A_1642] : memref<4x200x128xf32, #tpu.memory_space<vmem>> -> memref<1x128x128xf32, #tpu.memory_space<vmem>>
      %dma_start3A_1644 = tpu.memref_squeeze %dma_start3A_1643 : memref<1x128x128xf32, #tpu.memory_space<vmem>> -> memref<128x128xf32, #tpu.memory_space<vmem>>
      %dma_start3A_1645 = tpu.memref_slice %arg5[%add3A_1638] : memref<25600xi32, #tpu.memory_space<vmem>> -> memref<128xi32, #tpu.memory_space<vmem>>
      %dma_start3A_1646 = arith.constant 0 : i32
      %dma_start3A_1647 = arith.constant 0 : i32
      %dma_start3A_1648 = tpu.memref_slice %arg2[%dma_start3A_1646, %dma_start3A_1647] : memref<29599x128xf32, #tpu.memory_space<hbm>> -> memref<29599x128xf32, #tpu.memory_space<hbm>>
      %dma_start3A_1649 = tpu.memref_slice %arg7[%dma_start3A_1640] : memref<4x!tpu.dma_semaphore, #tpu.memory_space<semaphore_mem>> -> memref<1x!tpu.dma_semaphore, #tpu.memory_space<semaphore_mem>>
      %dma_start3A_1650 = tpu.memref_squeeze %dma_start3A_1649 : memref<1x!tpu.dma_semaphore, #tpu.memory_space<semaphore_mem>> -> memref<!tpu.dma_semaphore, #tpu.memory_space<semaphore_mem>>
      tpu.enqueue_indirect_dma source(%dma_start3A_1648 : memref<29599x128xf32, #tpu.memory_space<hbm>>) target(%dma_start3A_1644 : memref<128x128xf32, #tpu.memory_space<vmem>>) offsets(%dma_start3A_1645 : memref<128xi32, #tpu.memory_space<vmem>>) semaphore(%dma_start3A_1650 : memref<!tpu.dma_semaphore, #tpu.memory_space<semaphore_mem>>)
      %mul3A_1651 = arith.constant 200 : i32
      %mul3A_1652 = arith.muli %add3A_1634, %mul3A_1651 : i32
      %add3A_1653 = arith.constant 128 : i32
      %add3A_1654 = arith.addi %mul3A_1652, %add3A_1653 : i32
      %dma_start3A_1655 = arith.constant 0 : i32
      %dma_start3A_1656 = arith.constant 0 : i32
      %dma_start3A_1657 = arith.constant 128 : i32
      %dma_start3A_1658 = arith.constant 0 : i32
      %dma_start3A_1659 = tpu.memref_slice %arg6[%dma_start3A_1655, %dma_start3A_1657, %dma_start3A_1658] : memref<4x200x128xf32, #tpu.memory_space<vmem>> -> memref<1x72x128xf32, #tpu.memory_space<vmem>>
      %dma_start3A_1660 = tpu.memref_squeeze %dma_start3A_1659 : memref<1x72x128xf32, #tpu.memory_space<vmem>> -> memref<72x128xf32, #tpu.memory_space<vmem>>
      %dma_start3A_1661 = tpu.memref_slice %arg5[%add3A_1654] : memref<25600xi32, #tpu.memory_space<vmem>> -> memref<72xi32, #tpu.memory_space<vmem>>
      %dma_start3A_1662 = arith.constant 0 : i32
      %dma_start3A_1663 = arith.constant 0 : i32
      %dma_start3A_1664 = tpu.memref_slice %arg2[%dma_start3A_1662, %dma_start3A_1663] : memref<29599x128xf32, #tpu.memory_space<hbm>> -> memref<29599x128xf32, #tpu.memory_space<hbm>>
      %dma_start3A_1665 = tpu.memref_slice %arg7[%dma_start3A_1656] : memref<4x!tpu.dma_semaphore, #tpu.memory_space<semaphore_mem>> -> memref<1x!tpu.dma_semaphore, #tpu.memory_space<semaphore_mem>>
      %dma_start3A_1666 = tpu.memref_squeeze %dma_start3A_1665 : memref<1x!tpu.dma_semaphore, #tpu.memory_space<semaphore_mem>> -> memref<!tpu.dma_semaphore, #tpu.memory_space<semaphore_mem>>
      tpu.enqueue_indirect_dma source(%dma_start3A_1664 : memref<29599x128xf32, #tpu.memory_space<hbm>>) target(%dma_start3A_1660 : memref<72x128xf32, #tpu.memory_space<vmem>>) offsets(%dma_start3A_1661 : memref<72xi32, #tpu.memory_space<vmem>>) semaphore(%dma_start3A_1666 : memref<!tpu.dma_semaphore, #tpu.memory_space<semaphore_mem>>)
      %mul3A_1667 = arith.constant 4 : i32
      %mul3A_1668 = arith.muli %scan3A_983, %mul3A_1667 : i32
      %add3A_1669 = arith.constant 1 : i32
      %add3A_1670 = arith.addi %mul3A_1668, %add3A_1669 : i32
      %mul3A_1671 = arith.constant 4 : i32
      %mul3A_1672 = arith.muli %add3A_1670, %mul3A_1671 : i32
      %add3A_1673 = arith.addi %mul3A_2, %mul3A_1672 : i32
      %add3A_1674 = arith.constant 0 : i32
      %add3A_1675 = arith.addi %add3A_1673, %add3A_1674 : i32
      %dma_wait3A_1676 = arith.constant 1 : i32
      %dma_wait3A_1677 = arith.constant 1 : i32
      %dma_wait3A_1678 = arith.constant 0 : i32
      %dma_wait3A_1679 = arith.constant 0 : i32
      %dma_wait3A_1680 = tpu.memref_slice %arg6[%dma_wait3A_1676, %dma_wait3A_1678, %dma_wait3A_1679] : memref<4x200x128xf32, #tpu.memory_space<vmem>> -> memref<1x50x128xf32, #tpu.memory_space<vmem>>
      %dma_wait3A_1681 = tpu.memref_squeeze %dma_wait3A_1680 : memref<1x50x128xf32, #tpu.memory_space<vmem>> -> memref<50x128xf32, #tpu.memory_space<vmem>>
      %dma_wait3A_1682 = arith.constant 0 : i32
      %dma_wait3A_1683 = arith.constant 0 : i32
      %dma_wait3A_1684 = tpu.memref_slice %arg4[%add3A_1675, %dma_wait3A_1682, %dma_wait3A_1683] : memref<16384x50x128xf32, #tpu.memory_space<hbm>> -> memref<1x50x128xf32, #tpu.memory_space<hbm>>
      %dma_wait3A_1685 = tpu.memref_squeeze %dma_wait3A_1684 : memref<1x50x128xf32, #tpu.memory_space<hbm>> -> memref<50x128xf32, #tpu.memory_space<hbm>>
      %dma_wait3A_1686 = tpu.memref_slice %arg8[%dma_wait3A_1677] : memref<4x!tpu.dma_semaphore, #tpu.memory_space<semaphore_mem>> -> memref<1x!tpu.dma_semaphore, #tpu.memory_space<semaphore_mem>>
      %dma_wait3A_1687 = tpu.memref_squeeze %dma_wait3A_1686 : memref<1x!tpu.dma_semaphore, #tpu.memory_space<semaphore_mem>> -> memref<!tpu.dma_semaphore, #tpu.memory_space<semaphore_mem>>
      %dma_wait3A_1688 = arith.constant 0 : i32
      %dma_wait3A_1689 = arith.constant 0 : i32
      %dma_wait3A_1690 = tpu.memref_slice %arg4[%add3A_1675, %dma_wait3A_1688, %dma_wait3A_1689] : memref<16384x50x128xf32, #tpu.memory_space<hbm>> -> memref<1x50x128xf32, #tpu.memory_space<hbm>>
      %dma_wait3A_1691 = tpu.memref_squeeze %dma_wait3A_1690 : memref<1x50x128xf32, #tpu.memory_space<hbm>> -> memref<50x128xf32, #tpu.memory_space<hbm>>
      %dma_wait3A_1692 = arith.constant 0 : i32
      %dma_wait3A_1693 = arith.constant 0 : i32
      %dma_wait3A_1694 = tpu.memref_slice %arg6[%dma_wait3A_1676, %dma_wait3A_1692, %dma_wait3A_1693] : memref<4x200x128xf32, #tpu.memory_space<vmem>> -> memref<1x50x128xf32, #tpu.memory_space<vmem>>
      %dma_wait3A_1695 = tpu.memref_squeeze %dma_wait3A_1694 : memref<1x50x128xf32, #tpu.memory_space<vmem>> -> memref<50x128xf32, #tpu.memory_space<vmem>>
      tpu.wait_dma2 semaphore(%dma_wait3A_1687 : memref<!tpu.dma_semaphore, #tpu.memory_space<semaphore_mem>>) src(%dma_wait3A_1695 : memref<50x128xf32, #tpu.memory_space<vmem>>) dst(%dma_wait3A_1691 : memref<50x128xf32, #tpu.memory_space<hbm>>)
      %mul3A_1696 = arith.constant 4 : i32
      %mul3A_1697 = arith.muli %add3A_1670, %mul3A_1696 : i32
      %add3A_1698 = arith.addi %mul3A_2, %mul3A_1697 : i32
      %add3A_1699 = arith.constant 1 : i32
      %add3A_1700 = arith.addi %add3A_1698, %add3A_1699 : i32
      %dma_wait3A_1701 = arith.constant 1 : i32
      %dma_wait3A_1702 = arith.constant 1 : i32
      %dma_wait3A_1703 = arith.constant 50 : i32
      %dma_wait3A_1704 = arith.constant 0 : i32
      %dma_wait3A_1705 = tpu.memref_slice %arg6[%dma_wait3A_1701, %dma_wait3A_1703, %dma_wait3A_1704] : memref<4x200x128xf32, #tpu.memory_space<vmem>> -> memref<1x50x128xf32, #tpu.memory_space<vmem>>
      %dma_wait3A_1706 = tpu.memref_squeeze %dma_wait3A_1705 : memref<1x50x128xf32, #tpu.memory_space<vmem>> -> memref<50x128xf32, #tpu.memory_space<vmem>>
      %dma_wait3A_1707 = arith.constant 0 : i32
      %dma_wait3A_1708 = arith.constant 0 : i32
      %dma_wait3A_1709 = tpu.memref_slice %arg4[%add3A_1700, %dma_wait3A_1707, %dma_wait3A_1708] : memref<16384x50x128xf32, #tpu.memory_space<hbm>> -> memref<1x50x128xf32, #tpu.memory_space<hbm>>
      %dma_wait3A_1710 = tpu.memref_squeeze %dma_wait3A_1709 : memref<1x50x128xf32, #tpu.memory_space<hbm>> -> memref<50x128xf32, #tpu.memory_space<hbm>>
      %dma_wait3A_1711 = tpu.memref_slice %arg8[%dma_wait3A_1702] : memref<4x!tpu.dma_semaphore, #tpu.memory_space<semaphore_mem>> -> memref<1x!tpu.dma_semaphore, #tpu.memory_space<semaphore_mem>>
      %dma_wait3A_1712 = tpu.memref_squeeze %dma_wait3A_1711 : memref<1x!tpu.dma_semaphore, #tpu.memory_space<semaphore_mem>> -> memref<!tpu.dma_semaphore, #tpu.memory_space<semaphore_mem>>
      %dma_wait3A_1713 = arith.constant 0 : i32
      %dma_wait3A_1714 = arith.constant 0 : i32
      %dma_wait3A_1715 = tpu.memref_slice %arg4[%add3A_1700, %dma_wait3A_1713, %dma_wait3A_1714] : memref<16384x50x128xf32, #tpu.memory_space<hbm>> -> memref<1x50x128xf32, #tpu.memory_space<hbm>>
      %dma_wait3A_1716 = tpu.memref_squeeze %dma_wait3A_1715 : memref<1x50x128xf32, #tpu.memory_space<hbm>> -> memref<50x128xf32, #tpu.memory_space<hbm>>
      %dma_wait3A_1717 = arith.constant 50 : i32
      %dma_wait3A_1718 = arith.constant 0 : i32
      %dma_wait3A_1719 = tpu.memref_slice %arg6[%dma_wait3A_1701, %dma_wait3A_1717, %dma_wait3A_1718] : memref<4x200x128xf32, #tpu.memory_space<vmem>> -> memref<1x50x128xf32, #tpu.memory_space<vmem>>
      %dma_wait3A_1720 = tpu.memref_squeeze %dma_wait3A_1719 : memref<1x50x128xf32, #tpu.memory_space<vmem>> -> memref<50x128xf32, #tpu.memory_space<vmem>>
      tpu.wait_dma2 semaphore(%dma_wait3A_1712 : memref<!tpu.dma_semaphore, #tpu.memory_space<semaphore_mem>>) src(%dma_wait3A_1720 : memref<50x128xf32, #tpu.memory_space<vmem>>) dst(%dma_wait3A_1716 : memref<50x128xf32, #tpu.memory_space<hbm>>)
      %mul3A_1721 = arith.constant 4 : i32
      %mul3A_1722 = arith.muli %add3A_1670, %mul3A_1721 : i32
      %add3A_1723 = arith.addi %mul3A_2, %mul3A_1722 : i32
      %add3A_1724 = arith.constant 2 : i32
      %add3A_1725 = arith.addi %add3A_1723, %add3A_1724 : i32
      %dma_wait3A_1726 = arith.constant 1 : i32
      %dma_wait3A_1727 = arith.constant 1 : i32
      %dma_wait3A_1728 = arith.constant 100 : i32
      %dma_wait3A_1729 = arith.constant 0 : i32
      %dma_wait3A_1730 = tpu.memref_slice %arg6[%dma_wait3A_1726, %dma_wait3A_1728, %dma_wait3A_1729] : memref<4x200x128xf32, #tpu.memory_space<vmem>> -> memref<1x50x128xf32, #tpu.memory_space<vmem>>
      %dma_wait3A_1731 = tpu.memref_squeeze %dma_wait3A_1730 : memref<1x50x128xf32, #tpu.memory_space<vmem>> -> memref<50x128xf32, #tpu.memory_space<vmem>>
      %dma_wait3A_1732 = arith.constant 0 : i32
      %dma_wait3A_1733 = arith.constant 0 : i32
      %dma_wait3A_1734 = tpu.memref_slice %arg4[%add3A_1725, %dma_wait3A_1732, %dma_wait3A_1733] : memref<16384x50x128xf32, #tpu.memory_space<hbm>> -> memref<1x50x128xf32, #tpu.memory_space<hbm>>
      %dma_wait3A_1735 = tpu.memref_squeeze %dma_wait3A_1734 : memref<1x50x128xf32, #tpu.memory_space<hbm>> -> memref<50x128xf32, #tpu.memory_space<hbm>>
      %dma_wait3A_1736 = tpu.memref_slice %arg8[%dma_wait3A_1727] : memref<4x!tpu.dma_semaphore, #tpu.memory_space<semaphore_mem>> -> memref<1x!tpu.dma_semaphore, #tpu.memory_space<semaphore_mem>>
      %dma_wait3A_1737 = tpu.memref_squeeze %dma_wait3A_1736 : memref<1x!tpu.dma_semaphore, #tpu.memory_space<semaphore_mem>> -> memref<!tpu.dma_semaphore, #tpu.memory_space<semaphore_mem>>
      %dma_wait3A_1738 = arith.constant 0 : i32
      %dma_wait3A_1739 = arith.constant 0 : i32
      %dma_wait3A_1740 = tpu.memref_slice %arg4[%add3A_1725, %dma_wait3A_1738, %dma_wait3A_1739] : memref<16384x50x128xf32, #tpu.memory_space<hbm>> -> memref<1x50x128xf32, #tpu.memory_space<hbm>>
      %dma_wait3A_1741 = tpu.memref_squeeze %dma_wait3A_1740 : memref<1x50x128xf32, #tpu.memory_space<hbm>> -> memref<50x128xf32, #tpu.memory_space<hbm>>
      %dma_wait3A_1742 = arith.constant 100 : i32
      %dma_wait3A_1743 = arith.constant 0 : i32
      %dma_wait3A_1744 = tpu.memref_slice %arg6[%dma_wait3A_1726, %dma_wait3A_1742, %dma_wait3A_1743] : memref<4x200x128xf32, #tpu.memory_space<vmem>> -> memref<1x50x128xf32, #tpu.memory_space<vmem>>
      %dma_wait3A_1745 = tpu.memref_squeeze %dma_wait3A_1744 : memref<1x50x128xf32, #tpu.memory_space<vmem>> -> memref<50x128xf32, #tpu.memory_space<vmem>>
      tpu.wait_dma2 semaphore(%dma_wait3A_1737 : memref<!tpu.dma_semaphore, #tpu.memory_space<semaphore_mem>>) src(%dma_wait3A_1745 : memref<50x128xf32, #tpu.memory_space<vmem>>) dst(%dma_wait3A_1741 : memref<50x128xf32, #tpu.memory_space<hbm>>)
      %mul3A_1746 = arith.constant 4 : i32
      %mul3A_1747 = arith.muli %add3A_1670, %mul3A_1746 : i32
      %add3A_1748 = arith.addi %mul3A_2, %mul3A_1747 : i32
      %add3A_1749 = arith.constant 3 : i32
      %add3A_1750 = arith.addi %add3A_1748, %add3A_1749 : i32
      %dma_wait3A_1751 = arith.constant 1 : i32
      %dma_wait3A_1752 = arith.constant 1 : i32
      %dma_wait3A_1753 = arith.constant 150 : i32
      %dma_wait3A_1754 = arith.constant 0 : i32
      %dma_wait3A_1755 = tpu.memref_slice %arg6[%dma_wait3A_1751, %dma_wait3A_1753, %dma_wait3A_1754] : memref<4x200x128xf32, #tpu.memory_space<vmem>> -> memref<1x50x128xf32, #tpu.memory_space<vmem>>
      %dma_wait3A_1756 = tpu.memref_squeeze %dma_wait3A_1755 : memref<1x50x128xf32, #tpu.memory_space<vmem>> -> memref<50x128xf32, #tpu.memory_space<vmem>>
      %dma_wait3A_1757 = arith.constant 0 : i32
      %dma_wait3A_1758 = arith.constant 0 : i32
      %dma_wait3A_1759 = tpu.memref_slice %arg4[%add3A_1750, %dma_wait3A_1757, %dma_wait3A_1758] : memref<16384x50x128xf32, #tpu.memory_space<hbm>> -> memref<1x50x128xf32, #tpu.memory_space<hbm>>
      %dma_wait3A_1760 = tpu.memref_squeeze %dma_wait3A_1759 : memref<1x50x128xf32, #tpu.memory_space<hbm>> -> memref<50x128xf32, #tpu.memory_space<hbm>>
      %dma_wait3A_1761 = tpu.memref_slice %arg8[%dma_wait3A_1752] : memref<4x!tpu.dma_semaphore, #tpu.memory_space<semaphore_mem>> -> memref<1x!tpu.dma_semaphore, #tpu.memory_space<semaphore_mem>>
      %dma_wait3A_1762 = tpu.memref_squeeze %dma_wait3A_1761 : memref<1x!tpu.dma_semaphore, #tpu.memory_space<semaphore_mem>> -> memref<!tpu.dma_semaphore, #tpu.memory_space<semaphore_mem>>
      %dma_wait3A_1763 = arith.constant 0 : i32
      %dma_wait3A_1764 = arith.constant 0 : i32
      %dma_wait3A_1765 = tpu.memref_slice %arg4[%add3A_1750, %dma_wait3A_1763, %dma_wait3A_1764] : memref<16384x50x128xf32, #tpu.memory_space<hbm>> -> memref<1x50x128xf32, #tpu.memory_space<hbm>>
      %dma_wait3A_1766 = tpu.memref_squeeze %dma_wait3A_1765 : memref<1x50x128xf32, #tpu.memory_space<hbm>> -> memref<50x128xf32, #tpu.memory_space<hbm>>
      %dma_wait3A_1767 = arith.constant 150 : i32
      %dma_wait3A_1768 = arith.constant 0 : i32
      %dma_wait3A_1769 = tpu.memref_slice %arg6[%dma_wait3A_1751, %dma_wait3A_1767, %dma_wait3A_1768] : memref<4x200x128xf32, #tpu.memory_space<vmem>> -> memref<1x50x128xf32, #tpu.memory_space<vmem>>
      %dma_wait3A_1770 = tpu.memref_squeeze %dma_wait3A_1769 : memref<1x50x128xf32, #tpu.memory_space<vmem>> -> memref<50x128xf32, #tpu.memory_space<vmem>>
      tpu.wait_dma2 semaphore(%dma_wait3A_1762 : memref<!tpu.dma_semaphore, #tpu.memory_space<semaphore_mem>>) src(%dma_wait3A_1770 : memref<50x128xf32, #tpu.memory_space<vmem>>) dst(%dma_wait3A_1766 : memref<50x128xf32, #tpu.memory_space<hbm>>)
      %add3A_1771 = arith.constant 4 : i32
      %add3A_1772 = arith.addi %add3A_1670, %add3A_1771 : i32
      %mul3A_1773 = arith.constant 200 : i32
      %mul3A_1774 = arith.muli %add3A_1772, %mul3A_1773 : i32
      %add3A_1775 = arith.constant 0 : i32
      %add3A_1776 = arith.addi %mul3A_1774, %add3A_1775 : i32
      %dma_start3A_1777 = arith.constant 1 : i32
      %dma_start3A_1778 = arith.constant 1 : i32
      %dma_start3A_1779 = arith.constant 0 : i32
      %dma_start3A_1780 = arith.constant 0 : i32
      %dma_start3A_1781 = tpu.memref_slice %arg6[%dma_start3A_1777, %dma_start3A_1779, %dma_start3A_1780] : memref<4x200x128xf32, #tpu.memory_space<vmem>> -> memref<1x128x128xf32, #tpu.memory_space<vmem>>
      %dma_start3A_1782 = tpu.memref_squeeze %dma_start3A_1781 : memref<1x128x128xf32, #tpu.memory_space<vmem>> -> memref<128x128xf32, #tpu.memory_space<vmem>>
      %dma_start3A_1783 = tpu.memref_slice %arg5[%add3A_1776] : memref<25600xi32, #tpu.memory_space<vmem>> -> memref<128xi32, #tpu.memory_space<vmem>>
      %dma_start3A_1784 = arith.constant 0 : i32
      %dma_start3A_1785 = arith.constant 0 : i32
      %dma_start3A_1786 = tpu.memref_slice %arg2[%dma_start3A_1784, %dma_start3A_1785] : memref<29599x128xf32, #tpu.memory_space<hbm>> -> memref<29599x128xf32, #tpu.memory_space<hbm>>
      %dma_start3A_1787 = tpu.memref_slice %arg7[%dma_start3A_1778] : memref<4x!tpu.dma_semaphore, #tpu.memory_space<semaphore_mem>> -> memref<1x!tpu.dma_semaphore, #tpu.memory_space<semaphore_mem>>
      %dma_start3A_1788 = tpu.memref_squeeze %dma_start3A_1787 : memref<1x!tpu.dma_semaphore, #tpu.memory_space<semaphore_mem>> -> memref<!tpu.dma_semaphore, #tpu.memory_space<semaphore_mem>>
      tpu.enqueue_indirect_dma source(%dma_start3A_1786 : memref<29599x128xf32, #tpu.memory_space<hbm>>) target(%dma_start3A_1782 : memref<128x128xf32, #tpu.memory_space<vmem>>) offsets(%dma_start3A_1783 : memref<128xi32, #tpu.memory_space<vmem>>) semaphore(%dma_start3A_1788 : memref<!tpu.dma_semaphore, #tpu.memory_space<semaphore_mem>>)
      %mul3A_1789 = arith.constant 200 : i32
      %mul3A_1790 = arith.muli %add3A_1772, %mul3A_1789 : i32
      %add3A_1791 = arith.constant 128 : i32
      %add3A_1792 = arith.addi %mul3A_1790, %add3A_1791 : i32
      %dma_start3A_1793 = arith.constant 1 : i32
      %dma_start3A_1794 = arith.constant 1 : i32
      %dma_start3A_1795 = arith.constant 128 : i32
      %dma_start3A_1796 = arith.constant 0 : i32
      %dma_start3A_1797 = tpu.memref_slice %arg6[%dma_start3A_1793, %dma_start3A_1795, %dma_start3A_1796] : memref<4x200x128xf32, #tpu.memory_space<vmem>> -> memref<1x72x128xf32, #tpu.memory_space<vmem>>
      %dma_start3A_1798 = tpu.memref_squeeze %dma_start3A_1797 : memref<1x72x128xf32, #tpu.memory_space<vmem>> -> memref<72x128xf32, #tpu.memory_space<vmem>>
      %dma_start3A_1799 = tpu.memref_slice %arg5[%add3A_1792] : memref<25600xi32, #tpu.memory_space<vmem>> -> memref<72xi32, #tpu.memory_space<vmem>>
      %dma_start3A_1800 = arith.constant 0 : i32
      %dma_start3A_1801 = arith.constant 0 : i32
      %dma_start3A_1802 = tpu.memref_slice %arg2[%dma_start3A_1800, %dma_start3A_1801] : memref<29599x128xf32, #tpu.memory_space<hbm>> -> memref<29599x128xf32, #tpu.memory_space<hbm>>
      %dma_start3A_1803 = tpu.memref_slice %arg7[%dma_start3A_1794] : memref<4x!tpu.dma_semaphore, #tpu.memory_space<semaphore_mem>> -> memref<1x!tpu.dma_semaphore, #tpu.memory_space<semaphore_mem>>
      %dma_start3A_1804 = tpu.memref_squeeze %dma_start3A_1803 : memref<1x!tpu.dma_semaphore, #tpu.memory_space<semaphore_mem>> -> memref<!tpu.dma_semaphore, #tpu.memory_space<semaphore_mem>>
      tpu.enqueue_indirect_dma source(%dma_start3A_1802 : memref<29599x128xf32, #tpu.memory_space<hbm>>) target(%dma_start3A_1798 : memref<72x128xf32, #tpu.memory_space<vmem>>) offsets(%dma_start3A_1799 : memref<72xi32, #tpu.memory_space<vmem>>) semaphore(%dma_start3A_1804 : memref<!tpu.dma_semaphore, #tpu.memory_space<semaphore_mem>>)
      %mul3A_1805 = arith.constant 4 : i32
      %mul3A_1806 = arith.muli %scan3A_983, %mul3A_1805 : i32
      %add3A_1807 = arith.constant 2 : i32
      %add3A_1808 = arith.addi %mul3A_1806, %add3A_1807 : i32
      %mul3A_1809 = arith.constant 4 : i32
      %mul3A_1810 = arith.muli %add3A_1808, %mul3A_1809 : i32
      %add3A_1811 = arith.addi %mul3A_2, %mul3A_1810 : i32
      %add3A_1812 = arith.constant 0 : i32
      %add3A_1813 = arith.addi %add3A_1811, %add3A_1812 : i32
      %dma_wait3A_1814 = arith.constant 2 : i32
      %dma_wait3A_1815 = arith.constant 2 : i32
      %dma_wait3A_1816 = arith.constant 0 : i32
      %dma_wait3A_1817 = arith.constant 0 : i32
      %dma_wait3A_1818 = tpu.memref_slice %arg6[%dma_wait3A_1814, %dma_wait3A_1816, %dma_wait3A_1817] : memref<4x200x128xf32, #tpu.memory_space<vmem>> -> memref<1x50x128xf32, #tpu.memory_space<vmem>>
      %dma_wait3A_1819 = tpu.memref_squeeze %dma_wait3A_1818 : memref<1x50x128xf32, #tpu.memory_space<vmem>> -> memref<50x128xf32, #tpu.memory_space<vmem>>
      %dma_wait3A_1820 = arith.constant 0 : i32
      %dma_wait3A_1821 = arith.constant 0 : i32
      %dma_wait3A_1822 = tpu.memref_slice %arg4[%add3A_1813, %dma_wait3A_1820, %dma_wait3A_1821] : memref<16384x50x128xf32, #tpu.memory_space<hbm>> -> memref<1x50x128xf32, #tpu.memory_space<hbm>>
      %dma_wait3A_1823 = tpu.memref_squeeze %dma_wait3A_1822 : memref<1x50x128xf32, #tpu.memory_space<hbm>> -> memref<50x128xf32, #tpu.memory_space<hbm>>
      %dma_wait3A_1824 = tpu.memref_slice %arg8[%dma_wait3A_1815] : memref<4x!tpu.dma_semaphore, #tpu.memory_space<semaphore_mem>> -> memref<1x!tpu.dma_semaphore, #tpu.memory_space<semaphore_mem>>
      %dma_wait3A_1825 = tpu.memref_squeeze %dma_wait3A_1824 : memref<1x!tpu.dma_semaphore, #tpu.memory_space<semaphore_mem>> -> memref<!tpu.dma_semaphore, #tpu.memory_space<semaphore_mem>>
      %dma_wait3A_1826 = arith.constant 0 : i32
      %dma_wait3A_1827 = arith.constant 0 : i32
      %dma_wait3A_1828 = tpu.memref_slice %arg4[%add3A_1813, %dma_wait3A_1826, %dma_wait3A_1827] : memref<16384x50x128xf32, #tpu.memory_space<hbm>> -> memref<1x50x128xf32, #tpu.memory_space<hbm>>
      %dma_wait3A_1829 = tpu.memref_squeeze %dma_wait3A_1828 : memref<1x50x128xf32, #tpu.memory_space<hbm>> -> memref<50x128xf32, #tpu.memory_space<hbm>>
      %dma_wait3A_1830 = arith.constant 0 : i32
      %dma_wait3A_1831 = arith.constant 0 : i32
      %dma_wait3A_1832 = tpu.memref_slice %arg6[%dma_wait3A_1814, %dma_wait3A_1830, %dma_wait3A_1831] : memref<4x200x128xf32, #tpu.memory_space<vmem>> -> memref<1x50x128xf32, #tpu.memory_space<vmem>>
      %dma_wait3A_1833 = tpu.memref_squeeze %dma_wait3A_1832 : memref<1x50x128xf32, #tpu.memory_space<vmem>> -> memref<50x128xf32, #tpu.memory_space<vmem>>
      tpu.wait_dma2 semaphore(%dma_wait3A_1825 : memref<!tpu.dma_semaphore, #tpu.memory_space<semaphore_mem>>) src(%dma_wait3A_1833 : memref<50x128xf32, #tpu.memory_space<vmem>>) dst(%dma_wait3A_1829 : memref<50x128xf32, #tpu.memory_space<hbm>>)
      %mul3A_1834 = arith.constant 4 : i32
      %mul3A_1835 = arith.muli %add3A_1808, %mul3A_1834 : i32
      %add3A_1836 = arith.addi %mul3A_2, %mul3A_1835 : i32
      %add3A_1837 = arith.constant 1 : i32
      %add3A_1838 = arith.addi %add3A_1836, %add3A_1837 : i32
      %dma_wait3A_1839 = arith.constant 2 : i32
      %dma_wait3A_1840 = arith.constant 2 : i32
      %dma_wait3A_1841 = arith.constant 50 : i32
      %dma_wait3A_1842 = arith.constant 0 : i32
      %dma_wait3A_1843 = tpu.memref_slice %arg6[%dma_wait3A_1839, %dma_wait3A_1841, %dma_wait3A_1842] : memref<4x200x128xf32, #tpu.memory_space<vmem>> -> memref<1x50x128xf32, #tpu.memory_space<vmem>>
      %dma_wait3A_1844 = tpu.memref_squeeze %dma_wait3A_1843 : memref<1x50x128xf32, #tpu.memory_space<vmem>> -> memref<50x128xf32, #tpu.memory_space<vmem>>
      %dma_wait3A_1845 = arith.constant 0 : i32
      %dma_wait3A_1846 = arith.constant 0 : i32
      %dma_wait3A_1847 = tpu.memref_slice %arg4[%add3A_1838, %dma_wait3A_1845, %dma_wait3A_1846] : memref<16384x50x128xf32, #tpu.memory_space<hbm>> -> memref<1x50x128xf32, #tpu.memory_space<hbm>>
      %dma_wait3A_1848 = tpu.memref_squeeze %dma_wait3A_1847 : memref<1x50x128xf32, #tpu.memory_space<hbm>> -> memref<50x128xf32, #tpu.memory_space<hbm>>
      %dma_wait3A_1849 = tpu.memref_slice %arg8[%dma_wait3A_1840] : memref<4x!tpu.dma_semaphore, #tpu.memory_space<semaphore_mem>> -> memref<1x!tpu.dma_semaphore, #tpu.memory_space<semaphore_mem>>
      %dma_wait3A_1850 = tpu.memref_squeeze %dma_wait3A_1849 : memref<1x!tpu.dma_semaphore, #tpu.memory_space<semaphore_mem>> -> memref<!tpu.dma_semaphore, #tpu.memory_space<semaphore_mem>>
      %dma_wait3A_1851 = arith.constant 0 : i32
      %dma_wait3A_1852 = arith.constant 0 : i32
      %dma_wait3A_1853 = tpu.memref_slice %arg4[%add3A_1838, %dma_wait3A_1851, %dma_wait3A_1852] : memref<16384x50x128xf32, #tpu.memory_space<hbm>> -> memref<1x50x128xf32, #tpu.memory_space<hbm>>
      %dma_wait3A_1854 = tpu.memref_squeeze %dma_wait3A_1853 : memref<1x50x128xf32, #tpu.memory_space<hbm>> -> memref<50x128xf32, #tpu.memory_space<hbm>>
      %dma_wait3A_1855 = arith.constant 50 : i32
      %dma_wait3A_1856 = arith.constant 0 : i32
      %dma_wait3A_1857 = tpu.memref_slice %arg6[%dma_wait3A_1839, %dma_wait3A_1855, %dma_wait3A_1856] : memref<4x200x128xf32, #tpu.memory_space<vmem>> -> memref<1x50x128xf32, #tpu.memory_space<vmem>>
      %dma_wait3A_1858 = tpu.memref_squeeze %dma_wait3A_1857 : memref<1x50x128xf32, #tpu.memory_space<vmem>> -> memref<50x128xf32, #tpu.memory_space<vmem>>
      tpu.wait_dma2 semaphore(%dma_wait3A_1850 : memref<!tpu.dma_semaphore, #tpu.memory_space<semaphore_mem>>) src(%dma_wait3A_1858 : memref<50x128xf32, #tpu.memory_space<vmem>>) dst(%dma_wait3A_1854 : memref<50x128xf32, #tpu.memory_space<hbm>>)
      %mul3A_1859 = arith.constant 4 : i32
      %mul3A_1860 = arith.muli %add3A_1808, %mul3A_1859 : i32
      %add3A_1861 = arith.addi %mul3A_2, %mul3A_1860 : i32
      %add3A_1862 = arith.constant 2 : i32
      %add3A_1863 = arith.addi %add3A_1861, %add3A_1862 : i32
      %dma_wait3A_1864 = arith.constant 2 : i32
      %dma_wait3A_1865 = arith.constant 2 : i32
      %dma_wait3A_1866 = arith.constant 100 : i32
      %dma_wait3A_1867 = arith.constant 0 : i32
      %dma_wait3A_1868 = tpu.memref_slice %arg6[%dma_wait3A_1864, %dma_wait3A_1866, %dma_wait3A_1867] : memref<4x200x128xf32, #tpu.memory_space<vmem>> -> memref<1x50x128xf32, #tpu.memory_space<vmem>>
      %dma_wait3A_1869 = tpu.memref_squeeze %dma_wait3A_1868 : memref<1x50x128xf32, #tpu.memory_space<vmem>> -> memref<50x128xf32, #tpu.memory_space<vmem>>
      %dma_wait3A_1870 = arith.constant 0 : i32
      %dma_wait3A_1871 = arith.constant 0 : i32
      %dma_wait3A_1872 = tpu.memref_slice %arg4[%add3A_1863, %dma_wait3A_1870, %dma_wait3A_1871] : memref<16384x50x128xf32, #tpu.memory_space<hbm>> -> memref<1x50x128xf32, #tpu.memory_space<hbm>>
      %dma_wait3A_1873 = tpu.memref_squeeze %dma_wait3A_1872 : memref<1x50x128xf32, #tpu.memory_space<hbm>> -> memref<50x128xf32, #tpu.memory_space<hbm>>
      %dma_wait3A_1874 = tpu.memref_slice %arg8[%dma_wait3A_1865] : memref<4x!tpu.dma_semaphore, #tpu.memory_space<semaphore_mem>> -> memref<1x!tpu.dma_semaphore, #tpu.memory_space<semaphore_mem>>
      %dma_wait3A_1875 = tpu.memref_squeeze %dma_wait3A_1874 : memref<1x!tpu.dma_semaphore, #tpu.memory_space<semaphore_mem>> -> memref<!tpu.dma_semaphore, #tpu.memory_space<semaphore_mem>>
      %dma_wait3A_1876 = arith.constant 0 : i32
      %dma_wait3A_1877 = arith.constant 0 : i32
      %dma_wait3A_1878 = tpu.memref_slice %arg4[%add3A_1863, %dma_wait3A_1876, %dma_wait3A_1877] : memref<16384x50x128xf32, #tpu.memory_space<hbm>> -> memref<1x50x128xf32, #tpu.memory_space<hbm>>
      %dma_wait3A_1879 = tpu.memref_squeeze %dma_wait3A_1878 : memref<1x50x128xf32, #tpu.memory_space<hbm>> -> memref<50x128xf32, #tpu.memory_space<hbm>>
      %dma_wait3A_1880 = arith.constant 100 : i32
      %dma_wait3A_1881 = arith.constant 0 : i32
      %dma_wait3A_1882 = tpu.memref_slice %arg6[%dma_wait3A_1864, %dma_wait3A_1880, %dma_wait3A_1881] : memref<4x200x128xf32, #tpu.memory_space<vmem>> -> memref<1x50x128xf32, #tpu.memory_space<vmem>>
      %dma_wait3A_1883 = tpu.memref_squeeze %dma_wait3A_1882 : memref<1x50x128xf32, #tpu.memory_space<vmem>> -> memref<50x128xf32, #tpu.memory_space<vmem>>
      tpu.wait_dma2 semaphore(%dma_wait3A_1875 : memref<!tpu.dma_semaphore, #tpu.memory_space<semaphore_mem>>) src(%dma_wait3A_1883 : memref<50x128xf32, #tpu.memory_space<vmem>>) dst(%dma_wait3A_1879 : memref<50x128xf32, #tpu.memory_space<hbm>>)
      %mul3A_1884 = arith.constant 4 : i32
      %mul3A_1885 = arith.muli %add3A_1808, %mul3A_1884 : i32
      %add3A_1886 = arith.addi %mul3A_2, %mul3A_1885 : i32
      %add3A_1887 = arith.constant 3 : i32
      %add3A_1888 = arith.addi %add3A_1886, %add3A_1887 : i32
      %dma_wait3A_1889 = arith.constant 2 : i32
      %dma_wait3A_1890 = arith.constant 2 : i32
      %dma_wait3A_1891 = arith.constant 150 : i32
      %dma_wait3A_1892 = arith.constant 0 : i32
      %dma_wait3A_1893 = tpu.memref_slice %arg6[%dma_wait3A_1889, %dma_wait3A_1891, %dma_wait3A_1892] : memref<4x200x128xf32, #tpu.memory_space<vmem>> -> memref<1x50x128xf32, #tpu.memory_space<vmem>>
      %dma_wait3A_1894 = tpu.memref_squeeze %dma_wait3A_1893 : memref<1x50x128xf32, #tpu.memory_space<vmem>> -> memref<50x128xf32, #tpu.memory_space<vmem>>
      %dma_wait3A_1895 = arith.constant 0 : i32
      %dma_wait3A_1896 = arith.constant 0 : i32
      %dma_wait3A_1897 = tpu.memref_slice %arg4[%add3A_1888, %dma_wait3A_1895, %dma_wait3A_1896] : memref<16384x50x128xf32, #tpu.memory_space<hbm>> -> memref<1x50x128xf32, #tpu.memory_space<hbm>>
      %dma_wait3A_1898 = tpu.memref_squeeze %dma_wait3A_1897 : memref<1x50x128xf32, #tpu.memory_space<hbm>> -> memref<50x128xf32, #tpu.memory_space<hbm>>
      %dma_wait3A_1899 = tpu.memref_slice %arg8[%dma_wait3A_1890] : memref<4x!tpu.dma_semaphore, #tpu.memory_space<semaphore_mem>> -> memref<1x!tpu.dma_semaphore, #tpu.memory_space<semaphore_mem>>
      %dma_wait3A_1900 = tpu.memref_squeeze %dma_wait3A_1899 : memref<1x!tpu.dma_semaphore, #tpu.memory_space<semaphore_mem>> -> memref<!tpu.dma_semaphore, #tpu.memory_space<semaphore_mem>>
      %dma_wait3A_1901 = arith.constant 0 : i32
      %dma_wait3A_1902 = arith.constant 0 : i32
      %dma_wait3A_1903 = tpu.memref_slice %arg4[%add3A_1888, %dma_wait3A_1901, %dma_wait3A_1902] : memref<16384x50x128xf32, #tpu.memory_space<hbm>> -> memref<1x50x128xf32, #tpu.memory_space<hbm>>
      %dma_wait3A_1904 = tpu.memref_squeeze %dma_wait3A_1903 : memref<1x50x128xf32, #tpu.memory_space<hbm>> -> memref<50x128xf32, #tpu.memory_space<hbm>>
      %dma_wait3A_1905 = arith.constant 150 : i32
      %dma_wait3A_1906 = arith.constant 0 : i32
      %dma_wait3A_1907 = tpu.memref_slice %arg6[%dma_wait3A_1889, %dma_wait3A_1905, %dma_wait3A_1906] : memref<4x200x128xf32, #tpu.memory_space<vmem>> -> memref<1x50x128xf32, #tpu.memory_space<vmem>>
      %dma_wait3A_1908 = tpu.memref_squeeze %dma_wait3A_1907 : memref<1x50x128xf32, #tpu.memory_space<vmem>> -> memref<50x128xf32, #tpu.memory_space<vmem>>
      tpu.wait_dma2 semaphore(%dma_wait3A_1900 : memref<!tpu.dma_semaphore, #tpu.memory_space<semaphore_mem>>) src(%dma_wait3A_1908 : memref<50x128xf32, #tpu.memory_space<vmem>>) dst(%dma_wait3A_1904 : memref<50x128xf32, #tpu.memory_space<hbm>>)
      %add3A_1909 = arith.constant 4 : i32
      %add3A_1910 = arith.addi %add3A_1808, %add3A_1909 : i32
      %mul3A_1911 = arith.constant 200 : i32
      %mul3A_1912 = arith.muli %add3A_1910, %mul3A_1911 : i32
      %add3A_1913 = arith.constant 0 : i32
      %add3A_1914 = arith.addi %mul3A_1912, %add3A_1913 : i32
      %dma_start3A_1915 = arith.constant 2 : i32
      %dma_start3A_1916 = arith.constant 2 : i32
      %dma_start3A_1917 = arith.constant 0 : i32
      %dma_start3A_1918 = arith.constant 0 : i32
      %dma_start3A_1919 = tpu.memref_slice %arg6[%dma_start3A_1915, %dma_start3A_1917, %dma_start3A_1918] : memref<4x200x128xf32, #tpu.memory_space<vmem>> -> memref<1x128x128xf32, #tpu.memory_space<vmem>>
      %dma_start3A_1920 = tpu.memref_squeeze %dma_start3A_1919 : memref<1x128x128xf32, #tpu.memory_space<vmem>> -> memref<128x128xf32, #tpu.memory_space<vmem>>
      %dma_start3A_1921 = tpu.memref_slice %arg5[%add3A_1914] : memref<25600xi32, #tpu.memory_space<vmem>> -> memref<128xi32, #tpu.memory_space<vmem>>
      %dma_start3A_1922 = arith.constant 0 : i32
      %dma_start3A_1923 = arith.constant 0 : i32
      %dma_start3A_1924 = tpu.memref_slice %arg2[%dma_start3A_1922, %dma_start3A_1923] : memref<29599x128xf32, #tpu.memory_space<hbm>> -> memref<29599x128xf32, #tpu.memory_space<hbm>>
      %dma_start3A_1925 = tpu.memref_slice %arg7[%dma_start3A_1916] : memref<4x!tpu.dma_semaphore, #tpu.memory_space<semaphore_mem>> -> memref<1x!tpu.dma_semaphore, #tpu.memory_space<semaphore_mem>>
      %dma_start3A_1926 = tpu.memref_squeeze %dma_start3A_1925 : memref<1x!tpu.dma_semaphore, #tpu.memory_space<semaphore_mem>> -> memref<!tpu.dma_semaphore, #tpu.memory_space<semaphore_mem>>
      tpu.enqueue_indirect_dma source(%dma_start3A_1924 : memref<29599x128xf32, #tpu.memory_space<hbm>>) target(%dma_start3A_1920 : memref<128x128xf32, #tpu.memory_space<vmem>>) offsets(%dma_start3A_1921 : memref<128xi32, #tpu.memory_space<vmem>>) semaphore(%dma_start3A_1926 : memref<!tpu.dma_semaphore, #tpu.memory_space<semaphore_mem>>)
      %mul3A_1927 = arith.constant 200 : i32
      %mul3A_1928 = arith.muli %add3A_1910, %mul3A_1927 : i32
      %add3A_1929 = arith.constant 128 : i32
      %add3A_1930 = arith.addi %mul3A_1928, %add3A_1929 : i32
      %dma_start3A_1931 = arith.constant 2 : i32
      %dma_start3A_1932 = arith.constant 2 : i32
      %dma_start3A_1933 = arith.constant 128 : i32
      %dma_start3A_1934 = arith.constant 0 : i32
      %dma_start3A_1935 = tpu.memref_slice %arg6[%dma_start3A_1931, %dma_start3A_1933, %dma_start3A_1934] : memref<4x200x128xf32, #tpu.memory_space<vmem>> -> memref<1x72x128xf32, #tpu.memory_space<vmem>>
      %dma_start3A_1936 = tpu.memref_squeeze %dma_start3A_1935 : memref<1x72x128xf32, #tpu.memory_space<vmem>> -> memref<72x128xf32, #tpu.memory_space<vmem>>
      %dma_start3A_1937 = tpu.memref_slice %arg5[%add3A_1930] : memref<25600xi32, #tpu.memory_space<vmem>> -> memref<72xi32, #tpu.memory_space<vmem>>
      %dma_start3A_1938 = arith.constant 0 : i32
      %dma_start3A_1939 = arith.constant 0 : i32
      %dma_start3A_1940 = tpu.memref_slice %arg2[%dma_start3A_1938, %dma_start3A_1939] : memref<29599x128xf32, #tpu.memory_space<hbm>> -> memref<29599x128xf32, #tpu.memory_space<hbm>>
      %dma_start3A_1941 = tpu.memref_slice %arg7[%dma_start3A_1932] : memref<4x!tpu.dma_semaphore, #tpu.memory_space<semaphore_mem>> -> memref<1x!tpu.dma_semaphore, #tpu.memory_space<semaphore_mem>>
      %dma_start3A_1942 = tpu.memref_squeeze %dma_start3A_1941 : memref<1x!tpu.dma_semaphore, #tpu.memory_space<semaphore_mem>> -> memref<!tpu.dma_semaphore, #tpu.memory_space<semaphore_mem>>
      tpu.enqueue_indirect_dma source(%dma_start3A_1940 : memref<29599x128xf32, #tpu.memory_space<hbm>>) target(%dma_start3A_1936 : memref<72x128xf32, #tpu.memory_space<vmem>>) offsets(%dma_start3A_1937 : memref<72xi32, #tpu.memory_space<vmem>>) semaphore(%dma_start3A_1942 : memref<!tpu.dma_semaphore, #tpu.memory_space<semaphore_mem>>)
      %mul3A_1943 = arith.constant 4 : i32
      %mul3A_1944 = arith.muli %scan3A_983, %mul3A_1943 : i32
      %add3A_1945 = arith.constant 3 : i32
      %add3A_1946 = arith.addi %mul3A_1944, %add3A_1945 : i32
      %mul3A_1947 = arith.constant 4 : i32
      %mul3A_1948 = arith.muli %add3A_1946, %mul3A_1947 : i32
      %add3A_1949 = arith.addi %mul3A_2, %mul3A_1948 : i32
      %add3A_1950 = arith.constant 0 : i32
      %add3A_1951 = arith.addi %add3A_1949, %add3A_1950 : i32
      %dma_wait3A_1952 = arith.constant 3 : i32
      %dma_wait3A_1953 = arith.constant 3 : i32
      %dma_wait3A_1954 = arith.constant 0 : i32
      %dma_wait3A_1955 = arith.constant 0 : i32
      %dma_wait3A_1956 = tpu.memref_slice %arg6[%dma_wait3A_1952, %dma_wait3A_1954, %dma_wait3A_1955] : memref<4x200x128xf32, #tpu.memory_space<vmem>> -> memref<1x50x128xf32, #tpu.memory_space<vmem>>
      %dma_wait3A_1957 = tpu.memref_squeeze %dma_wait3A_1956 : memref<1x50x128xf32, #tpu.memory_space<vmem>> -> memref<50x128xf32, #tpu.memory_space<vmem>>
      %dma_wait3A_1958 = arith.constant 0 : i32
      %dma_wait3A_1959 = arith.constant 0 : i32
      %dma_wait3A_1960 = tpu.memref_slice %arg4[%add3A_1951, %dma_wait3A_1958, %dma_wait3A_1959] : memref<16384x50x128xf32, #tpu.memory_space<hbm>> -> memref<1x50x128xf32, #tpu.memory_space<hbm>>
      %dma_wait3A_1961 = tpu.memref_squeeze %dma_wait3A_1960 : memref<1x50x128xf32, #tpu.memory_space<hbm>> -> memref<50x128xf32, #tpu.memory_space<hbm>>
      %dma_wait3A_1962 = tpu.memref_slice %arg8[%dma_wait3A_1953] : memref<4x!tpu.dma_semaphore, #tpu.memory_space<semaphore_mem>> -> memref<1x!tpu.dma_semaphore, #tpu.memory_space<semaphore_mem>>
      %dma_wait3A_1963 = tpu.memref_squeeze %dma_wait3A_1962 : memref<1x!tpu.dma_semaphore, #tpu.memory_space<semaphore_mem>> -> memref<!tpu.dma_semaphore, #tpu.memory_space<semaphore_mem>>
      %dma_wait3A_1964 = arith.constant 0 : i32
      %dma_wait3A_1965 = arith.constant 0 : i32
      %dma_wait3A_1966 = tpu.memref_slice %arg4[%add3A_1951, %dma_wait3A_1964, %dma_wait3A_1965] : memref<16384x50x128xf32, #tpu.memory_space<hbm>> -> memref<1x50x128xf32, #tpu.memory_space<hbm>>
      %dma_wait3A_1967 = tpu.memref_squeeze %dma_wait3A_1966 : memref<1x50x128xf32, #tpu.memory_space<hbm>> -> memref<50x128xf32, #tpu.memory_space<hbm>>
      %dma_wait3A_1968 = arith.constant 0 : i32
      %dma_wait3A_1969 = arith.constant 0 : i32
      %dma_wait3A_1970 = tpu.memref_slice %arg6[%dma_wait3A_1952, %dma_wait3A_1968, %dma_wait3A_1969] : memref<4x200x128xf32, #tpu.memory_space<vmem>> -> memref<1x50x128xf32, #tpu.memory_space<vmem>>
      %dma_wait3A_1971 = tpu.memref_squeeze %dma_wait3A_1970 : memref<1x50x128xf32, #tpu.memory_space<vmem>> -> memref<50x128xf32, #tpu.memory_space<vmem>>
      tpu.wait_dma2 semaphore(%dma_wait3A_1963 : memref<!tpu.dma_semaphore, #tpu.memory_space<semaphore_mem>>) src(%dma_wait3A_1971 : memref<50x128xf32, #tpu.memory_space<vmem>>) dst(%dma_wait3A_1967 : memref<50x128xf32, #tpu.memory_space<hbm>>)
      %mul3A_1972 = arith.constant 4 : i32
      %mul3A_1973 = arith.muli %add3A_1946, %mul3A_1972 : i32
      %add3A_1974 = arith.addi %mul3A_2, %mul3A_1973 : i32
      %add3A_1975 = arith.constant 1 : i32
      %add3A_1976 = arith.addi %add3A_1974, %add3A_1975 : i32
      %dma_wait3A_1977 = arith.constant 3 : i32
      %dma_wait3A_1978 = arith.constant 3 : i32
      %dma_wait3A_1979 = arith.constant 50 : i32
      %dma_wait3A_1980 = arith.constant 0 : i32
      %dma_wait3A_1981 = tpu.memref_slice %arg6[%dma_wait3A_1977, %dma_wait3A_1979, %dma_wait3A_1980] : memref<4x200x128xf32, #tpu.memory_space<vmem>> -> memref<1x50x128xf32, #tpu.memory_space<vmem>>
      %dma_wait3A_1982 = tpu.memref_squeeze %dma_wait3A_1981 : memref<1x50x128xf32, #tpu.memory_space<vmem>> -> memref<50x128xf32, #tpu.memory_space<vmem>>
      %dma_wait3A_1983 = arith.constant 0 : i32
      %dma_wait3A_1984 = arith.constant 0 : i32
      %dma_wait3A_1985 = tpu.memref_slice %arg4[%add3A_1976, %dma_wait3A_1983, %dma_wait3A_1984] : memref<16384x50x128xf32, #tpu.memory_space<hbm>> -> memref<1x50x128xf32, #tpu.memory_space<hbm>>
      %dma_wait3A_1986 = tpu.memref_squeeze %dma_wait3A_1985 : memref<1x50x128xf32, #tpu.memory_space<hbm>> -> memref<50x128xf32, #tpu.memory_space<hbm>>
      %dma_wait3A_1987 = tpu.memref_slice %arg8[%dma_wait3A_1978] : memref<4x!tpu.dma_semaphore, #tpu.memory_space<semaphore_mem>> -> memref<1x!tpu.dma_semaphore, #tpu.memory_space<semaphore_mem>>
      %dma_wait3A_1988 = tpu.memref_squeeze %dma_wait3A_1987 : memref<1x!tpu.dma_semaphore, #tpu.memory_space<semaphore_mem>> -> memref<!tpu.dma_semaphore, #tpu.memory_space<semaphore_mem>>
      %dma_wait3A_1989 = arith.constant 0 : i32
      %dma_wait3A_1990 = arith.constant 0 : i32
      %dma_wait3A_1991 = tpu.memref_slice %arg4[%add3A_1976, %dma_wait3A_1989, %dma_wait3A_1990] : memref<16384x50x128xf32, #tpu.memory_space<hbm>> -> memref<1x50x128xf32, #tpu.memory_space<hbm>>
      %dma_wait3A_1992 = tpu.memref_squeeze %dma_wait3A_1991 : memref<1x50x128xf32, #tpu.memory_space<hbm>> -> memref<50x128xf32, #tpu.memory_space<hbm>>
      %dma_wait3A_1993 = arith.constant 50 : i32
      %dma_wait3A_1994 = arith.constant 0 : i32
      %dma_wait3A_1995 = tpu.memref_slice %arg6[%dma_wait3A_1977, %dma_wait3A_1993, %dma_wait3A_1994] : memref<4x200x128xf32, #tpu.memory_space<vmem>> -> memref<1x50x128xf32, #tpu.memory_space<vmem>>
      %dma_wait3A_1996 = tpu.memref_squeeze %dma_wait3A_1995 : memref<1x50x128xf32, #tpu.memory_space<vmem>> -> memref<50x128xf32, #tpu.memory_space<vmem>>
      tpu.wait_dma2 semaphore(%dma_wait3A_1988 : memref<!tpu.dma_semaphore, #tpu.memory_space<semaphore_mem>>) src(%dma_wait3A_1996 : memref<50x128xf32, #tpu.memory_space<vmem>>) dst(%dma_wait3A_1992 : memref<50x128xf32, #tpu.memory_space<hbm>>)
      %mul3A_1997 = arith.constant 4 : i32
      %mul3A_1998 = arith.muli %add3A_1946, %mul3A_1997 : i32
      %add3A_1999 = arith.addi %mul3A_2, %mul3A_1998 : i32
      %add3A_2000 = arith.constant 2 : i32
      %add3A_2001 = arith.addi %add3A_1999, %add3A_2000 : i32
      %dma_wait3A_2002 = arith.constant 3 : i32
      %dma_wait3A_2003 = arith.constant 3 : i32
      %dma_wait3A_2004 = arith.constant 100 : i32
      %dma_wait3A_2005 = arith.constant 0 : i32
      %dma_wait3A_2006 = tpu.memref_slice %arg6[%dma_wait3A_2002, %dma_wait3A_2004, %dma_wait3A_2005] : memref<4x200x128xf32, #tpu.memory_space<vmem>> -> memref<1x50x128xf32, #tpu.memory_space<vmem>>
      %dma_wait3A_2007 = tpu.memref_squeeze %dma_wait3A_2006 : memref<1x50x128xf32, #tpu.memory_space<vmem>> -> memref<50x128xf32, #tpu.memory_space<vmem>>
      %dma_wait3A_2008 = arith.constant 0 : i32
      %dma_wait3A_2009 = arith.constant 0 : i32
      %dma_wait3A_2010 = tpu.memref_slice %arg4[%add3A_2001, %dma_wait3A_2008, %dma_wait3A_2009] : memref<16384x50x128xf32, #tpu.memory_space<hbm>> -> memref<1x50x128xf32, #tpu.memory_space<hbm>>
      %dma_wait3A_2011 = tpu.memref_squeeze %dma_wait3A_2010 : memref<1x50x128xf32, #tpu.memory_space<hbm>> -> memref<50x128xf32, #tpu.memory_space<hbm>>
      %dma_wait3A_2012 = tpu.memref_slice %arg8[%dma_wait3A_2003] : memref<4x!tpu.dma_semaphore, #tpu.memory_space<semaphore_mem>> -> memref<1x!tpu.dma_semaphore, #tpu.memory_space<semaphore_mem>>
      %dma_wait3A_2013 = tpu.memref_squeeze %dma_wait3A_2012 : memref<1x!tpu.dma_semaphore, #tpu.memory_space<semaphore_mem>> -> memref<!tpu.dma_semaphore, #tpu.memory_space<semaphore_mem>>
      %dma_wait3A_2014 = arith.constant 0 : i32
      %dma_wait3A_2015 = arith.constant 0 : i32
      %dma_wait3A_2016 = tpu.memref_slice %arg4[%add3A_2001, %dma_wait3A_2014, %dma_wait3A_2015] : memref<16384x50x128xf32, #tpu.memory_space<hbm>> -> memref<1x50x128xf32, #tpu.memory_space<hbm>>
      %dma_wait3A_2017 = tpu.memref_squeeze %dma_wait3A_2016 : memref<1x50x128xf32, #tpu.memory_space<hbm>> -> memref<50x128xf32, #tpu.memory_space<hbm>>
      %dma_wait3A_2018 = arith.constant 100 : i32
      %dma_wait3A_2019 = arith.constant 0 : i32
      %dma_wait3A_2020 = tpu.memref_slice %arg6[%dma_wait3A_2002, %dma_wait3A_2018, %dma_wait3A_2019] : memref<4x200x128xf32, #tpu.memory_space<vmem>> -> memref<1x50x128xf32, #tpu.memory_space<vmem>>
      %dma_wait3A_2021 = tpu.memref_squeeze %dma_wait3A_2020 : memref<1x50x128xf32, #tpu.memory_space<vmem>> -> memref<50x128xf32, #tpu.memory_space<vmem>>
      tpu.wait_dma2 semaphore(%dma_wait3A_2013 : memref<!tpu.dma_semaphore, #tpu.memory_space<semaphore_mem>>) src(%dma_wait3A_2021 : memref<50x128xf32, #tpu.memory_space<vmem>>) dst(%dma_wait3A_2017 : memref<50x128xf32, #tpu.memory_space<hbm>>)
      %mul3A_2022 = arith.constant 4 : i32
      %mul3A_2023 = arith.muli %add3A_1946, %mul3A_2022 : i32
      %add3A_2024 = arith.addi %mul3A_2, %mul3A_2023 : i32
      %add3A_2025 = arith.constant 3 : i32
      %add3A_2026 = arith.addi %add3A_2024, %add3A_2025 : i32
      %dma_wait3A_2027 = arith.constant 3 : i32
      %dma_wait3A_2028 = arith.constant 3 : i32
      %dma_wait3A_2029 = arith.constant 150 : i32
      %dma_wait3A_2030 = arith.constant 0 : i32
      %dma_wait3A_2031 = tpu.memref_slice %arg6[%dma_wait3A_2027, %dma_wait3A_2029, %dma_wait3A_2030] : memref<4x200x128xf32, #tpu.memory_space<vmem>> -> memref<1x50x128xf32, #tpu.memory_space<vmem>>
      %dma_wait3A_2032 = tpu.memref_squeeze %dma_wait3A_2031 : memref<1x50x128xf32, #tpu.memory_space<vmem>> -> memref<50x128xf32, #tpu.memory_space<vmem>>
      %dma_wait3A_2033 = arith.constant 0 : i32
      %dma_wait3A_2034 = arith.constant 0 : i32
      %dma_wait3A_2035 = tpu.memref_slice %arg4[%add3A_2026, %dma_wait3A_2033, %dma_wait3A_2034] : memref<16384x50x128xf32, #tpu.memory_space<hbm>> -> memref<1x50x128xf32, #tpu.memory_space<hbm>>
      %dma_wait3A_2036 = tpu.memref_squeeze %dma_wait3A_2035 : memref<1x50x128xf32, #tpu.memory_space<hbm>> -> memref<50x128xf32, #tpu.memory_space<hbm>>
      %dma_wait3A_2037 = tpu.memref_slice %arg8[%dma_wait3A_2028] : memref<4x!tpu.dma_semaphore, #tpu.memory_space<semaphore_mem>> -> memref<1x!tpu.dma_semaphore, #tpu.memory_space<semaphore_mem>>
      %dma_wait3A_2038 = tpu.memref_squeeze %dma_wait3A_2037 : memref<1x!tpu.dma_semaphore, #tpu.memory_space<semaphore_mem>> -> memref<!tpu.dma_semaphore, #tpu.memory_space<semaphore_mem>>
      %dma_wait3A_2039 = arith.constant 0 : i32
      %dma_wait3A_2040 = arith.constant 0 : i32
      %dma_wait3A_2041 = tpu.memref_slice %arg4[%add3A_2026, %dma_wait3A_2039, %dma_wait3A_2040] : memref<16384x50x128xf32, #tpu.memory_space<hbm>> -> memref<1x50x128xf32, #tpu.memory_space<hbm>>
      %dma_wait3A_2042 = tpu.memref_squeeze %dma_wait3A_2041 : memref<1x50x128xf32, #tpu.memory_space<hbm>> -> memref<50x128xf32, #tpu.memory_space<hbm>>
      %dma_wait3A_2043 = arith.constant 150 : i32
      %dma_wait3A_2044 = arith.constant 0 : i32
      %dma_wait3A_2045 = tpu.memref_slice %arg6[%dma_wait3A_2027, %dma_wait3A_2043, %dma_wait3A_2044] : memref<4x200x128xf32, #tpu.memory_space<vmem>> -> memref<1x50x128xf32, #tpu.memory_space<vmem>>
      %dma_wait3A_2046 = tpu.memref_squeeze %dma_wait3A_2045 : memref<1x50x128xf32, #tpu.memory_space<vmem>> -> memref<50x128xf32, #tpu.memory_space<vmem>>
      tpu.wait_dma2 semaphore(%dma_wait3A_2038 : memref<!tpu.dma_semaphore, #tpu.memory_space<semaphore_mem>>) src(%dma_wait3A_2046 : memref<50x128xf32, #tpu.memory_space<vmem>>) dst(%dma_wait3A_2042 : memref<50x128xf32, #tpu.memory_space<hbm>>)
      %add3A_2047 = arith.constant 4 : i32
      %add3A_2048 = arith.addi %add3A_1946, %add3A_2047 : i32
      %mul3A_2049 = arith.constant 200 : i32
      %mul3A_2050 = arith.muli %add3A_2048, %mul3A_2049 : i32
      %add3A_2051 = arith.constant 0 : i32
      %add3A_2052 = arith.addi %mul3A_2050, %add3A_2051 : i32
      %dma_start3A_2053 = arith.constant 3 : i32
      %dma_start3A_2054 = arith.constant 3 : i32
      %dma_start3A_2055 = arith.constant 0 : i32
      %dma_start3A_2056 = arith.constant 0 : i32
      %dma_start3A_2057 = tpu.memref_slice %arg6[%dma_start3A_2053, %dma_start3A_2055, %dma_start3A_2056] : memref<4x200x128xf32, #tpu.memory_space<vmem>> -> memref<1x128x128xf32, #tpu.memory_space<vmem>>
      %dma_start3A_2058 = tpu.memref_squeeze %dma_start3A_2057 : memref<1x128x128xf32, #tpu.memory_space<vmem>> -> memref<128x128xf32, #tpu.memory_space<vmem>>
      %dma_start3A_2059 = tpu.memref_slice %arg5[%add3A_2052] : memref<25600xi32, #tpu.memory_space<vmem>> -> memref<128xi32, #tpu.memory_space<vmem>>
      %dma_start3A_2060 = arith.constant 0 : i32
      %dma_start3A_2061 = arith.constant 0 : i32
      %dma_start3A_2062 = tpu.memref_slice %arg2[%dma_start3A_2060, %dma_start3A_2061] : memref<29599x128xf32, #tpu.memory_space<hbm>> -> memref<29599x128xf32, #tpu.memory_space<hbm>>
      %dma_start3A_2063 = tpu.memref_slice %arg7[%dma_start3A_2054] : memref<4x!tpu.dma_semaphore, #tpu.memory_space<semaphore_mem>> -> memref<1x!tpu.dma_semaphore, #tpu.memory_space<semaphore_mem>>
      %dma_start3A_2064 = tpu.memref_squeeze %dma_start3A_2063 : memref<1x!tpu.dma_semaphore, #tpu.memory_space<semaphore_mem>> -> memref<!tpu.dma_semaphore, #tpu.memory_space<semaphore_mem>>
      tpu.enqueue_indirect_dma source(%dma_start3A_2062 : memref<29599x128xf32, #tpu.memory_space<hbm>>) target(%dma_start3A_2058 : memref<128x128xf32, #tpu.memory_space<vmem>>) offsets(%dma_start3A_2059 : memref<128xi32, #tpu.memory_space<vmem>>) semaphore(%dma_start3A_2064 : memref<!tpu.dma_semaphore, #tpu.memory_space<semaphore_mem>>)
      %mul3A_2065 = arith.constant 200 : i32
      %mul3A_2066 = arith.muli %add3A_2048, %mul3A_2065 : i32
      %add3A_2067 = arith.constant 128 : i32
      %add3A_2068 = arith.addi %mul3A_2066, %add3A_2067 : i32
      %dma_start3A_2069 = arith.constant 3 : i32
      %dma_start3A_2070 = arith.constant 3 : i32
      %dma_start3A_2071 = arith.constant 128 : i32
      %dma_start3A_2072 = arith.constant 0 : i32
      %dma_start3A_2073 = tpu.memref_slice %arg6[%dma_start3A_2069, %dma_start3A_2071, %dma_start3A_2072] : memref<4x200x128xf32, #tpu.memory_space<vmem>> -> memref<1x72x128xf32, #tpu.memory_space<vmem>>
      %dma_start3A_2074 = tpu.memref_squeeze %dma_start3A_2073 : memref<1x72x128xf32, #tpu.memory_space<vmem>> -> memref<72x128xf32, #tpu.memory_space<vmem>>
      %dma_start3A_2075 = tpu.memref_slice %arg5[%add3A_2068] : memref<25600xi32, #tpu.memory_space<vmem>> -> memref<72xi32, #tpu.memory_space<vmem>>
      %dma_start3A_2076 = arith.constant 0 : i32
      %dma_start3A_2077 = arith.constant 0 : i32
      %dma_start3A_2078 = tpu.memref_slice %arg2[%dma_start3A_2076, %dma_start3A_2077] : memref<29599x128xf32, #tpu.memory_space<hbm>> -> memref<29599x128xf32, #tpu.memory_space<hbm>>
      %dma_start3A_2079 = tpu.memref_slice %arg7[%dma_start3A_2070] : memref<4x!tpu.dma_semaphore, #tpu.memory_space<semaphore_mem>> -> memref<1x!tpu.dma_semaphore, #tpu.memory_space<semaphore_mem>>
      %dma_start3A_2080 = tpu.memref_squeeze %dma_start3A_2079 : memref<1x!tpu.dma_semaphore, #tpu.memory_space<semaphore_mem>> -> memref<!tpu.dma_semaphore, #tpu.memory_space<semaphore_mem>>
      tpu.enqueue_indirect_dma source(%dma_start3A_2078 : memref<29599x128xf32, #tpu.memory_space<hbm>>) target(%dma_start3A_2074 : memref<72x128xf32, #tpu.memory_space<vmem>>) offsets(%dma_start3A_2075 : memref<72xi32, #tpu.memory_space<vmem>>) semaphore(%dma_start3A_2080 : memref<!tpu.dma_semaphore, #tpu.memory_space<semaphore_mem>>)
      %scan3A_2081 = arith.constant 0 : i32
      scf.yield %scan3A_2081 : i32
    }
    %scan3A_111 = arith.constant 31 : i32
    %dma_wait3A = arith.constant 0 : i32
    %dma_wait3A_112 = arith.constant 0 : i32
    %dma_wait3A_113 = arith.constant 0 : i32
    %dma_wait3A_114 = arith.constant 0 : i32
    %dma_wait3A_115 = tpu.memref_slice %arg6[%dma_wait3A, %dma_wait3A_113, %dma_wait3A_114] : memref<4x200x128xf32, #tpu.memory_space<vmem>> -> memref<1x128x128xf32, #tpu.memory_space<vmem>>
    %dma_wait3A_116 = tpu.memref_squeeze %dma_wait3A_115 : memref<1x128x128xf32, #tpu.memory_space<vmem>> -> memref<128x128xf32, #tpu.memory_space<vmem>>
    %dma_wait3A_117 = arith.constant 24800 : i32
    %dma_wait3A_118 = tpu.memref_slice %arg5[%dma_wait3A_117] : memref<25600xi32, #tpu.memory_space<vmem>> -> memref<128xi32, #tpu.memory_space<vmem>>
    %dma_wait3A_119 = arith.constant 0 : i32
    %dma_wait3A_120 = arith.constant 0 : i32
    %dma_wait3A_121 = tpu.memref_slice %arg2[%dma_wait3A_119, %dma_wait3A_120] : memref<29599x128xf32, #tpu.memory_space<hbm>> -> memref<29599x128xf32, #tpu.memory_space<hbm>>
    %dma_wait3A_122 = tpu.memref_slice %arg7[%dma_wait3A_112] : memref<4x!tpu.dma_semaphore, #tpu.memory_space<semaphore_mem>> -> memref<1x!tpu.dma_semaphore, #tpu.memory_space<semaphore_mem>>
    %dma_wait3A_123 = tpu.memref_squeeze %dma_wait3A_122 : memref<1x!tpu.dma_semaphore, #tpu.memory_space<semaphore_mem>> -> memref<!tpu.dma_semaphore, #tpu.memory_space<semaphore_mem>>
    tpu.wait_indirect_dma semaphore(%dma_wait3A_123 : memref<!tpu.dma_semaphore, #tpu.memory_space<semaphore_mem>>) src(%dma_wait3A_121 : memref<29599x128xf32, #tpu.memory_space<hbm>>) dst(%dma_wait3A_116 : memref<128x128xf32, #tpu.memory_space<vmem>>)
    %dma_wait3A_124 = arith.constant 0 : i32
    %dma_wait3A_125 = arith.constant 0 : i32
    %dma_wait3A_126 = arith.constant 128 : i32
    %dma_wait3A_127 = arith.constant 0 : i32
    %dma_wait3A_128 = tpu.memref_slice %arg6[%dma_wait3A_124, %dma_wait3A_126, %dma_wait3A_127] : memref<4x200x128xf32, #tpu.memory_space<vmem>> -> memref<1x72x128xf32, #tpu.memory_space<vmem>>
    %dma_wait3A_129 = tpu.memref_squeeze %dma_wait3A_128 : memref<1x72x128xf32, #tpu.memory_space<vmem>> -> memref<72x128xf32, #tpu.memory_space<vmem>>
    %dma_wait3A_130 = arith.constant 24928 : i32
    %dma_wait3A_131 = tpu.memref_slice %arg5[%dma_wait3A_130] : memref<25600xi32, #tpu.memory_space<vmem>> -> memref<72xi32, #tpu.memory_space<vmem>>
    %dma_wait3A_132 = arith.constant 0 : i32
    %dma_wait3A_133 = arith.constant 0 : i32
    %dma_wait3A_134 = tpu.memref_slice %arg2[%dma_wait3A_132, %dma_wait3A_133] : memref<29599x128xf32, #tpu.memory_space<hbm>> -> memref<29599x128xf32, #tpu.memory_space<hbm>>
    %dma_wait3A_135 = tpu.memref_slice %arg7[%dma_wait3A_125] : memref<4x!tpu.dma_semaphore, #tpu.memory_space<semaphore_mem>> -> memref<1x!tpu.dma_semaphore, #tpu.memory_space<semaphore_mem>>
    %dma_wait3A_136 = tpu.memref_squeeze %dma_wait3A_135 : memref<1x!tpu.dma_semaphore, #tpu.memory_space<semaphore_mem>> -> memref<!tpu.dma_semaphore, #tpu.memory_space<semaphore_mem>>
    tpu.wait_indirect_dma semaphore(%dma_wait3A_136 : memref<!tpu.dma_semaphore, #tpu.memory_space<semaphore_mem>>) src(%dma_wait3A_134 : memref<29599x128xf32, #tpu.memory_space<hbm>>) dst(%dma_wait3A_129 : memref<72x128xf32, #tpu.memory_space<vmem>>)
    %add3A_137 = arith.constant 496 : i32
    %add3A_138 = arith.addi %mul3A_2, %add3A_137 : i32
    %add3A_139 = arith.constant 0 : i32
    %add3A_140 = arith.addi %add3A_138, %add3A_139 : i32
    %dma_start3A_141 = arith.constant 0 : i32
    %dma_start3A_142 = arith.constant 0 : i32
    %dma_start3A_143 = arith.constant 0 : i32
    %dma_start3A_144 = arith.constant 0 : i32
    %dma_start3A_145 = tpu.memref_slice %arg6[%dma_start3A_141, %dma_start3A_143, %dma_start3A_144] : memref<4x200x128xf32, #tpu.memory_space<vmem>> -> memref<1x50x128xf32, #tpu.memory_space<vmem>>
    %dma_start3A_146 = tpu.memref_squeeze %dma_start3A_145 : memref<1x50x128xf32, #tpu.memory_space<vmem>> -> memref<50x128xf32, #tpu.memory_space<vmem>>
    %dma_start3A_147 = arith.constant 0 : i32
    %dma_start3A_148 = arith.constant 0 : i32
    %dma_start3A_149 = tpu.memref_slice %arg4[%add3A_140, %dma_start3A_147, %dma_start3A_148] : memref<16384x50x128xf32, #tpu.memory_space<hbm>> -> memref<1x50x128xf32, #tpu.memory_space<hbm>>
    %dma_start3A_150 = tpu.memref_squeeze %dma_start3A_149 : memref<1x50x128xf32, #tpu.memory_space<hbm>> -> memref<50x128xf32, #tpu.memory_space<hbm>>
    %dma_start3A_151 = tpu.memref_slice %arg8[%dma_start3A_142] : memref<4x!tpu.dma_semaphore, #tpu.memory_space<semaphore_mem>> -> memref<1x!tpu.dma_semaphore, #tpu.memory_space<semaphore_mem>>
    %dma_start3A_152 = tpu.memref_squeeze %dma_start3A_151 : memref<1x!tpu.dma_semaphore, #tpu.memory_space<semaphore_mem>> -> memref<!tpu.dma_semaphore, #tpu.memory_space<semaphore_mem>>
    %dma_start3A_153 = arith.constant 0 : i32
    %dma_start3A_154 = arith.constant 0 : i32
    %dma_start3A_155 = tpu.memref_slice %arg4[%add3A_140, %dma_start3A_153, %dma_start3A_154] : memref<16384x50x128xf32, #tpu.memory_space<hbm>> -> memref<1x50x128xf32, #tpu.memory_space<hbm>>
    %dma_start3A_156 = tpu.memref_squeeze %dma_start3A_155 : memref<1x50x128xf32, #tpu.memory_space<hbm>> -> memref<50x128xf32, #tpu.memory_space<hbm>>
    %dma_start3A_157 = arith.constant 0 : i32
    %dma_start3A_158 = arith.constant 0 : i32
    %dma_start3A_159 = tpu.memref_slice %arg6[%dma_start3A_141, %dma_start3A_157, %dma_start3A_158] : memref<4x200x128xf32, #tpu.memory_space<vmem>> -> memref<1x50x128xf32, #tpu.memory_space<vmem>>
    %dma_start3A_160 = tpu.memref_squeeze %dma_start3A_159 : memref<1x50x128xf32, #tpu.memory_space<vmem>> -> memref<50x128xf32, #tpu.memory_space<vmem>>
    tpu.enqueue_dma source(%dma_start3A_160 : memref<50x128xf32, #tpu.memory_space<vmem>>) target(%dma_start3A_156 : memref<50x128xf32, #tpu.memory_space<hbm>>) target_semaphore(%dma_start3A_152 : memref<!tpu.dma_semaphore, #tpu.memory_space<semaphore_mem>>)
    %add3A_161 = arith.constant 496 : i32
    %add3A_162 = arith.addi %mul3A_2, %add3A_161 : i32
    %add3A_163 = arith.constant 1 : i32
    %add3A_164 = arith.addi %add3A_162, %add3A_163 : i32
    %dma_start3A_165 = arith.constant 0 : i32
    %dma_start3A_166 = arith.constant 0 : i32
    %dma_start3A_167 = arith.constant 50 : i32
    %dma_start3A_168 = arith.constant 0 : i32
    %dma_start3A_169 = tpu.memref_slice %arg6[%dma_start3A_165, %dma_start3A_167, %dma_start3A_168] : memref<4x200x128xf32, #tpu.memory_space<vmem>> -> memref<1x50x128xf32, #tpu.memory_space<vmem>>
    %dma_start3A_170 = tpu.memref_squeeze %dma_start3A_169 : memref<1x50x128xf32, #tpu.memory_space<vmem>> -> memref<50x128xf32, #tpu.memory_space<vmem>>
    %dma_start3A_171 = arith.constant 0 : i32
    %dma_start3A_172 = arith.constant 0 : i32
    %dma_start3A_173 = tpu.memref_slice %arg4[%add3A_164, %dma_start3A_171, %dma_start3A_172] : memref<16384x50x128xf32, #tpu.memory_space<hbm>> -> memref<1x50x128xf32, #tpu.memory_space<hbm>>
    %dma_start3A_174 = tpu.memref_squeeze %dma_start3A_173 : memref<1x50x128xf32, #tpu.memory_space<hbm>> -> memref<50x128xf32, #tpu.memory_space<hbm>>
    %dma_start3A_175 = tpu.memref_slice %arg8[%dma_start3A_166] : memref<4x!tpu.dma_semaphore, #tpu.memory_space<semaphore_mem>> -> memref<1x!tpu.dma_semaphore, #tpu.memory_space<semaphore_mem>>
    %dma_start3A_176 = tpu.memref_squeeze %dma_start3A_175 : memref<1x!tpu.dma_semaphore, #tpu.memory_space<semaphore_mem>> -> memref<!tpu.dma_semaphore, #tpu.memory_space<semaphore_mem>>
    %dma_start3A_177 = arith.constant 0 : i32
    %dma_start3A_178 = arith.constant 0 : i32
    %dma_start3A_179 = tpu.memref_slice %arg4[%add3A_164, %dma_start3A_177, %dma_start3A_178] : memref<16384x50x128xf32, #tpu.memory_space<hbm>> -> memref<1x50x128xf32, #tpu.memory_space<hbm>>
    %dma_start3A_180 = tpu.memref_squeeze %dma_start3A_179 : memref<1x50x128xf32, #tpu.memory_space<hbm>> -> memref<50x128xf32, #tpu.memory_space<hbm>>
    %dma_start3A_181 = arith.constant 50 : i32
    %dma_start3A_182 = arith.constant 0 : i32
    %dma_start3A_183 = tpu.memref_slice %arg6[%dma_start3A_165, %dma_start3A_181, %dma_start3A_182] : memref<4x200x128xf32, #tpu.memory_space<vmem>> -> memref<1x50x128xf32, #tpu.memory_space<vmem>>
    %dma_start3A_184 = tpu.memref_squeeze %dma_start3A_183 : memref<1x50x128xf32, #tpu.memory_space<vmem>> -> memref<50x128xf32, #tpu.memory_space<vmem>>
    tpu.enqueue_dma source(%dma_start3A_184 : memref<50x128xf32, #tpu.memory_space<vmem>>) target(%dma_start3A_180 : memref<50x128xf32, #tpu.memory_space<hbm>>) target_semaphore(%dma_start3A_176 : memref<!tpu.dma_semaphore, #tpu.memory_space<semaphore_mem>>)
    %add3A_185 = arith.constant 496 : i32
    %add3A_186 = arith.addi %mul3A_2, %add3A_185 : i32
    %add3A_187 = arith.constant 2 : i32
    %add3A_188 = arith.addi %add3A_186, %add3A_187 : i32
    %dma_start3A_189 = arith.constant 0 : i32
    %dma_start3A_190 = arith.constant 0 : i32
    %dma_start3A_191 = arith.constant 100 : i32
    %dma_start3A_192 = arith.constant 0 : i32
    %dma_start3A_193 = tpu.memref_slice %arg6[%dma_start3A_189, %dma_start3A_191, %dma_start3A_192] : memref<4x200x128xf32, #tpu.memory_space<vmem>> -> memref<1x50x128xf32, #tpu.memory_space<vmem>>
    %dma_start3A_194 = tpu.memref_squeeze %dma_start3A_193 : memref<1x50x128xf32, #tpu.memory_space<vmem>> -> memref<50x128xf32, #tpu.memory_space<vmem>>
    %dma_start3A_195 = arith.constant 0 : i32
    %dma_start3A_196 = arith.constant 0 : i32
    %dma_start3A_197 = tpu.memref_slice %arg4[%add3A_188, %dma_start3A_195, %dma_start3A_196] : memref<16384x50x128xf32, #tpu.memory_space<hbm>> -> memref<1x50x128xf32, #tpu.memory_space<hbm>>
    %dma_start3A_198 = tpu.memref_squeeze %dma_start3A_197 : memref<1x50x128xf32, #tpu.memory_space<hbm>> -> memref<50x128xf32, #tpu.memory_space<hbm>>
    %dma_start3A_199 = tpu.memref_slice %arg8[%dma_start3A_190] : memref<4x!tpu.dma_semaphore, #tpu.memory_space<semaphore_mem>> -> memref<1x!tpu.dma_semaphore, #tpu.memory_space<semaphore_mem>>
    %dma_start3A_200 = tpu.memref_squeeze %dma_start3A_199 : memref<1x!tpu.dma_semaphore, #tpu.memory_space<semaphore_mem>> -> memref<!tpu.dma_semaphore, #tpu.memory_space<semaphore_mem>>
    %dma_start3A_201 = arith.constant 0 : i32
    %dma_start3A_202 = arith.constant 0 : i32
    %dma_start3A_203 = tpu.memref_slice %arg4[%add3A_188, %dma_start3A_201, %dma_start3A_202] : memref<16384x50x128xf32, #tpu.memory_space<hbm>> -> memref<1x50x128xf32, #tpu.memory_space<hbm>>
    %dma_start3A_204 = tpu.memref_squeeze %dma_start3A_203 : memref<1x50x128xf32, #tpu.memory_space<hbm>> -> memref<50x128xf32, #tpu.memory_space<hbm>>
    %dma_start3A_205 = arith.constant 100 : i32
    %dma_start3A_206 = arith.constant 0 : i32
    %dma_start3A_207 = tpu.memref_slice %arg6[%dma_start3A_189, %dma_start3A_205, %dma_start3A_206] : memref<4x200x128xf32, #tpu.memory_space<vmem>> -> memref<1x50x128xf32, #tpu.memory_space<vmem>>
    %dma_start3A_208 = tpu.memref_squeeze %dma_start3A_207 : memref<1x50x128xf32, #tpu.memory_space<vmem>> -> memref<50x128xf32, #tpu.memory_space<vmem>>
    tpu.enqueue_dma source(%dma_start3A_208 : memref<50x128xf32, #tpu.memory_space<vmem>>) target(%dma_start3A_204 : memref<50x128xf32, #tpu.memory_space<hbm>>) target_semaphore(%dma_start3A_200 : memref<!tpu.dma_semaphore, #tpu.memory_space<semaphore_mem>>)
    %add3A_209 = arith.constant 496 : i32
    %add3A_210 = arith.addi %mul3A_2, %add3A_209 : i32
    %add3A_211 = arith.constant 3 : i32
    %add3A_212 = arith.addi %add3A_210, %add3A_211 : i32
    %dma_start3A_213 = arith.constant 0 : i32
    %dma_start3A_214 = arith.constant 0 : i32
    %dma_start3A_215 = arith.constant 150 : i32
    %dma_start3A_216 = arith.constant 0 : i32
    %dma_start3A_217 = tpu.memref_slice %arg6[%dma_start3A_213, %dma_start3A_215, %dma_start3A_216] : memref<4x200x128xf32, #tpu.memory_space<vmem>> -> memref<1x50x128xf32, #tpu.memory_space<vmem>>
    %dma_start3A_218 = tpu.memref_squeeze %dma_start3A_217 : memref<1x50x128xf32, #tpu.memory_space<vmem>> -> memref<50x128xf32, #tpu.memory_space<vmem>>
    %dma_start3A_219 = arith.constant 0 : i32
    %dma_start3A_220 = arith.constant 0 : i32
    %dma_start3A_221 = tpu.memref_slice %arg4[%add3A_212, %dma_start3A_219, %dma_start3A_220] : memref<16384x50x128xf32, #tpu.memory_space<hbm>> -> memref<1x50x128xf32, #tpu.memory_space<hbm>>
    %dma_start3A_222 = tpu.memref_squeeze %dma_start3A_221 : memref<1x50x128xf32, #tpu.memory_space<hbm>> -> memref<50x128xf32, #tpu.memory_space<hbm>>
    %dma_start3A_223 = tpu.memref_slice %arg8[%dma_start3A_214] : memref<4x!tpu.dma_semaphore, #tpu.memory_space<semaphore_mem>> -> memref<1x!tpu.dma_semaphore, #tpu.memory_space<semaphore_mem>>
    %dma_start3A_224 = tpu.memref_squeeze %dma_start3A_223 : memref<1x!tpu.dma_semaphore, #tpu.memory_space<semaphore_mem>> -> memref<!tpu.dma_semaphore, #tpu.memory_space<semaphore_mem>>
    %dma_start3A_225 = arith.constant 0 : i32
    %dma_start3A_226 = arith.constant 0 : i32
    %dma_start3A_227 = tpu.memref_slice %arg4[%add3A_212, %dma_start3A_225, %dma_start3A_226] : memref<16384x50x128xf32, #tpu.memory_space<hbm>> -> memref<1x50x128xf32, #tpu.memory_space<hbm>>
    %dma_start3A_228 = tpu.memref_squeeze %dma_start3A_227 : memref<1x50x128xf32, #tpu.memory_space<hbm>> -> memref<50x128xf32, #tpu.memory_space<hbm>>
    %dma_start3A_229 = arith.constant 150 : i32
    %dma_start3A_230 = arith.constant 0 : i32
    %dma_start3A_231 = tpu.memref_slice %arg6[%dma_start3A_213, %dma_start3A_229, %dma_start3A_230] : memref<4x200x128xf32, #tpu.memory_space<vmem>> -> memref<1x50x128xf32, #tpu.memory_space<vmem>>
    %dma_start3A_232 = tpu.memref_squeeze %dma_start3A_231 : memref<1x50x128xf32, #tpu.memory_space<vmem>> -> memref<50x128xf32, #tpu.memory_space<vmem>>
    tpu.enqueue_dma source(%dma_start3A_232 : memref<50x128xf32, #tpu.memory_space<vmem>>) target(%dma_start3A_228 : memref<50x128xf32, #tpu.memory_space<hbm>>) target_semaphore(%dma_start3A_224 : memref<!tpu.dma_semaphore, #tpu.memory_space<semaphore_mem>>)
    %dma_wait3A_233 = arith.constant 1 : i32
    %dma_wait3A_234 = arith.constant 1 : i32
    %dma_wait3A_235 = arith.constant 0 : i32
    %dma_wait3A_236 = arith.constant 0 : i32
    %dma_wait3A_237 = tpu.memref_slice %arg6[%dma_wait3A_233, %dma_wait3A_235, %dma_wait3A_236] : memref<4x200x128xf32, #tpu.memory_space<vmem>> -> memref<1x128x128xf32, #tpu.memory_space<vmem>>
    %dma_wait3A_238 = tpu.memref_squeeze %dma_wait3A_237 : memref<1x128x128xf32, #tpu.memory_space<vmem>> -> memref<128x128xf32, #tpu.memory_space<vmem>>
    %dma_wait3A_239 = arith.constant 25000 : i32
    %dma_wait3A_240 = tpu.memref_slice %arg5[%dma_wait3A_239] : memref<25600xi32, #tpu.memory_space<vmem>> -> memref<128xi32, #tpu.memory_space<vmem>>
    %dma_wait3A_241 = arith.constant 0 : i32
    %dma_wait3A_242 = arith.constant 0 : i32
    %dma_wait3A_243 = tpu.memref_slice %arg2[%dma_wait3A_241, %dma_wait3A_242] : memref<29599x128xf32, #tpu.memory_space<hbm>> -> memref<29599x128xf32, #tpu.memory_space<hbm>>
    %dma_wait3A_244 = tpu.memref_slice %arg7[%dma_wait3A_234] : memref<4x!tpu.dma_semaphore, #tpu.memory_space<semaphore_mem>> -> memref<1x!tpu.dma_semaphore, #tpu.memory_space<semaphore_mem>>
    %dma_wait3A_245 = tpu.memref_squeeze %dma_wait3A_244 : memref<1x!tpu.dma_semaphore, #tpu.memory_space<semaphore_mem>> -> memref<!tpu.dma_semaphore, #tpu.memory_space<semaphore_mem>>
    tpu.wait_indirect_dma semaphore(%dma_wait3A_245 : memref<!tpu.dma_semaphore, #tpu.memory_space<semaphore_mem>>) src(%dma_wait3A_243 : memref<29599x128xf32, #tpu.memory_space<hbm>>) dst(%dma_wait3A_238 : memref<128x128xf32, #tpu.memory_space<vmem>>)
    %dma_wait3A_246 = arith.constant 1 : i32
    %dma_wait3A_247 = arith.constant 1 : i32
    %dma_wait3A_248 = arith.constant 128 : i32
    %dma_wait3A_249 = arith.constant 0 : i32
    %dma_wait3A_250 = tpu.memref_slice %arg6[%dma_wait3A_246, %dma_wait3A_248, %dma_wait3A_249] : memref<4x200x128xf32, #tpu.memory_space<vmem>> -> memref<1x72x128xf32, #tpu.memory_space<vmem>>
    %dma_wait3A_251 = tpu.memref_squeeze %dma_wait3A_250 : memref<1x72x128xf32, #tpu.memory_space<vmem>> -> memref<72x128xf32, #tpu.memory_space<vmem>>
    %dma_wait3A_252 = arith.constant 25128 : i32
    %dma_wait3A_253 = tpu.memref_slice %arg5[%dma_wait3A_252] : memref<25600xi32, #tpu.memory_space<vmem>> -> memref<72xi32, #tpu.memory_space<vmem>>
    %dma_wait3A_254 = arith.constant 0 : i32
    %dma_wait3A_255 = arith.constant 0 : i32
    %dma_wait3A_256 = tpu.memref_slice %arg2[%dma_wait3A_254, %dma_wait3A_255] : memref<29599x128xf32, #tpu.memory_space<hbm>> -> memref<29599x128xf32, #tpu.memory_space<hbm>>
    %dma_wait3A_257 = tpu.memref_slice %arg7[%dma_wait3A_247] : memref<4x!tpu.dma_semaphore, #tpu.memory_space<semaphore_mem>> -> memref<1x!tpu.dma_semaphore, #tpu.memory_space<semaphore_mem>>
    %dma_wait3A_258 = tpu.memref_squeeze %dma_wait3A_257 : memref<1x!tpu.dma_semaphore, #tpu.memory_space<semaphore_mem>> -> memref<!tpu.dma_semaphore, #tpu.memory_space<semaphore_mem>>
    tpu.wait_indirect_dma semaphore(%dma_wait3A_258 : memref<!tpu.dma_semaphore, #tpu.memory_space<semaphore_mem>>) src(%dma_wait3A_256 : memref<29599x128xf32, #tpu.memory_space<hbm>>) dst(%dma_wait3A_251 : memref<72x128xf32, #tpu.memory_space<vmem>>)
    %add3A_259 = arith.constant 500 : i32
    %add3A_260 = arith.addi %mul3A_2, %add3A_259 : i32
    %add3A_261 = arith.constant 0 : i32
    %add3A_262 = arith.addi %add3A_260, %add3A_261 : i32
    %dma_start3A_263 = arith.constant 1 : i32
    %dma_start3A_264 = arith.constant 1 : i32
    %dma_start3A_265 = arith.constant 0 : i32
    %dma_start3A_266 = arith.constant 0 : i32
    %dma_start3A_267 = tpu.memref_slice %arg6[%dma_start3A_263, %dma_start3A_265, %dma_start3A_266] : memref<4x200x128xf32, #tpu.memory_space<vmem>> -> memref<1x50x128xf32, #tpu.memory_space<vmem>>
    %dma_start3A_268 = tpu.memref_squeeze %dma_start3A_267 : memref<1x50x128xf32, #tpu.memory_space<vmem>> -> memref<50x128xf32, #tpu.memory_space<vmem>>
    %dma_start3A_269 = arith.constant 0 : i32
    %dma_start3A_270 = arith.constant 0 : i32
    %dma_start3A_271 = tpu.memref_slice %arg4[%add3A_262, %dma_start3A_269, %dma_start3A_270] : memref<16384x50x128xf32, #tpu.memory_space<hbm>> -> memref<1x50x128xf32, #tpu.memory_space<hbm>>
    %dma_start3A_272 = tpu.memref_squeeze %dma_start3A_271 : memref<1x50x128xf32, #tpu.memory_space<hbm>> -> memref<50x128xf32, #tpu.memory_space<hbm>>
    %dma_start3A_273 = tpu.memref_slice %arg8[%dma_start3A_264] : memref<4x!tpu.dma_semaphore, #tpu.memory_space<semaphore_mem>> -> memref<1x!tpu.dma_semaphore, #tpu.memory_space<semaphore_mem>>
    %dma_start3A_274 = tpu.memref_squeeze %dma_start3A_273 : memref<1x!tpu.dma_semaphore, #tpu.memory_space<semaphore_mem>> -> memref<!tpu.dma_semaphore, #tpu.memory_space<semaphore_mem>>
    %dma_start3A_275 = arith.constant 0 : i32
    %dma_start3A_276 = arith.constant 0 : i32
    %dma_start3A_277 = tpu.memref_slice %arg4[%add3A_262, %dma_start3A_275, %dma_start3A_276] : memref<16384x50x128xf32, #tpu.memory_space<hbm>> -> memref<1x50x128xf32, #tpu.memory_space<hbm>>
    %dma_start3A_278 = tpu.memref_squeeze %dma_start3A_277 : memref<1x50x128xf32, #tpu.memory_space<hbm>> -> memref<50x128xf32, #tpu.memory_space<hbm>>
    %dma_start3A_279 = arith.constant 0 : i32
    %dma_start3A_280 = arith.constant 0 : i32
    %dma_start3A_281 = tpu.memref_slice %arg6[%dma_start3A_263, %dma_start3A_279, %dma_start3A_280] : memref<4x200x128xf32, #tpu.memory_space<vmem>> -> memref<1x50x128xf32, #tpu.memory_space<vmem>>
    %dma_start3A_282 = tpu.memref_squeeze %dma_start3A_281 : memref<1x50x128xf32, #tpu.memory_space<vmem>> -> memref<50x128xf32, #tpu.memory_space<vmem>>
    tpu.enqueue_dma source(%dma_start3A_282 : memref<50x128xf32, #tpu.memory_space<vmem>>) target(%dma_start3A_278 : memref<50x128xf32, #tpu.memory_space<hbm>>) target_semaphore(%dma_start3A_274 : memref<!tpu.dma_semaphore, #tpu.memory_space<semaphore_mem>>)
    %add3A_283 = arith.constant 500 : i32
    %add3A_284 = arith.addi %mul3A_2, %add3A_283 : i32
    %add3A_285 = arith.constant 1 : i32
    %add3A_286 = arith.addi %add3A_284, %add3A_285 : i32
    %dma_start3A_287 = arith.constant 1 : i32
    %dma_start3A_288 = arith.constant 1 : i32
    %dma_start3A_289 = arith.constant 50 : i32
    %dma_start3A_290 = arith.constant 0 : i32
    %dma_start3A_291 = tpu.memref_slice %arg6[%dma_start3A_287, %dma_start3A_289, %dma_start3A_290] : memref<4x200x128xf32, #tpu.memory_space<vmem>> -> memref<1x50x128xf32, #tpu.memory_space<vmem>>
    %dma_start3A_292 = tpu.memref_squeeze %dma_start3A_291 : memref<1x50x128xf32, #tpu.memory_space<vmem>> -> memref<50x128xf32, #tpu.memory_space<vmem>>
    %dma_start3A_293 = arith.constant 0 : i32
    %dma_start3A_294 = arith.constant 0 : i32
    %dma_start3A_295 = tpu.memref_slice %arg4[%add3A_286, %dma_start3A_293, %dma_start3A_294] : memref<16384x50x128xf32, #tpu.memory_space<hbm>> -> memref<1x50x128xf32, #tpu.memory_space<hbm>>
    %dma_start3A_296 = tpu.memref_squeeze %dma_start3A_295 : memref<1x50x128xf32, #tpu.memory_space<hbm>> -> memref<50x128xf32, #tpu.memory_space<hbm>>
    %dma_start3A_297 = tpu.memref_slice %arg8[%dma_start3A_288] : memref<4x!tpu.dma_semaphore, #tpu.memory_space<semaphore_mem>> -> memref<1x!tpu.dma_semaphore, #tpu.memory_space<semaphore_mem>>
    %dma_start3A_298 = tpu.memref_squeeze %dma_start3A_297 : memref<1x!tpu.dma_semaphore, #tpu.memory_space<semaphore_mem>> -> memref<!tpu.dma_semaphore, #tpu.memory_space<semaphore_mem>>
    %dma_start3A_299 = arith.constant 0 : i32
    %dma_start3A_300 = arith.constant 0 : i32
    %dma_start3A_301 = tpu.memref_slice %arg4[%add3A_286, %dma_start3A_299, %dma_start3A_300] : memref<16384x50x128xf32, #tpu.memory_space<hbm>> -> memref<1x50x128xf32, #tpu.memory_space<hbm>>
    %dma_start3A_302 = tpu.memref_squeeze %dma_start3A_301 : memref<1x50x128xf32, #tpu.memory_space<hbm>> -> memref<50x128xf32, #tpu.memory_space<hbm>>
    %dma_start3A_303 = arith.constant 50 : i32
    %dma_start3A_304 = arith.constant 0 : i32
    %dma_start3A_305 = tpu.memref_slice %arg6[%dma_start3A_287, %dma_start3A_303, %dma_start3A_304] : memref<4x200x128xf32, #tpu.memory_space<vmem>> -> memref<1x50x128xf32, #tpu.memory_space<vmem>>
    %dma_start3A_306 = tpu.memref_squeeze %dma_start3A_305 : memref<1x50x128xf32, #tpu.memory_space<vmem>> -> memref<50x128xf32, #tpu.memory_space<vmem>>
    tpu.enqueue_dma source(%dma_start3A_306 : memref<50x128xf32, #tpu.memory_space<vmem>>) target(%dma_start3A_302 : memref<50x128xf32, #tpu.memory_space<hbm>>) target_semaphore(%dma_start3A_298 : memref<!tpu.dma_semaphore, #tpu.memory_space<semaphore_mem>>)
    %add3A_307 = arith.constant 500 : i32
    %add3A_308 = arith.addi %mul3A_2, %add3A_307 : i32
    %add3A_309 = arith.constant 2 : i32
    %add3A_310 = arith.addi %add3A_308, %add3A_309 : i32
    %dma_start3A_311 = arith.constant 1 : i32
    %dma_start3A_312 = arith.constant 1 : i32
    %dma_start3A_313 = arith.constant 100 : i32
    %dma_start3A_314 = arith.constant 0 : i32
    %dma_start3A_315 = tpu.memref_slice %arg6[%dma_start3A_311, %dma_start3A_313, %dma_start3A_314] : memref<4x200x128xf32, #tpu.memory_space<vmem>> -> memref<1x50x128xf32, #tpu.memory_space<vmem>>
    %dma_start3A_316 = tpu.memref_squeeze %dma_start3A_315 : memref<1x50x128xf32, #tpu.memory_space<vmem>> -> memref<50x128xf32, #tpu.memory_space<vmem>>
    %dma_start3A_317 = arith.constant 0 : i32
    %dma_start3A_318 = arith.constant 0 : i32
    %dma_start3A_319 = tpu.memref_slice %arg4[%add3A_310, %dma_start3A_317, %dma_start3A_318] : memref<16384x50x128xf32, #tpu.memory_space<hbm>> -> memref<1x50x128xf32, #tpu.memory_space<hbm>>
    %dma_start3A_320 = tpu.memref_squeeze %dma_start3A_319 : memref<1x50x128xf32, #tpu.memory_space<hbm>> -> memref<50x128xf32, #tpu.memory_space<hbm>>
    %dma_start3A_321 = tpu.memref_slice %arg8[%dma_start3A_312] : memref<4x!tpu.dma_semaphore, #tpu.memory_space<semaphore_mem>> -> memref<1x!tpu.dma_semaphore, #tpu.memory_space<semaphore_mem>>
    %dma_start3A_322 = tpu.memref_squeeze %dma_start3A_321 : memref<1x!tpu.dma_semaphore, #tpu.memory_space<semaphore_mem>> -> memref<!tpu.dma_semaphore, #tpu.memory_space<semaphore_mem>>
    %dma_start3A_323 = arith.constant 0 : i32
    %dma_start3A_324 = arith.constant 0 : i32
    %dma_start3A_325 = tpu.memref_slice %arg4[%add3A_310, %dma_start3A_323, %dma_start3A_324] : memref<16384x50x128xf32, #tpu.memory_space<hbm>> -> memref<1x50x128xf32, #tpu.memory_space<hbm>>
    %dma_start3A_326 = tpu.memref_squeeze %dma_start3A_325 : memref<1x50x128xf32, #tpu.memory_space<hbm>> -> memref<50x128xf32, #tpu.memory_space<hbm>>
    %dma_start3A_327 = arith.constant 100 : i32
    %dma_start3A_328 = arith.constant 0 : i32
    %dma_start3A_329 = tpu.memref_slice %arg6[%dma_start3A_311, %dma_start3A_327, %dma_start3A_328] : memref<4x200x128xf32, #tpu.memory_space<vmem>> -> memref<1x50x128xf32, #tpu.memory_space<vmem>>
    %dma_start3A_330 = tpu.memref_squeeze %dma_start3A_329 : memref<1x50x128xf32, #tpu.memory_space<vmem>> -> memref<50x128xf32, #tpu.memory_space<vmem>>
    tpu.enqueue_dma source(%dma_start3A_330 : memref<50x128xf32, #tpu.memory_space<vmem>>) target(%dma_start3A_326 : memref<50x128xf32, #tpu.memory_space<hbm>>) target_semaphore(%dma_start3A_322 : memref<!tpu.dma_semaphore, #tpu.memory_space<semaphore_mem>>)
    %add3A_331 = arith.constant 500 : i32
    %add3A_332 = arith.addi %mul3A_2, %add3A_331 : i32
    %add3A_333 = arith.constant 3 : i32
    %add3A_334 = arith.addi %add3A_332, %add3A_333 : i32
    %dma_start3A_335 = arith.constant 1 : i32
    %dma_start3A_336 = arith.constant 1 : i32
    %dma_start3A_337 = arith.constant 150 : i32
    %dma_start3A_338 = arith.constant 0 : i32
    %dma_start3A_339 = tpu.memref_slice %arg6[%dma_start3A_335, %dma_start3A_337, %dma_start3A_338] : memref<4x200x128xf32, #tpu.memory_space<vmem>> -> memref<1x50x128xf32, #tpu.memory_space<vmem>>
    %dma_start3A_340 = tpu.memref_squeeze %dma_start3A_339 : memref<1x50x128xf32, #tpu.memory_space<vmem>> -> memref<50x128xf32, #tpu.memory_space<vmem>>
    %dma_start3A_341 = arith.constant 0 : i32
    %dma_start3A_342 = arith.constant 0 : i32
    %dma_start3A_343 = tpu.memref_slice %arg4[%add3A_334, %dma_start3A_341, %dma_start3A_342] : memref<16384x50x128xf32, #tpu.memory_space<hbm>> -> memref<1x50x128xf32, #tpu.memory_space<hbm>>
    %dma_start3A_344 = tpu.memref_squeeze %dma_start3A_343 : memref<1x50x128xf32, #tpu.memory_space<hbm>> -> memref<50x128xf32, #tpu.memory_space<hbm>>
    %dma_start3A_345 = tpu.memref_slice %arg8[%dma_start3A_336] : memref<4x!tpu.dma_semaphore, #tpu.memory_space<semaphore_mem>> -> memref<1x!tpu.dma_semaphore, #tpu.memory_space<semaphore_mem>>
    %dma_start3A_346 = tpu.memref_squeeze %dma_start3A_345 : memref<1x!tpu.dma_semaphore, #tpu.memory_space<semaphore_mem>> -> memref<!tpu.dma_semaphore, #tpu.memory_space<semaphore_mem>>
    %dma_start3A_347 = arith.constant 0 : i32
    %dma_start3A_348 = arith.constant 0 : i32
    %dma_start3A_349 = tpu.memref_slice %arg4[%add3A_334, %dma_start3A_347, %dma_start3A_348] : memref<16384x50x128xf32, #tpu.memory_space<hbm>> -> memref<1x50x128xf32, #tpu.memory_space<hbm>>
    %dma_start3A_350 = tpu.memref_squeeze %dma_start3A_349 : memref<1x50x128xf32, #tpu.memory_space<hbm>> -> memref<50x128xf32, #tpu.memory_space<hbm>>
    %dma_start3A_351 = arith.constant 150 : i32
    %dma_start3A_352 = arith.constant 0 : i32
    %dma_start3A_353 = tpu.memref_slice %arg6[%dma_start3A_335, %dma_start3A_351, %dma_start3A_352] : memref<4x200x128xf32, #tpu.memory_space<vmem>> -> memref<1x50x128xf32, #tpu.memory_space<vmem>>
    %dma_start3A_354 = tpu.memref_squeeze %dma_start3A_353 : memref<1x50x128xf32, #tpu.memory_space<vmem>> -> memref<50x128xf32, #tpu.memory_space<vmem>>
    tpu.enqueue_dma source(%dma_start3A_354 : memref<50x128xf32, #tpu.memory_space<vmem>>) target(%dma_start3A_350 : memref<50x128xf32, #tpu.memory_space<hbm>>) target_semaphore(%dma_start3A_346 : memref<!tpu.dma_semaphore, #tpu.memory_space<semaphore_mem>>)
    %dma_wait3A_355 = arith.constant 2 : i32
    %dma_wait3A_356 = arith.constant 2 : i32
    %dma_wait3A_357 = arith.constant 0 : i32
    %dma_wait3A_358 = arith.constant 0 : i32
    %dma_wait3A_359 = tpu.memref_slice %arg6[%dma_wait3A_355, %dma_wait3A_357, %dma_wait3A_358] : memref<4x200x128xf32, #tpu.memory_space<vmem>> -> memref<1x128x128xf32, #tpu.memory_space<vmem>>
    %dma_wait3A_360 = tpu.memref_squeeze %dma_wait3A_359 : memref<1x128x128xf32, #tpu.memory_space<vmem>> -> memref<128x128xf32, #tpu.memory_space<vmem>>
    %dma_wait3A_361 = arith.constant 25200 : i32
    %dma_wait3A_362 = tpu.memref_slice %arg5[%dma_wait3A_361] : memref<25600xi32, #tpu.memory_space<vmem>> -> memref<128xi32, #tpu.memory_space<vmem>>
    %dma_wait3A_363 = arith.constant 0 : i32
    %dma_wait3A_364 = arith.constant 0 : i32
    %dma_wait3A_365 = tpu.memref_slice %arg2[%dma_wait3A_363, %dma_wait3A_364] : memref<29599x128xf32, #tpu.memory_space<hbm>> -> memref<29599x128xf32, #tpu.memory_space<hbm>>
    %dma_wait3A_366 = tpu.memref_slice %arg7[%dma_wait3A_356] : memref<4x!tpu.dma_semaphore, #tpu.memory_space<semaphore_mem>> -> memref<1x!tpu.dma_semaphore, #tpu.memory_space<semaphore_mem>>
    %dma_wait3A_367 = tpu.memref_squeeze %dma_wait3A_366 : memref<1x!tpu.dma_semaphore, #tpu.memory_space<semaphore_mem>> -> memref<!tpu.dma_semaphore, #tpu.memory_space<semaphore_mem>>
    tpu.wait_indirect_dma semaphore(%dma_wait3A_367 : memref<!tpu.dma_semaphore, #tpu.memory_space<semaphore_mem>>) src(%dma_wait3A_365 : memref<29599x128xf32, #tpu.memory_space<hbm>>) dst(%dma_wait3A_360 : memref<128x128xf32, #tpu.memory_space<vmem>>)
    %dma_wait3A_368 = arith.constant 2 : i32
    %dma_wait3A_369 = arith.constant 2 : i32
    %dma_wait3A_370 = arith.constant 128 : i32
    %dma_wait3A_371 = arith.constant 0 : i32
    %dma_wait3A_372 = tpu.memref_slice %arg6[%dma_wait3A_368, %dma_wait3A_370, %dma_wait3A_371] : memref<4x200x128xf32, #tpu.memory_space<vmem>> -> memref<1x72x128xf32, #tpu.memory_space<vmem>>
    %dma_wait3A_373 = tpu.memref_squeeze %dma_wait3A_372 : memref<1x72x128xf32, #tpu.memory_space<vmem>> -> memref<72x128xf32, #tpu.memory_space<vmem>>
    %dma_wait3A_374 = arith.constant 25328 : i32
    %dma_wait3A_375 = tpu.memref_slice %arg5[%dma_wait3A_374] : memref<25600xi32, #tpu.memory_space<vmem>> -> memref<72xi32, #tpu.memory_space<vmem>>
    %dma_wait3A_376 = arith.constant 0 : i32
    %dma_wait3A_377 = arith.constant 0 : i32
    %dma_wait3A_378 = tpu.memref_slice %arg2[%dma_wait3A_376, %dma_wait3A_377] : memref<29599x128xf32, #tpu.memory_space<hbm>> -> memref<29599x128xf32, #tpu.memory_space<hbm>>
    %dma_wait3A_379 = tpu.memref_slice %arg7[%dma_wait3A_369] : memref<4x!tpu.dma_semaphore, #tpu.memory_space<semaphore_mem>> -> memref<1x!tpu.dma_semaphore, #tpu.memory_space<semaphore_mem>>
    %dma_wait3A_380 = tpu.memref_squeeze %dma_wait3A_379 : memref<1x!tpu.dma_semaphore, #tpu.memory_space<semaphore_mem>> -> memref<!tpu.dma_semaphore, #tpu.memory_space<semaphore_mem>>
    tpu.wait_indirect_dma semaphore(%dma_wait3A_380 : memref<!tpu.dma_semaphore, #tpu.memory_space<semaphore_mem>>) src(%dma_wait3A_378 : memref<29599x128xf32, #tpu.memory_space<hbm>>) dst(%dma_wait3A_373 : memref<72x128xf32, #tpu.memory_space<vmem>>)
    %add3A_381 = arith.constant 504 : i32
    %add3A_382 = arith.addi %mul3A_2, %add3A_381 : i32
    %add3A_383 = arith.constant 0 : i32
    %add3A_384 = arith.addi %add3A_382, %add3A_383 : i32
    %dma_start3A_385 = arith.constant 2 : i32
    %dma_start3A_386 = arith.constant 2 : i32
    %dma_start3A_387 = arith.constant 0 : i32
    %dma_start3A_388 = arith.constant 0 : i32
    %dma_start3A_389 = tpu.memref_slice %arg6[%dma_start3A_385, %dma_start3A_387, %dma_start3A_388] : memref<4x200x128xf32, #tpu.memory_space<vmem>> -> memref<1x50x128xf32, #tpu.memory_space<vmem>>
    %dma_start3A_390 = tpu.memref_squeeze %dma_start3A_389 : memref<1x50x128xf32, #tpu.memory_space<vmem>> -> memref<50x128xf32, #tpu.memory_space<vmem>>
    %dma_start3A_391 = arith.constant 0 : i32
    %dma_start3A_392 = arith.constant 0 : i32
    %dma_start3A_393 = tpu.memref_slice %arg4[%add3A_384, %dma_start3A_391, %dma_start3A_392] : memref<16384x50x128xf32, #tpu.memory_space<hbm>> -> memref<1x50x128xf32, #tpu.memory_space<hbm>>
    %dma_start3A_394 = tpu.memref_squeeze %dma_start3A_393 : memref<1x50x128xf32, #tpu.memory_space<hbm>> -> memref<50x128xf32, #tpu.memory_space<hbm>>
    %dma_start3A_395 = tpu.memref_slice %arg8[%dma_start3A_386] : memref<4x!tpu.dma_semaphore, #tpu.memory_space<semaphore_mem>> -> memref<1x!tpu.dma_semaphore, #tpu.memory_space<semaphore_mem>>
    %dma_start3A_396 = tpu.memref_squeeze %dma_start3A_395 : memref<1x!tpu.dma_semaphore, #tpu.memory_space<semaphore_mem>> -> memref<!tpu.dma_semaphore, #tpu.memory_space<semaphore_mem>>
    %dma_start3A_397 = arith.constant 0 : i32
    %dma_start3A_398 = arith.constant 0 : i32
    %dma_start3A_399 = tpu.memref_slice %arg4[%add3A_384, %dma_start3A_397, %dma_start3A_398] : memref<16384x50x128xf32, #tpu.memory_space<hbm>> -> memref<1x50x128xf32, #tpu.memory_space<hbm>>
    %dma_start3A_400 = tpu.memref_squeeze %dma_start3A_399 : memref<1x50x128xf32, #tpu.memory_space<hbm>> -> memref<50x128xf32, #tpu.memory_space<hbm>>
    %dma_start3A_401 = arith.constant 0 : i32
    %dma_start3A_402 = arith.constant 0 : i32
    %dma_start3A_403 = tpu.memref_slice %arg6[%dma_start3A_385, %dma_start3A_401, %dma_start3A_402] : memref<4x200x128xf32, #tpu.memory_space<vmem>> -> memref<1x50x128xf32, #tpu.memory_space<vmem>>
    %dma_start3A_404 = tpu.memref_squeeze %dma_start3A_403 : memref<1x50x128xf32, #tpu.memory_space<vmem>> -> memref<50x128xf32, #tpu.memory_space<vmem>>
    tpu.enqueue_dma source(%dma_start3A_404 : memref<50x128xf32, #tpu.memory_space<vmem>>) target(%dma_start3A_400 : memref<50x128xf32, #tpu.memory_space<hbm>>) target_semaphore(%dma_start3A_396 : memref<!tpu.dma_semaphore, #tpu.memory_space<semaphore_mem>>)
    %add3A_405 = arith.constant 504 : i32
    %add3A_406 = arith.addi %mul3A_2, %add3A_405 : i32
    %add3A_407 = arith.constant 1 : i32
    %add3A_408 = arith.addi %add3A_406, %add3A_407 : i32
    %dma_start3A_409 = arith.constant 2 : i32
    %dma_start3A_410 = arith.constant 2 : i32
    %dma_start3A_411 = arith.constant 50 : i32
    %dma_start3A_412 = arith.constant 0 : i32
    %dma_start3A_413 = tpu.memref_slice %arg6[%dma_start3A_409, %dma_start3A_411, %dma_start3A_412] : memref<4x200x128xf32, #tpu.memory_space<vmem>> -> memref<1x50x128xf32, #tpu.memory_space<vmem>>
    %dma_start3A_414 = tpu.memref_squeeze %dma_start3A_413 : memref<1x50x128xf32, #tpu.memory_space<vmem>> -> memref<50x128xf32, #tpu.memory_space<vmem>>
    %dma_start3A_415 = arith.constant 0 : i32
    %dma_start3A_416 = arith.constant 0 : i32
    %dma_start3A_417 = tpu.memref_slice %arg4[%add3A_408, %dma_start3A_415, %dma_start3A_416] : memref<16384x50x128xf32, #tpu.memory_space<hbm>> -> memref<1x50x128xf32, #tpu.memory_space<hbm>>
    %dma_start3A_418 = tpu.memref_squeeze %dma_start3A_417 : memref<1x50x128xf32, #tpu.memory_space<hbm>> -> memref<50x128xf32, #tpu.memory_space<hbm>>
    %dma_start3A_419 = tpu.memref_slice %arg8[%dma_start3A_410] : memref<4x!tpu.dma_semaphore, #tpu.memory_space<semaphore_mem>> -> memref<1x!tpu.dma_semaphore, #tpu.memory_space<semaphore_mem>>
    %dma_start3A_420 = tpu.memref_squeeze %dma_start3A_419 : memref<1x!tpu.dma_semaphore, #tpu.memory_space<semaphore_mem>> -> memref<!tpu.dma_semaphore, #tpu.memory_space<semaphore_mem>>
    %dma_start3A_421 = arith.constant 0 : i32
    %dma_start3A_422 = arith.constant 0 : i32
    %dma_start3A_423 = tpu.memref_slice %arg4[%add3A_408, %dma_start3A_421, %dma_start3A_422] : memref<16384x50x128xf32, #tpu.memory_space<hbm>> -> memref<1x50x128xf32, #tpu.memory_space<hbm>>
    %dma_start3A_424 = tpu.memref_squeeze %dma_start3A_423 : memref<1x50x128xf32, #tpu.memory_space<hbm>> -> memref<50x128xf32, #tpu.memory_space<hbm>>
    %dma_start3A_425 = arith.constant 50 : i32
    %dma_start3A_426 = arith.constant 0 : i32
    %dma_start3A_427 = tpu.memref_slice %arg6[%dma_start3A_409, %dma_start3A_425, %dma_start3A_426] : memref<4x200x128xf32, #tpu.memory_space<vmem>> -> memref<1x50x128xf32, #tpu.memory_space<vmem>>
    %dma_start3A_428 = tpu.memref_squeeze %dma_start3A_427 : memref<1x50x128xf32, #tpu.memory_space<vmem>> -> memref<50x128xf32, #tpu.memory_space<vmem>>
    tpu.enqueue_dma source(%dma_start3A_428 : memref<50x128xf32, #tpu.memory_space<vmem>>) target(%dma_start3A_424 : memref<50x128xf32, #tpu.memory_space<hbm>>) target_semaphore(%dma_start3A_420 : memref<!tpu.dma_semaphore, #tpu.memory_space<semaphore_mem>>)
    %add3A_429 = arith.constant 504 : i32
    %add3A_430 = arith.addi %mul3A_2, %add3A_429 : i32
    %add3A_431 = arith.constant 2 : i32
    %add3A_432 = arith.addi %add3A_430, %add3A_431 : i32
    %dma_start3A_433 = arith.constant 2 : i32
    %dma_start3A_434 = arith.constant 2 : i32
    %dma_start3A_435 = arith.constant 100 : i32
    %dma_start3A_436 = arith.constant 0 : i32
    %dma_start3A_437 = tpu.memref_slice %arg6[%dma_start3A_433, %dma_start3A_435, %dma_start3A_436] : memref<4x200x128xf32, #tpu.memory_space<vmem>> -> memref<1x50x128xf32, #tpu.memory_space<vmem>>
    %dma_start3A_438 = tpu.memref_squeeze %dma_start3A_437 : memref<1x50x128xf32, #tpu.memory_space<vmem>> -> memref<50x128xf32, #tpu.memory_space<vmem>>
    %dma_start3A_439 = arith.constant 0 : i32
    %dma_start3A_440 = arith.constant 0 : i32
    %dma_start3A_441 = tpu.memref_slice %arg4[%add3A_432, %dma_start3A_439, %dma_start3A_440] : memref<16384x50x128xf32, #tpu.memory_space<hbm>> -> memref<1x50x128xf32, #tpu.memory_space<hbm>>
    %dma_start3A_442 = tpu.memref_squeeze %dma_start3A_441 : memref<1x50x128xf32, #tpu.memory_space<hbm>> -> memref<50x128xf32, #tpu.memory_space<hbm>>
    %dma_start3A_443 = tpu.memref_slice %arg8[%dma_start3A_434] : memref<4x!tpu.dma_semaphore, #tpu.memory_space<semaphore_mem>> -> memref<1x!tpu.dma_semaphore, #tpu.memory_space<semaphore_mem>>
    %dma_start3A_444 = tpu.memref_squeeze %dma_start3A_443 : memref<1x!tpu.dma_semaphore, #tpu.memory_space<semaphore_mem>> -> memref<!tpu.dma_semaphore, #tpu.memory_space<semaphore_mem>>
    %dma_start3A_445 = arith.constant 0 : i32
    %dma_start3A_446 = arith.constant 0 : i32
    %dma_start3A_447 = tpu.memref_slice %arg4[%add3A_432, %dma_start3A_445, %dma_start3A_446] : memref<16384x50x128xf32, #tpu.memory_space<hbm>> -> memref<1x50x128xf32, #tpu.memory_space<hbm>>
    %dma_start3A_448 = tpu.memref_squeeze %dma_start3A_447 : memref<1x50x128xf32, #tpu.memory_space<hbm>> -> memref<50x128xf32, #tpu.memory_space<hbm>>
    %dma_start3A_449 = arith.constant 100 : i32
    %dma_start3A_450 = arith.constant 0 : i32
    %dma_start3A_451 = tpu.memref_slice %arg6[%dma_start3A_433, %dma_start3A_449, %dma_start3A_450] : memref<4x200x128xf32, #tpu.memory_space<vmem>> -> memref<1x50x128xf32, #tpu.memory_space<vmem>>
    %dma_start3A_452 = tpu.memref_squeeze %dma_start3A_451 : memref<1x50x128xf32, #tpu.memory_space<vmem>> -> memref<50x128xf32, #tpu.memory_space<vmem>>
    tpu.enqueue_dma source(%dma_start3A_452 : memref<50x128xf32, #tpu.memory_space<vmem>>) target(%dma_start3A_448 : memref<50x128xf32, #tpu.memory_space<hbm>>) target_semaphore(%dma_start3A_444 : memref<!tpu.dma_semaphore, #tpu.memory_space<semaphore_mem>>)
    %add3A_453 = arith.constant 504 : i32
    %add3A_454 = arith.addi %mul3A_2, %add3A_453 : i32
    %add3A_455 = arith.constant 3 : i32
    %add3A_456 = arith.addi %add3A_454, %add3A_455 : i32
    %dma_start3A_457 = arith.constant 2 : i32
    %dma_start3A_458 = arith.constant 2 : i32
    %dma_start3A_459 = arith.constant 150 : i32
    %dma_start3A_460 = arith.constant 0 : i32
    %dma_start3A_461 = tpu.memref_slice %arg6[%dma_start3A_457, %dma_start3A_459, %dma_start3A_460] : memref<4x200x128xf32, #tpu.memory_space<vmem>> -> memref<1x50x128xf32, #tpu.memory_space<vmem>>
    %dma_start3A_462 = tpu.memref_squeeze %dma_start3A_461 : memref<1x50x128xf32, #tpu.memory_space<vmem>> -> memref<50x128xf32, #tpu.memory_space<vmem>>
    %dma_start3A_463 = arith.constant 0 : i32
    %dma_start3A_464 = arith.constant 0 : i32
    %dma_start3A_465 = tpu.memref_slice %arg4[%add3A_456, %dma_start3A_463, %dma_start3A_464] : memref<16384x50x128xf32, #tpu.memory_space<hbm>> -> memref<1x50x128xf32, #tpu.memory_space<hbm>>
    %dma_start3A_466 = tpu.memref_squeeze %dma_start3A_465 : memref<1x50x128xf32, #tpu.memory_space<hbm>> -> memref<50x128xf32, #tpu.memory_space<hbm>>
    %dma_start3A_467 = tpu.memref_slice %arg8[%dma_start3A_458] : memref<4x!tpu.dma_semaphore, #tpu.memory_space<semaphore_mem>> -> memref<1x!tpu.dma_semaphore, #tpu.memory_space<semaphore_mem>>
    %dma_start3A_468 = tpu.memref_squeeze %dma_start3A_467 : memref<1x!tpu.dma_semaphore, #tpu.memory_space<semaphore_mem>> -> memref<!tpu.dma_semaphore, #tpu.memory_space<semaphore_mem>>
    %dma_start3A_469 = arith.constant 0 : i32
    %dma_start3A_470 = arith.constant 0 : i32
    %dma_start3A_471 = tpu.memref_slice %arg4[%add3A_456, %dma_start3A_469, %dma_start3A_470] : memref<16384x50x128xf32, #tpu.memory_space<hbm>> -> memref<1x50x128xf32, #tpu.memory_space<hbm>>
    %dma_start3A_472 = tpu.memref_squeeze %dma_start3A_471 : memref<1x50x128xf32, #tpu.memory_space<hbm>> -> memref<50x128xf32, #tpu.memory_space<hbm>>
    %dma_start3A_473 = arith.constant 150 : i32
    %dma_start3A_474 = arith.constant 0 : i32
    %dma_start3A_475 = tpu.memref_slice %arg6[%dma_start3A_457, %dma_start3A_473, %dma_start3A_474] : memref<4x200x128xf32, #tpu.memory_space<vmem>> -> memref<1x50x128xf32, #tpu.memory_space<vmem>>
    %dma_start3A_476 = tpu.memref_squeeze %dma_start3A_475 : memref<1x50x128xf32, #tpu.memory_space<vmem>> -> memref<50x128xf32, #tpu.memory_space<vmem>>
    tpu.enqueue_dma source(%dma_start3A_476 : memref<50x128xf32, #tpu.memory_space<vmem>>) target(%dma_start3A_472 : memref<50x128xf32, #tpu.memory_space<hbm>>) target_semaphore(%dma_start3A_468 : memref<!tpu.dma_semaphore, #tpu.memory_space<semaphore_mem>>)
    %dma_wait3A_477 = arith.constant 3 : i32
    %dma_wait3A_478 = arith.constant 3 : i32
    %dma_wait3A_479 = arith.constant 0 : i32
    %dma_wait3A_480 = arith.constant 0 : i32
    %dma_wait3A_481 = tpu.memref_slice %arg6[%dma_wait3A_477, %dma_wait3A_479, %dma_wait3A_480] : memref<4x200x128xf32, #tpu.memory_space<vmem>> -> memref<1x128x128xf32, #tpu.memory_space<vmem>>
    %dma_wait3A_482 = tpu.memref_squeeze %dma_wait3A_481 : memref<1x128x128xf32, #tpu.memory_space<vmem>> -> memref<128x128xf32, #tpu.memory_space<vmem>>
    %dma_wait3A_483 = arith.constant 25400 : i32
    %dma_wait3A_484 = tpu.memref_slice %arg5[%dma_wait3A_483] : memref<25600xi32, #tpu.memory_space<vmem>> -> memref<128xi32, #tpu.memory_space<vmem>>
    %dma_wait3A_485 = arith.constant 0 : i32
    %dma_wait3A_486 = arith.constant 0 : i32
    %dma_wait3A_487 = tpu.memref_slice %arg2[%dma_wait3A_485, %dma_wait3A_486] : memref<29599x128xf32, #tpu.memory_space<hbm>> -> memref<29599x128xf32, #tpu.memory_space<hbm>>
    %dma_wait3A_488 = tpu.memref_slice %arg7[%dma_wait3A_478] : memref<4x!tpu.dma_semaphore, #tpu.memory_space<semaphore_mem>> -> memref<1x!tpu.dma_semaphore, #tpu.memory_space<semaphore_mem>>
    %dma_wait3A_489 = tpu.memref_squeeze %dma_wait3A_488 : memref<1x!tpu.dma_semaphore, #tpu.memory_space<semaphore_mem>> -> memref<!tpu.dma_semaphore, #tpu.memory_space<semaphore_mem>>
    tpu.wait_indirect_dma semaphore(%dma_wait3A_489 : memref<!tpu.dma_semaphore, #tpu.memory_space<semaphore_mem>>) src(%dma_wait3A_487 : memref<29599x128xf32, #tpu.memory_space<hbm>>) dst(%dma_wait3A_482 : memref<128x128xf32, #tpu.memory_space<vmem>>)
    %dma_wait3A_490 = arith.constant 3 : i32
    %dma_wait3A_491 = arith.constant 3 : i32
    %dma_wait3A_492 = arith.constant 128 : i32
    %dma_wait3A_493 = arith.constant 0 : i32
    %dma_wait3A_494 = tpu.memref_slice %arg6[%dma_wait3A_490, %dma_wait3A_492, %dma_wait3A_493] : memref<4x200x128xf32, #tpu.memory_space<vmem>> -> memref<1x72x128xf32, #tpu.memory_space<vmem>>
    %dma_wait3A_495 = tpu.memref_squeeze %dma_wait3A_494 : memref<1x72x128xf32, #tpu.memory_space<vmem>> -> memref<72x128xf32, #tpu.memory_space<vmem>>
    %dma_wait3A_496 = arith.constant 25528 : i32
    %dma_wait3A_497 = tpu.memref_slice %arg5[%dma_wait3A_496] : memref<25600xi32, #tpu.memory_space<vmem>> -> memref<72xi32, #tpu.memory_space<vmem>>
    %dma_wait3A_498 = arith.constant 0 : i32
    %dma_wait3A_499 = arith.constant 0 : i32
    %dma_wait3A_500 = tpu.memref_slice %arg2[%dma_wait3A_498, %dma_wait3A_499] : memref<29599x128xf32, #tpu.memory_space<hbm>> -> memref<29599x128xf32, #tpu.memory_space<hbm>>
    %dma_wait3A_501 = tpu.memref_slice %arg7[%dma_wait3A_491] : memref<4x!tpu.dma_semaphore, #tpu.memory_space<semaphore_mem>> -> memref<1x!tpu.dma_semaphore, #tpu.memory_space<semaphore_mem>>
    %dma_wait3A_502 = tpu.memref_squeeze %dma_wait3A_501 : memref<1x!tpu.dma_semaphore, #tpu.memory_space<semaphore_mem>> -> memref<!tpu.dma_semaphore, #tpu.memory_space<semaphore_mem>>
    tpu.wait_indirect_dma semaphore(%dma_wait3A_502 : memref<!tpu.dma_semaphore, #tpu.memory_space<semaphore_mem>>) src(%dma_wait3A_500 : memref<29599x128xf32, #tpu.memory_space<hbm>>) dst(%dma_wait3A_495 : memref<72x128xf32, #tpu.memory_space<vmem>>)
    %add3A_503 = arith.constant 508 : i32
    %add3A_504 = arith.addi %mul3A_2, %add3A_503 : i32
    %add3A_505 = arith.constant 0 : i32
    %add3A_506 = arith.addi %add3A_504, %add3A_505 : i32
    %dma_start3A_507 = arith.constant 3 : i32
    %dma_start3A_508 = arith.constant 3 : i32
    %dma_start3A_509 = arith.constant 0 : i32
    %dma_start3A_510 = arith.constant 0 : i32
    %dma_start3A_511 = tpu.memref_slice %arg6[%dma_start3A_507, %dma_start3A_509, %dma_start3A_510] : memref<4x200x128xf32, #tpu.memory_space<vmem>> -> memref<1x50x128xf32, #tpu.memory_space<vmem>>
    %dma_start3A_512 = tpu.memref_squeeze %dma_start3A_511 : memref<1x50x128xf32, #tpu.memory_space<vmem>> -> memref<50x128xf32, #tpu.memory_space<vmem>>
    %dma_start3A_513 = arith.constant 0 : i32
    %dma_start3A_514 = arith.constant 0 : i32
    %dma_start3A_515 = tpu.memref_slice %arg4[%add3A_506, %dma_start3A_513, %dma_start3A_514] : memref<16384x50x128xf32, #tpu.memory_space<hbm>> -> memref<1x50x128xf32, #tpu.memory_space<hbm>>
    %dma_start3A_516 = tpu.memref_squeeze %dma_start3A_515 : memref<1x50x128xf32, #tpu.memory_space<hbm>> -> memref<50x128xf32, #tpu.memory_space<hbm>>
    %dma_start3A_517 = tpu.memref_slice %arg8[%dma_start3A_508] : memref<4x!tpu.dma_semaphore, #tpu.memory_space<semaphore_mem>> -> memref<1x!tpu.dma_semaphore, #tpu.memory_space<semaphore_mem>>
    %dma_start3A_518 = tpu.memref_squeeze %dma_start3A_517 : memref<1x!tpu.dma_semaphore, #tpu.memory_space<semaphore_mem>> -> memref<!tpu.dma_semaphore, #tpu.memory_space<semaphore_mem>>
    %dma_start3A_519 = arith.constant 0 : i32
    %dma_start3A_520 = arith.constant 0 : i32
    %dma_start3A_521 = tpu.memref_slice %arg4[%add3A_506, %dma_start3A_519, %dma_start3A_520] : memref<16384x50x128xf32, #tpu.memory_space<hbm>> -> memref<1x50x128xf32, #tpu.memory_space<hbm>>
    %dma_start3A_522 = tpu.memref_squeeze %dma_start3A_521 : memref<1x50x128xf32, #tpu.memory_space<hbm>> -> memref<50x128xf32, #tpu.memory_space<hbm>>
    %dma_start3A_523 = arith.constant 0 : i32
    %dma_start3A_524 = arith.constant 0 : i32
    %dma_start3A_525 = tpu.memref_slice %arg6[%dma_start3A_507, %dma_start3A_523, %dma_start3A_524] : memref<4x200x128xf32, #tpu.memory_space<vmem>> -> memref<1x50x128xf32, #tpu.memory_space<vmem>>
    %dma_start3A_526 = tpu.memref_squeeze %dma_start3A_525 : memref<1x50x128xf32, #tpu.memory_space<vmem>> -> memref<50x128xf32, #tpu.memory_space<vmem>>
    tpu.enqueue_dma source(%dma_start3A_526 : memref<50x128xf32, #tpu.memory_space<vmem>>) target(%dma_start3A_522 : memref<50x128xf32, #tpu.memory_space<hbm>>) target_semaphore(%dma_start3A_518 : memref<!tpu.dma_semaphore, #tpu.memory_space<semaphore_mem>>)
    %add3A_527 = arith.constant 508 : i32
    %add3A_528 = arith.addi %mul3A_2, %add3A_527 : i32
    %add3A_529 = arith.constant 1 : i32
    %add3A_530 = arith.addi %add3A_528, %add3A_529 : i32
    %dma_start3A_531 = arith.constant 3 : i32
    %dma_start3A_532 = arith.constant 3 : i32
    %dma_start3A_533 = arith.constant 50 : i32
    %dma_start3A_534 = arith.constant 0 : i32
    %dma_start3A_535 = tpu.memref_slice %arg6[%dma_start3A_531, %dma_start3A_533, %dma_start3A_534] : memref<4x200x128xf32, #tpu.memory_space<vmem>> -> memref<1x50x128xf32, #tpu.memory_space<vmem>>
    %dma_start3A_536 = tpu.memref_squeeze %dma_start3A_535 : memref<1x50x128xf32, #tpu.memory_space<vmem>> -> memref<50x128xf32, #tpu.memory_space<vmem>>
    %dma_start3A_537 = arith.constant 0 : i32
    %dma_start3A_538 = arith.constant 0 : i32
    %dma_start3A_539 = tpu.memref_slice %arg4[%add3A_530, %dma_start3A_537, %dma_start3A_538] : memref<16384x50x128xf32, #tpu.memory_space<hbm>> -> memref<1x50x128xf32, #tpu.memory_space<hbm>>
    %dma_start3A_540 = tpu.memref_squeeze %dma_start3A_539 : memref<1x50x128xf32, #tpu.memory_space<hbm>> -> memref<50x128xf32, #tpu.memory_space<hbm>>
    %dma_start3A_541 = tpu.memref_slice %arg8[%dma_start3A_532] : memref<4x!tpu.dma_semaphore, #tpu.memory_space<semaphore_mem>> -> memref<1x!tpu.dma_semaphore, #tpu.memory_space<semaphore_mem>>
    %dma_start3A_542 = tpu.memref_squeeze %dma_start3A_541 : memref<1x!tpu.dma_semaphore, #tpu.memory_space<semaphore_mem>> -> memref<!tpu.dma_semaphore, #tpu.memory_space<semaphore_mem>>
    %dma_start3A_543 = arith.constant 0 : i32
    %dma_start3A_544 = arith.constant 0 : i32
    %dma_start3A_545 = tpu.memref_slice %arg4[%add3A_530, %dma_start3A_543, %dma_start3A_544] : memref<16384x50x128xf32, #tpu.memory_space<hbm>> -> memref<1x50x128xf32, #tpu.memory_space<hbm>>
    %dma_start3A_546 = tpu.memref_squeeze %dma_start3A_545 : memref<1x50x128xf32, #tpu.memory_space<hbm>> -> memref<50x128xf32, #tpu.memory_space<hbm>>
    %dma_start3A_547 = arith.constant 50 : i32
    %dma_start3A_548 = arith.constant 0 : i32
    %dma_start3A_549 = tpu.memref_slice %arg6[%dma_start3A_531, %dma_start3A_547, %dma_start3A_548] : memref<4x200x128xf32, #tpu.memory_space<vmem>> -> memref<1x50x128xf32, #tpu.memory_space<vmem>>
    %dma_start3A_550 = tpu.memref_squeeze %dma_start3A_549 : memref<1x50x128xf32, #tpu.memory_space<vmem>> -> memref<50x128xf32, #tpu.memory_space<vmem>>
    tpu.enqueue_dma source(%dma_start3A_550 : memref<50x128xf32, #tpu.memory_space<vmem>>) target(%dma_start3A_546 : memref<50x128xf32, #tpu.memory_space<hbm>>) target_semaphore(%dma_start3A_542 : memref<!tpu.dma_semaphore, #tpu.memory_space<semaphore_mem>>)
    %add3A_551 = arith.constant 508 : i32
    %add3A_552 = arith.addi %mul3A_2, %add3A_551 : i32
    %add3A_553 = arith.constant 2 : i32
    %add3A_554 = arith.addi %add3A_552, %add3A_553 : i32
    %dma_start3A_555 = arith.constant 3 : i32
    %dma_start3A_556 = arith.constant 3 : i32
    %dma_start3A_557 = arith.constant 100 : i32
    %dma_start3A_558 = arith.constant 0 : i32
    %dma_start3A_559 = tpu.memref_slice %arg6[%dma_start3A_555, %dma_start3A_557, %dma_start3A_558] : memref<4x200x128xf32, #tpu.memory_space<vmem>> -> memref<1x50x128xf32, #tpu.memory_space<vmem>>
    %dma_start3A_560 = tpu.memref_squeeze %dma_start3A_559 : memref<1x50x128xf32, #tpu.memory_space<vmem>> -> memref<50x128xf32, #tpu.memory_space<vmem>>
    %dma_start3A_561 = arith.constant 0 : i32
    %dma_start3A_562 = arith.constant 0 : i32
    %dma_start3A_563 = tpu.memref_slice %arg4[%add3A_554, %dma_start3A_561, %dma_start3A_562] : memref<16384x50x128xf32, #tpu.memory_space<hbm>> -> memref<1x50x128xf32, #tpu.memory_space<hbm>>
    %dma_start3A_564 = tpu.memref_squeeze %dma_start3A_563 : memref<1x50x128xf32, #tpu.memory_space<hbm>> -> memref<50x128xf32, #tpu.memory_space<hbm>>
    %dma_start3A_565 = tpu.memref_slice %arg8[%dma_start3A_556] : memref<4x!tpu.dma_semaphore, #tpu.memory_space<semaphore_mem>> -> memref<1x!tpu.dma_semaphore, #tpu.memory_space<semaphore_mem>>
    %dma_start3A_566 = tpu.memref_squeeze %dma_start3A_565 : memref<1x!tpu.dma_semaphore, #tpu.memory_space<semaphore_mem>> -> memref<!tpu.dma_semaphore, #tpu.memory_space<semaphore_mem>>
    %dma_start3A_567 = arith.constant 0 : i32
    %dma_start3A_568 = arith.constant 0 : i32
    %dma_start3A_569 = tpu.memref_slice %arg4[%add3A_554, %dma_start3A_567, %dma_start3A_568] : memref<16384x50x128xf32, #tpu.memory_space<hbm>> -> memref<1x50x128xf32, #tpu.memory_space<hbm>>
    %dma_start3A_570 = tpu.memref_squeeze %dma_start3A_569 : memref<1x50x128xf32, #tpu.memory_space<hbm>> -> memref<50x128xf32, #tpu.memory_space<hbm>>
    %dma_start3A_571 = arith.constant 100 : i32
    %dma_start3A_572 = arith.constant 0 : i32
    %dma_start3A_573 = tpu.memref_slice %arg6[%dma_start3A_555, %dma_start3A_571, %dma_start3A_572] : memref<4x200x128xf32, #tpu.memory_space<vmem>> -> memref<1x50x128xf32, #tpu.memory_space<vmem>>
    %dma_start3A_574 = tpu.memref_squeeze %dma_start3A_573 : memref<1x50x128xf32, #tpu.memory_space<vmem>> -> memref<50x128xf32, #tpu.memory_space<vmem>>
    tpu.enqueue_dma source(%dma_start3A_574 : memref<50x128xf32, #tpu.memory_space<vmem>>) target(%dma_start3A_570 : memref<50x128xf32, #tpu.memory_space<hbm>>) target_semaphore(%dma_start3A_566 : memref<!tpu.dma_semaphore, #tpu.memory_space<semaphore_mem>>)
    %add3A_575 = arith.constant 508 : i32
    %add3A_576 = arith.addi %mul3A_2, %add3A_575 : i32
    %add3A_577 = arith.constant 3 : i32
    %add3A_578 = arith.addi %add3A_576, %add3A_577 : i32
    %dma_start3A_579 = arith.constant 3 : i32
    %dma_start3A_580 = arith.constant 3 : i32
    %dma_start3A_581 = arith.constant 150 : i32
    %dma_start3A_582 = arith.constant 0 : i32
    %dma_start3A_583 = tpu.memref_slice %arg6[%dma_start3A_579, %dma_start3A_581, %dma_start3A_582] : memref<4x200x128xf32, #tpu.memory_space<vmem>> -> memref<1x50x128xf32, #tpu.memory_space<vmem>>
    %dma_start3A_584 = tpu.memref_squeeze %dma_start3A_583 : memref<1x50x128xf32, #tpu.memory_space<vmem>> -> memref<50x128xf32, #tpu.memory_space<vmem>>
    %dma_start3A_585 = arith.constant 0 : i32
    %dma_start3A_586 = arith.constant 0 : i32
    %dma_start3A_587 = tpu.memref_slice %arg4[%add3A_578, %dma_start3A_585, %dma_start3A_586] : memref<16384x50x128xf32, #tpu.memory_space<hbm>> -> memref<1x50x128xf32, #tpu.memory_space<hbm>>
    %dma_start3A_588 = tpu.memref_squeeze %dma_start3A_587 : memref<1x50x128xf32, #tpu.memory_space<hbm>> -> memref<50x128xf32, #tpu.memory_space<hbm>>
    %dma_start3A_589 = tpu.memref_slice %arg8[%dma_start3A_580] : memref<4x!tpu.dma_semaphore, #tpu.memory_space<semaphore_mem>> -> memref<1x!tpu.dma_semaphore, #tpu.memory_space<semaphore_mem>>
    %dma_start3A_590 = tpu.memref_squeeze %dma_start3A_589 : memref<1x!tpu.dma_semaphore, #tpu.memory_space<semaphore_mem>> -> memref<!tpu.dma_semaphore, #tpu.memory_space<semaphore_mem>>
    %dma_start3A_591 = arith.constant 0 : i32
    %dma_start3A_592 = arith.constant 0 : i32
    %dma_start3A_593 = tpu.memref_slice %arg4[%add3A_578, %dma_start3A_591, %dma_start3A_592] : memref<16384x50x128xf32, #tpu.memory_space<hbm>> -> memref<1x50x128xf32, #tpu.memory_space<hbm>>
    %dma_start3A_594 = tpu.memref_squeeze %dma_start3A_593 : memref<1x50x128xf32, #tpu.memory_space<hbm>> -> memref<50x128xf32, #tpu.memory_space<hbm>>
    %dma_start3A_595 = arith.constant 150 : i32
    %dma_start3A_596 = arith.constant 0 : i32
    %dma_start3A_597 = tpu.memref_slice %arg6[%dma_start3A_579, %dma_start3A_595, %dma_start3A_596] : memref<4x200x128xf32, #tpu.memory_space<vmem>> -> memref<1x50x128xf32, #tpu.memory_space<vmem>>
    %dma_start3A_598 = tpu.memref_squeeze %dma_start3A_597 : memref<1x50x128xf32, #tpu.memory_space<vmem>> -> memref<50x128xf32, #tpu.memory_space<vmem>>
    tpu.enqueue_dma source(%dma_start3A_598 : memref<50x128xf32, #tpu.memory_space<vmem>>) target(%dma_start3A_594 : memref<50x128xf32, #tpu.memory_space<hbm>>) target_semaphore(%dma_start3A_590 : memref<!tpu.dma_semaphore, #tpu.memory_space<semaphore_mem>>)
    %add3A_599 = arith.constant 496 : i32
    %add3A_600 = arith.addi %mul3A_2, %add3A_599 : i32
    %add3A_601 = arith.constant 0 : i32
    %add3A_602 = arith.addi %add3A_600, %add3A_601 : i32
    %dma_wait3A_603 = arith.constant 0 : i32
    %dma_wait3A_604 = arith.constant 0 : i32
    %dma_wait3A_605 = arith.constant 0 : i32
    %dma_wait3A_606 = arith.constant 0 : i32
    %dma_wait3A_607 = tpu.memref_slice %arg6[%dma_wait3A_603, %dma_wait3A_605, %dma_wait3A_606] : memref<4x200x128xf32, #tpu.memory_space<vmem>> -> memref<1x50x128xf32, #tpu.memory_space<vmem>>
    %dma_wait3A_608 = tpu.memref_squeeze %dma_wait3A_607 : memref<1x50x128xf32, #tpu.memory_space<vmem>> -> memref<50x128xf32, #tpu.memory_space<vmem>>
    %dma_wait3A_609 = arith.constant 0 : i32
    %dma_wait3A_610 = arith.constant 0 : i32
    %dma_wait3A_611 = tpu.memref_slice %arg4[%add3A_602, %dma_wait3A_609, %dma_wait3A_610] : memref<16384x50x128xf32, #tpu.memory_space<hbm>> -> memref<1x50x128xf32, #tpu.memory_space<hbm>>
    %dma_wait3A_612 = tpu.memref_squeeze %dma_wait3A_611 : memref<1x50x128xf32, #tpu.memory_space<hbm>> -> memref<50x128xf32, #tpu.memory_space<hbm>>
    %dma_wait3A_613 = tpu.memref_slice %arg8[%dma_wait3A_604] : memref<4x!tpu.dma_semaphore, #tpu.memory_space<semaphore_mem>> -> memref<1x!tpu.dma_semaphore, #tpu.memory_space<semaphore_mem>>
    %dma_wait3A_614 = tpu.memref_squeeze %dma_wait3A_613 : memref<1x!tpu.dma_semaphore, #tpu.memory_space<semaphore_mem>> -> memref<!tpu.dma_semaphore, #tpu.memory_space<semaphore_mem>>
    %dma_wait3A_615 = arith.constant 0 : i32
    %dma_wait3A_616 = arith.constant 0 : i32
    %dma_wait3A_617 = tpu.memref_slice %arg4[%add3A_602, %dma_wait3A_615, %dma_wait3A_616] : memref<16384x50x128xf32, #tpu.memory_space<hbm>> -> memref<1x50x128xf32, #tpu.memory_space<hbm>>
    %dma_wait3A_618 = tpu.memref_squeeze %dma_wait3A_617 : memref<1x50x128xf32, #tpu.memory_space<hbm>> -> memref<50x128xf32, #tpu.memory_space<hbm>>
    %dma_wait3A_619 = arith.constant 0 : i32
    %dma_wait3A_620 = arith.constant 0 : i32
    %dma_wait3A_621 = tpu.memref_slice %arg6[%dma_wait3A_603, %dma_wait3A_619, %dma_wait3A_620] : memref<4x200x128xf32, #tpu.memory_space<vmem>> -> memref<1x50x128xf32, #tpu.memory_space<vmem>>
    %dma_wait3A_622 = tpu.memref_squeeze %dma_wait3A_621 : memref<1x50x128xf32, #tpu.memory_space<vmem>> -> memref<50x128xf32, #tpu.memory_space<vmem>>
    tpu.wait_dma2 semaphore(%dma_wait3A_614 : memref<!tpu.dma_semaphore, #tpu.memory_space<semaphore_mem>>) src(%dma_wait3A_622 : memref<50x128xf32, #tpu.memory_space<vmem>>) dst(%dma_wait3A_618 : memref<50x128xf32, #tpu.memory_space<hbm>>)
    %add3A_623 = arith.constant 496 : i32
    %add3A_624 = arith.addi %mul3A_2, %add3A_623 : i32
    %add3A_625 = arith.constant 1 : i32
    %add3A_626 = arith.addi %add3A_624, %add3A_625 : i32
    %dma_wait3A_627 = arith.constant 0 : i32
    %dma_wait3A_628 = arith.constant 0 : i32
    %dma_wait3A_629 = arith.constant 50 : i32
    %dma_wait3A_630 = arith.constant 0 : i32
    %dma_wait3A_631 = tpu.memref_slice %arg6[%dma_wait3A_627, %dma_wait3A_629, %dma_wait3A_630] : memref<4x200x128xf32, #tpu.memory_space<vmem>> -> memref<1x50x128xf32, #tpu.memory_space<vmem>>
    %dma_wait3A_632 = tpu.memref_squeeze %dma_wait3A_631 : memref<1x50x128xf32, #tpu.memory_space<vmem>> -> memref<50x128xf32, #tpu.memory_space<vmem>>
    %dma_wait3A_633 = arith.constant 0 : i32
    %dma_wait3A_634 = arith.constant 0 : i32
    %dma_wait3A_635 = tpu.memref_slice %arg4[%add3A_626, %dma_wait3A_633, %dma_wait3A_634] : memref<16384x50x128xf32, #tpu.memory_space<hbm>> -> memref<1x50x128xf32, #tpu.memory_space<hbm>>
    %dma_wait3A_636 = tpu.memref_squeeze %dma_wait3A_635 : memref<1x50x128xf32, #tpu.memory_space<hbm>> -> memref<50x128xf32, #tpu.memory_space<hbm>>
    %dma_wait3A_637 = tpu.memref_slice %arg8[%dma_wait3A_628] : memref<4x!tpu.dma_semaphore, #tpu.memory_space<semaphore_mem>> -> memref<1x!tpu.dma_semaphore, #tpu.memory_space<semaphore_mem>>
    %dma_wait3A_638 = tpu.memref_squeeze %dma_wait3A_637 : memref<1x!tpu.dma_semaphore, #tpu.memory_space<semaphore_mem>> -> memref<!tpu.dma_semaphore, #tpu.memory_space<semaphore_mem>>
    %dma_wait3A_639 = arith.constant 0 : i32
    %dma_wait3A_640 = arith.constant 0 : i32
    %dma_wait3A_641 = tpu.memref_slice %arg4[%add3A_626, %dma_wait3A_639, %dma_wait3A_640] : memref<16384x50x128xf32, #tpu.memory_space<hbm>> -> memref<1x50x128xf32, #tpu.memory_space<hbm>>
    %dma_wait3A_642 = tpu.memref_squeeze %dma_wait3A_641 : memref<1x50x128xf32, #tpu.memory_space<hbm>> -> memref<50x128xf32, #tpu.memory_space<hbm>>
    %dma_wait3A_643 = arith.constant 50 : i32
    %dma_wait3A_644 = arith.constant 0 : i32
    %dma_wait3A_645 = tpu.memref_slice %arg6[%dma_wait3A_627, %dma_wait3A_643, %dma_wait3A_644] : memref<4x200x128xf32, #tpu.memory_space<vmem>> -> memref<1x50x128xf32, #tpu.memory_space<vmem>>
    %dma_wait3A_646 = tpu.memref_squeeze %dma_wait3A_645 : memref<1x50x128xf32, #tpu.memory_space<vmem>> -> memref<50x128xf32, #tpu.memory_space<vmem>>
    tpu.wait_dma2 semaphore(%dma_wait3A_638 : memref<!tpu.dma_semaphore, #tpu.memory_space<semaphore_mem>>) src(%dma_wait3A_646 : memref<50x128xf32, #tpu.memory_space<vmem>>) dst(%dma_wait3A_642 : memref<50x128xf32, #tpu.memory_space<hbm>>)
    %add3A_647 = arith.constant 496 : i32
    %add3A_648 = arith.addi %mul3A_2, %add3A_647 : i32
    %add3A_649 = arith.constant 2 : i32
    %add3A_650 = arith.addi %add3A_648, %add3A_649 : i32
    %dma_wait3A_651 = arith.constant 0 : i32
    %dma_wait3A_652 = arith.constant 0 : i32
    %dma_wait3A_653 = arith.constant 100 : i32
    %dma_wait3A_654 = arith.constant 0 : i32
    %dma_wait3A_655 = tpu.memref_slice %arg6[%dma_wait3A_651, %dma_wait3A_653, %dma_wait3A_654] : memref<4x200x128xf32, #tpu.memory_space<vmem>> -> memref<1x50x128xf32, #tpu.memory_space<vmem>>
    %dma_wait3A_656 = tpu.memref_squeeze %dma_wait3A_655 : memref<1x50x128xf32, #tpu.memory_space<vmem>> -> memref<50x128xf32, #tpu.memory_space<vmem>>
    %dma_wait3A_657 = arith.constant 0 : i32
    %dma_wait3A_658 = arith.constant 0 : i32
    %dma_wait3A_659 = tpu.memref_slice %arg4[%add3A_650, %dma_wait3A_657, %dma_wait3A_658] : memref<16384x50x128xf32, #tpu.memory_space<hbm>> -> memref<1x50x128xf32, #tpu.memory_space<hbm>>
    %dma_wait3A_660 = tpu.memref_squeeze %dma_wait3A_659 : memref<1x50x128xf32, #tpu.memory_space<hbm>> -> memref<50x128xf32, #tpu.memory_space<hbm>>
    %dma_wait3A_661 = tpu.memref_slice %arg8[%dma_wait3A_652] : memref<4x!tpu.dma_semaphore, #tpu.memory_space<semaphore_mem>> -> memref<1x!tpu.dma_semaphore, #tpu.memory_space<semaphore_mem>>
    %dma_wait3A_662 = tpu.memref_squeeze %dma_wait3A_661 : memref<1x!tpu.dma_semaphore, #tpu.memory_space<semaphore_mem>> -> memref<!tpu.dma_semaphore, #tpu.memory_space<semaphore_mem>>
    %dma_wait3A_663 = arith.constant 0 : i32
    %dma_wait3A_664 = arith.constant 0 : i32
    %dma_wait3A_665 = tpu.memref_slice %arg4[%add3A_650, %dma_wait3A_663, %dma_wait3A_664] : memref<16384x50x128xf32, #tpu.memory_space<hbm>> -> memref<1x50x128xf32, #tpu.memory_space<hbm>>
    %dma_wait3A_666 = tpu.memref_squeeze %dma_wait3A_665 : memref<1x50x128xf32, #tpu.memory_space<hbm>> -> memref<50x128xf32, #tpu.memory_space<hbm>>
    %dma_wait3A_667 = arith.constant 100 : i32
    %dma_wait3A_668 = arith.constant 0 : i32
    %dma_wait3A_669 = tpu.memref_slice %arg6[%dma_wait3A_651, %dma_wait3A_667, %dma_wait3A_668] : memref<4x200x128xf32, #tpu.memory_space<vmem>> -> memref<1x50x128xf32, #tpu.memory_space<vmem>>
    %dma_wait3A_670 = tpu.memref_squeeze %dma_wait3A_669 : memref<1x50x128xf32, #tpu.memory_space<vmem>> -> memref<50x128xf32, #tpu.memory_space<vmem>>
    tpu.wait_dma2 semaphore(%dma_wait3A_662 : memref<!tpu.dma_semaphore, #tpu.memory_space<semaphore_mem>>) src(%dma_wait3A_670 : memref<50x128xf32, #tpu.memory_space<vmem>>) dst(%dma_wait3A_666 : memref<50x128xf32, #tpu.memory_space<hbm>>)
    %add3A_671 = arith.constant 496 : i32
    %add3A_672 = arith.addi %mul3A_2, %add3A_671 : i32
    %add3A_673 = arith.constant 3 : i32
    %add3A_674 = arith.addi %add3A_672, %add3A_673 : i32
    %dma_wait3A_675 = arith.constant 0 : i32
    %dma_wait3A_676 = arith.constant 0 : i32
    %dma_wait3A_677 = arith.constant 150 : i32
    %dma_wait3A_678 = arith.constant 0 : i32
    %dma_wait3A_679 = tpu.memref_slice %arg6[%dma_wait3A_675, %dma_wait3A_677, %dma_wait3A_678] : memref<4x200x128xf32, #tpu.memory_space<vmem>> -> memref<1x50x128xf32, #tpu.memory_space<vmem>>
    %dma_wait3A_680 = tpu.memref_squeeze %dma_wait3A_679 : memref<1x50x128xf32, #tpu.memory_space<vmem>> -> memref<50x128xf32, #tpu.memory_space<vmem>>
    %dma_wait3A_681 = arith.constant 0 : i32
    %dma_wait3A_682 = arith.constant 0 : i32
    %dma_wait3A_683 = tpu.memref_slice %arg4[%add3A_674, %dma_wait3A_681, %dma_wait3A_682] : memref<16384x50x128xf32, #tpu.memory_space<hbm>> -> memref<1x50x128xf32, #tpu.memory_space<hbm>>
    %dma_wait3A_684 = tpu.memref_squeeze %dma_wait3A_683 : memref<1x50x128xf32, #tpu.memory_space<hbm>> -> memref<50x128xf32, #tpu.memory_space<hbm>>
    %dma_wait3A_685 = tpu.memref_slice %arg8[%dma_wait3A_676] : memref<4x!tpu.dma_semaphore, #tpu.memory_space<semaphore_mem>> -> memref<1x!tpu.dma_semaphore, #tpu.memory_space<semaphore_mem>>
    %dma_wait3A_686 = tpu.memref_squeeze %dma_wait3A_685 : memref<1x!tpu.dma_semaphore, #tpu.memory_space<semaphore_mem>> -> memref<!tpu.dma_semaphore, #tpu.memory_space<semaphore_mem>>
    %dma_wait3A_687 = arith.constant 0 : i32
    %dma_wait3A_688 = arith.constant 0 : i32
    %dma_wait3A_689 = tpu.memref_slice %arg4[%add3A_674, %dma_wait3A_687, %dma_wait3A_688] : memref<16384x50x128xf32, #tpu.memory_space<hbm>> -> memref<1x50x128xf32, #tpu.memory_space<hbm>>
    %dma_wait3A_690 = tpu.memref_squeeze %dma_wait3A_689 : memref<1x50x128xf32, #tpu.memory_space<hbm>> -> memref<50x128xf32, #tpu.memory_space<hbm>>
    %dma_wait3A_691 = arith.constant 150 : i32
    %dma_wait3A_692 = arith.constant 0 : i32
    %dma_wait3A_693 = tpu.memref_slice %arg6[%dma_wait3A_675, %dma_wait3A_691, %dma_wait3A_692] : memref<4x200x128xf32, #tpu.memory_space<vmem>> -> memref<1x50x128xf32, #tpu.memory_space<vmem>>
    %dma_wait3A_694 = tpu.memref_squeeze %dma_wait3A_693 : memref<1x50x128xf32, #tpu.memory_space<vmem>> -> memref<50x128xf32, #tpu.memory_space<vmem>>
    tpu.wait_dma2 semaphore(%dma_wait3A_686 : memref<!tpu.dma_semaphore, #tpu.memory_space<semaphore_mem>>) src(%dma_wait3A_694 : memref<50x128xf32, #tpu.memory_space<vmem>>) dst(%dma_wait3A_690 : memref<50x128xf32, #tpu.memory_space<hbm>>)
    %add3A_695 = arith.constant 500 : i32
    %add3A_696 = arith.addi %mul3A_2, %add3A_695 : i32
    %add3A_697 = arith.constant 0 : i32
    %add3A_698 = arith.addi %add3A_696, %add3A_697 : i32
    %dma_wait3A_699 = arith.constant 1 : i32
    %dma_wait3A_700 = arith.constant 1 : i32
    %dma_wait3A_701 = arith.constant 0 : i32
    %dma_wait3A_702 = arith.constant 0 : i32
    %dma_wait3A_703 = tpu.memref_slice %arg6[%dma_wait3A_699, %dma_wait3A_701, %dma_wait3A_702] : memref<4x200x128xf32, #tpu.memory_space<vmem>> -> memref<1x50x128xf32, #tpu.memory_space<vmem>>
    %dma_wait3A_704 = tpu.memref_squeeze %dma_wait3A_703 : memref<1x50x128xf32, #tpu.memory_space<vmem>> -> memref<50x128xf32, #tpu.memory_space<vmem>>
    %dma_wait3A_705 = arith.constant 0 : i32
    %dma_wait3A_706 = arith.constant 0 : i32
    %dma_wait3A_707 = tpu.memref_slice %arg4[%add3A_698, %dma_wait3A_705, %dma_wait3A_706] : memref<16384x50x128xf32, #tpu.memory_space<hbm>> -> memref<1x50x128xf32, #tpu.memory_space<hbm>>
    %dma_wait3A_708 = tpu.memref_squeeze %dma_wait3A_707 : memref<1x50x128xf32, #tpu.memory_space<hbm>> -> memref<50x128xf32, #tpu.memory_space<hbm>>
    %dma_wait3A_709 = tpu.memref_slice %arg8[%dma_wait3A_700] : memref<4x!tpu.dma_semaphore, #tpu.memory_space<semaphore_mem>> -> memref<1x!tpu.dma_semaphore, #tpu.memory_space<semaphore_mem>>
    %dma_wait3A_710 = tpu.memref_squeeze %dma_wait3A_709 : memref<1x!tpu.dma_semaphore, #tpu.memory_space<semaphore_mem>> -> memref<!tpu.dma_semaphore, #tpu.memory_space<semaphore_mem>>
    %dma_wait3A_711 = arith.constant 0 : i32
    %dma_wait3A_712 = arith.constant 0 : i32
    %dma_wait3A_713 = tpu.memref_slice %arg4[%add3A_698, %dma_wait3A_711, %dma_wait3A_712] : memref<16384x50x128xf32, #tpu.memory_space<hbm>> -> memref<1x50x128xf32, #tpu.memory_space<hbm>>
    %dma_wait3A_714 = tpu.memref_squeeze %dma_wait3A_713 : memref<1x50x128xf32, #tpu.memory_space<hbm>> -> memref<50x128xf32, #tpu.memory_space<hbm>>
    %dma_wait3A_715 = arith.constant 0 : i32
    %dma_wait3A_716 = arith.constant 0 : i32
    %dma_wait3A_717 = tpu.memref_slice %arg6[%dma_wait3A_699, %dma_wait3A_715, %dma_wait3A_716] : memref<4x200x128xf32, #tpu.memory_space<vmem>> -> memref<1x50x128xf32, #tpu.memory_space<vmem>>
    %dma_wait3A_718 = tpu.memref_squeeze %dma_wait3A_717 : memref<1x50x128xf32, #tpu.memory_space<vmem>> -> memref<50x128xf32, #tpu.memory_space<vmem>>
    tpu.wait_dma2 semaphore(%dma_wait3A_710 : memref<!tpu.dma_semaphore, #tpu.memory_space<semaphore_mem>>) src(%dma_wait3A_718 : memref<50x128xf32, #tpu.memory_space<vmem>>) dst(%dma_wait3A_714 : memref<50x128xf32, #tpu.memory_space<hbm>>)
    %add3A_719 = arith.constant 500 : i32
    %add3A_720 = arith.addi %mul3A_2, %add3A_719 : i32
    %add3A_721 = arith.constant 1 : i32
    %add3A_722 = arith.addi %add3A_720, %add3A_721 : i32
    %dma_wait3A_723 = arith.constant 1 : i32
    %dma_wait3A_724 = arith.constant 1 : i32
    %dma_wait3A_725 = arith.constant 50 : i32
    %dma_wait3A_726 = arith.constant 0 : i32
    %dma_wait3A_727 = tpu.memref_slice %arg6[%dma_wait3A_723, %dma_wait3A_725, %dma_wait3A_726] : memref<4x200x128xf32, #tpu.memory_space<vmem>> -> memref<1x50x128xf32, #tpu.memory_space<vmem>>
    %dma_wait3A_728 = tpu.memref_squeeze %dma_wait3A_727 : memref<1x50x128xf32, #tpu.memory_space<vmem>> -> memref<50x128xf32, #tpu.memory_space<vmem>>
    %dma_wait3A_729 = arith.constant 0 : i32
    %dma_wait3A_730 = arith.constant 0 : i32
    %dma_wait3A_731 = tpu.memref_slice %arg4[%add3A_722, %dma_wait3A_729, %dma_wait3A_730] : memref<16384x50x128xf32, #tpu.memory_space<hbm>> -> memref<1x50x128xf32, #tpu.memory_space<hbm>>
    %dma_wait3A_732 = tpu.memref_squeeze %dma_wait3A_731 : memref<1x50x128xf32, #tpu.memory_space<hbm>> -> memref<50x128xf32, #tpu.memory_space<hbm>>
    %dma_wait3A_733 = tpu.memref_slice %arg8[%dma_wait3A_724] : memref<4x!tpu.dma_semaphore, #tpu.memory_space<semaphore_mem>> -> memref<1x!tpu.dma_semaphore, #tpu.memory_space<semaphore_mem>>
    %dma_wait3A_734 = tpu.memref_squeeze %dma_wait3A_733 : memref<1x!tpu.dma_semaphore, #tpu.memory_space<semaphore_mem>> -> memref<!tpu.dma_semaphore, #tpu.memory_space<semaphore_mem>>
    %dma_wait3A_735 = arith.constant 0 : i32
    %dma_wait3A_736 = arith.constant 0 : i32
    %dma_wait3A_737 = tpu.memref_slice %arg4[%add3A_722, %dma_wait3A_735, %dma_wait3A_736] : memref<16384x50x128xf32, #tpu.memory_space<hbm>> -> memref<1x50x128xf32, #tpu.memory_space<hbm>>
    %dma_wait3A_738 = tpu.memref_squeeze %dma_wait3A_737 : memref<1x50x128xf32, #tpu.memory_space<hbm>> -> memref<50x128xf32, #tpu.memory_space<hbm>>
    %dma_wait3A_739 = arith.constant 50 : i32
    %dma_wait3A_740 = arith.constant 0 : i32
    %dma_wait3A_741 = tpu.memref_slice %arg6[%dma_wait3A_723, %dma_wait3A_739, %dma_wait3A_740] : memref<4x200x128xf32, #tpu.memory_space<vmem>> -> memref<1x50x128xf32, #tpu.memory_space<vmem>>
    %dma_wait3A_742 = tpu.memref_squeeze %dma_wait3A_741 : memref<1x50x128xf32, #tpu.memory_space<vmem>> -> memref<50x128xf32, #tpu.memory_space<vmem>>
    tpu.wait_dma2 semaphore(%dma_wait3A_734 : memref<!tpu.dma_semaphore, #tpu.memory_space<semaphore_mem>>) src(%dma_wait3A_742 : memref<50x128xf32, #tpu.memory_space<vmem>>) dst(%dma_wait3A_738 : memref<50x128xf32, #tpu.memory_space<hbm>>)
    %add3A_743 = arith.constant 500 : i32
    %add3A_744 = arith.addi %mul3A_2, %add3A_743 : i32
    %add3A_745 = arith.constant 2 : i32
    %add3A_746 = arith.addi %add3A_744, %add3A_745 : i32
    %dma_wait3A_747 = arith.constant 1 : i32
    %dma_wait3A_748 = arith.constant 1 : i32
    %dma_wait3A_749 = arith.constant 100 : i32
    %dma_wait3A_750 = arith.constant 0 : i32
    %dma_wait3A_751 = tpu.memref_slice %arg6[%dma_wait3A_747, %dma_wait3A_749, %dma_wait3A_750] : memref<4x200x128xf32, #tpu.memory_space<vmem>> -> memref<1x50x128xf32, #tpu.memory_space<vmem>>
    %dma_wait3A_752 = tpu.memref_squeeze %dma_wait3A_751 : memref<1x50x128xf32, #tpu.memory_space<vmem>> -> memref<50x128xf32, #tpu.memory_space<vmem>>
    %dma_wait3A_753 = arith.constant 0 : i32
    %dma_wait3A_754 = arith.constant 0 : i32
    %dma_wait3A_755 = tpu.memref_slice %arg4[%add3A_746, %dma_wait3A_753, %dma_wait3A_754] : memref<16384x50x128xf32, #tpu.memory_space<hbm>> -> memref<1x50x128xf32, #tpu.memory_space<hbm>>
    %dma_wait3A_756 = tpu.memref_squeeze %dma_wait3A_755 : memref<1x50x128xf32, #tpu.memory_space<hbm>> -> memref<50x128xf32, #tpu.memory_space<hbm>>
    %dma_wait3A_757 = tpu.memref_slice %arg8[%dma_wait3A_748] : memref<4x!tpu.dma_semaphore, #tpu.memory_space<semaphore_mem>> -> memref<1x!tpu.dma_semaphore, #tpu.memory_space<semaphore_mem>>
    %dma_wait3A_758 = tpu.memref_squeeze %dma_wait3A_757 : memref<1x!tpu.dma_semaphore, #tpu.memory_space<semaphore_mem>> -> memref<!tpu.dma_semaphore, #tpu.memory_space<semaphore_mem>>
    %dma_wait3A_759 = arith.constant 0 : i32
    %dma_wait3A_760 = arith.constant 0 : i32
    %dma_wait3A_761 = tpu.memref_slice %arg4[%add3A_746, %dma_wait3A_759, %dma_wait3A_760] : memref<16384x50x128xf32, #tpu.memory_space<hbm>> -> memref<1x50x128xf32, #tpu.memory_space<hbm>>
    %dma_wait3A_762 = tpu.memref_squeeze %dma_wait3A_761 : memref<1x50x128xf32, #tpu.memory_space<hbm>> -> memref<50x128xf32, #tpu.memory_space<hbm>>
    %dma_wait3A_763 = arith.constant 100 : i32
    %dma_wait3A_764 = arith.constant 0 : i32
    %dma_wait3A_765 = tpu.memref_slice %arg6[%dma_wait3A_747, %dma_wait3A_763, %dma_wait3A_764] : memref<4x200x128xf32, #tpu.memory_space<vmem>> -> memref<1x50x128xf32, #tpu.memory_space<vmem>>
    %dma_wait3A_766 = tpu.memref_squeeze %dma_wait3A_765 : memref<1x50x128xf32, #tpu.memory_space<vmem>> -> memref<50x128xf32, #tpu.memory_space<vmem>>
    tpu.wait_dma2 semaphore(%dma_wait3A_758 : memref<!tpu.dma_semaphore, #tpu.memory_space<semaphore_mem>>) src(%dma_wait3A_766 : memref<50x128xf32, #tpu.memory_space<vmem>>) dst(%dma_wait3A_762 : memref<50x128xf32, #tpu.memory_space<hbm>>)
    %add3A_767 = arith.constant 500 : i32
    %add3A_768 = arith.addi %mul3A_2, %add3A_767 : i32
    %add3A_769 = arith.constant 3 : i32
    %add3A_770 = arith.addi %add3A_768, %add3A_769 : i32
    %dma_wait3A_771 = arith.constant 1 : i32
    %dma_wait3A_772 = arith.constant 1 : i32
    %dma_wait3A_773 = arith.constant 150 : i32
    %dma_wait3A_774 = arith.constant 0 : i32
    %dma_wait3A_775 = tpu.memref_slice %arg6[%dma_wait3A_771, %dma_wait3A_773, %dma_wait3A_774] : memref<4x200x128xf32, #tpu.memory_space<vmem>> -> memref<1x50x128xf32, #tpu.memory_space<vmem>>
    %dma_wait3A_776 = tpu.memref_squeeze %dma_wait3A_775 : memref<1x50x128xf32, #tpu.memory_space<vmem>> -> memref<50x128xf32, #tpu.memory_space<vmem>>
    %dma_wait3A_777 = arith.constant 0 : i32
    %dma_wait3A_778 = arith.constant 0 : i32
    %dma_wait3A_779 = tpu.memref_slice %arg4[%add3A_770, %dma_wait3A_777, %dma_wait3A_778] : memref<16384x50x128xf32, #tpu.memory_space<hbm>> -> memref<1x50x128xf32, #tpu.memory_space<hbm>>
    %dma_wait3A_780 = tpu.memref_squeeze %dma_wait3A_779 : memref<1x50x128xf32, #tpu.memory_space<hbm>> -> memref<50x128xf32, #tpu.memory_space<hbm>>
    %dma_wait3A_781 = tpu.memref_slice %arg8[%dma_wait3A_772] : memref<4x!tpu.dma_semaphore, #tpu.memory_space<semaphore_mem>> -> memref<1x!tpu.dma_semaphore, #tpu.memory_space<semaphore_mem>>
    %dma_wait3A_782 = tpu.memref_squeeze %dma_wait3A_781 : memref<1x!tpu.dma_semaphore, #tpu.memory_space<semaphore_mem>> -> memref<!tpu.dma_semaphore, #tpu.memory_space<semaphore_mem>>
    %dma_wait3A_783 = arith.constant 0 : i32
    %dma_wait3A_784 = arith.constant 0 : i32
    %dma_wait3A_785 = tpu.memref_slice %arg4[%add3A_770, %dma_wait3A_783, %dma_wait3A_784] : memref<16384x50x128xf32, #tpu.memory_space<hbm>> -> memref<1x50x128xf32, #tpu.memory_space<hbm>>
    %dma_wait3A_786 = tpu.memref_squeeze %dma_wait3A_785 : memref<1x50x128xf32, #tpu.memory_space<hbm>> -> memref<50x128xf32, #tpu.memory_space<hbm>>
    %dma_wait3A_787 = arith.constant 150 : i32
    %dma_wait3A_788 = arith.constant 0 : i32
    %dma_wait3A_789 = tpu.memref_slice %arg6[%dma_wait3A_771, %dma_wait3A_787, %dma_wait3A_788] : memref<4x200x128xf32, #tpu.memory_space<vmem>> -> memref<1x50x128xf32, #tpu.memory_space<vmem>>
    %dma_wait3A_790 = tpu.memref_squeeze %dma_wait3A_789 : memref<1x50x128xf32, #tpu.memory_space<vmem>> -> memref<50x128xf32, #tpu.memory_space<vmem>>
    tpu.wait_dma2 semaphore(%dma_wait3A_782 : memref<!tpu.dma_semaphore, #tpu.memory_space<semaphore_mem>>) src(%dma_wait3A_790 : memref<50x128xf32, #tpu.memory_space<vmem>>) dst(%dma_wait3A_786 : memref<50x128xf32, #tpu.memory_space<hbm>>)
    %add3A_791 = arith.constant 504 : i32
    %add3A_792 = arith.addi %mul3A_2, %add3A_791 : i32
    %add3A_793 = arith.constant 0 : i32
    %add3A_794 = arith.addi %add3A_792, %add3A_793 : i32
    %dma_wait3A_795 = arith.constant 2 : i32
    %dma_wait3A_796 = arith.constant 2 : i32
    %dma_wait3A_797 = arith.constant 0 : i32
    %dma_wait3A_798 = arith.constant 0 : i32
    %dma_wait3A_799 = tpu.memref_slice %arg6[%dma_wait3A_795, %dma_wait3A_797, %dma_wait3A_798] : memref<4x200x128xf32, #tpu.memory_space<vmem>> -> memref<1x50x128xf32, #tpu.memory_space<vmem>>
    %dma_wait3A_800 = tpu.memref_squeeze %dma_wait3A_799 : memref<1x50x128xf32, #tpu.memory_space<vmem>> -> memref<50x128xf32, #tpu.memory_space<vmem>>
    %dma_wait3A_801 = arith.constant 0 : i32
    %dma_wait3A_802 = arith.constant 0 : i32
    %dma_wait3A_803 = tpu.memref_slice %arg4[%add3A_794, %dma_wait3A_801, %dma_wait3A_802] : memref<16384x50x128xf32, #tpu.memory_space<hbm>> -> memref<1x50x128xf32, #tpu.memory_space<hbm>>
    %dma_wait3A_804 = tpu.memref_squeeze %dma_wait3A_803 : memref<1x50x128xf32, #tpu.memory_space<hbm>> -> memref<50x128xf32, #tpu.memory_space<hbm>>
    %dma_wait3A_805 = tpu.memref_slice %arg8[%dma_wait3A_796] : memref<4x!tpu.dma_semaphore, #tpu.memory_space<semaphore_mem>> -> memref<1x!tpu.dma_semaphore, #tpu.memory_space<semaphore_mem>>
    %dma_wait3A_806 = tpu.memref_squeeze %dma_wait3A_805 : memref<1x!tpu.dma_semaphore, #tpu.memory_space<semaphore_mem>> -> memref<!tpu.dma_semaphore, #tpu.memory_space<semaphore_mem>>
    %dma_wait3A_807 = arith.constant 0 : i32
    %dma_wait3A_808 = arith.constant 0 : i32
    %dma_wait3A_809 = tpu.memref_slice %arg4[%add3A_794, %dma_wait3A_807, %dma_wait3A_808] : memref<16384x50x128xf32, #tpu.memory_space<hbm>> -> memref<1x50x128xf32, #tpu.memory_space<hbm>>
    %dma_wait3A_810 = tpu.memref_squeeze %dma_wait3A_809 : memref<1x50x128xf32, #tpu.memory_space<hbm>> -> memref<50x128xf32, #tpu.memory_space<hbm>>
    %dma_wait3A_811 = arith.constant 0 : i32
    %dma_wait3A_812 = arith.constant 0 : i32
    %dma_wait3A_813 = tpu.memref_slice %arg6[%dma_wait3A_795, %dma_wait3A_811, %dma_wait3A_812] : memref<4x200x128xf32, #tpu.memory_space<vmem>> -> memref<1x50x128xf32, #tpu.memory_space<vmem>>
    %dma_wait3A_814 = tpu.memref_squeeze %dma_wait3A_813 : memref<1x50x128xf32, #tpu.memory_space<vmem>> -> memref<50x128xf32, #tpu.memory_space<vmem>>
    tpu.wait_dma2 semaphore(%dma_wait3A_806 : memref<!tpu.dma_semaphore, #tpu.memory_space<semaphore_mem>>) src(%dma_wait3A_814 : memref<50x128xf32, #tpu.memory_space<vmem>>) dst(%dma_wait3A_810 : memref<50x128xf32, #tpu.memory_space<hbm>>)
    %add3A_815 = arith.constant 504 : i32
    %add3A_816 = arith.addi %mul3A_2, %add3A_815 : i32
    %add3A_817 = arith.constant 1 : i32
    %add3A_818 = arith.addi %add3A_816, %add3A_817 : i32
    %dma_wait3A_819 = arith.constant 2 : i32
    %dma_wait3A_820 = arith.constant 2 : i32
    %dma_wait3A_821 = arith.constant 50 : i32
    %dma_wait3A_822 = arith.constant 0 : i32
    %dma_wait3A_823 = tpu.memref_slice %arg6[%dma_wait3A_819, %dma_wait3A_821, %dma_wait3A_822] : memref<4x200x128xf32, #tpu.memory_space<vmem>> -> memref<1x50x128xf32, #tpu.memory_space<vmem>>
    %dma_wait3A_824 = tpu.memref_squeeze %dma_wait3A_823 : memref<1x50x128xf32, #tpu.memory_space<vmem>> -> memref<50x128xf32, #tpu.memory_space<vmem>>
    %dma_wait3A_825 = arith.constant 0 : i32
    %dma_wait3A_826 = arith.constant 0 : i32
    %dma_wait3A_827 = tpu.memref_slice %arg4[%add3A_818, %dma_wait3A_825, %dma_wait3A_826] : memref<16384x50x128xf32, #tpu.memory_space<hbm>> -> memref<1x50x128xf32, #tpu.memory_space<hbm>>
    %dma_wait3A_828 = tpu.memref_squeeze %dma_wait3A_827 : memref<1x50x128xf32, #tpu.memory_space<hbm>> -> memref<50x128xf32, #tpu.memory_space<hbm>>
    %dma_wait3A_829 = tpu.memref_slice %arg8[%dma_wait3A_820] : memref<4x!tpu.dma_semaphore, #tpu.memory_space<semaphore_mem>> -> memref<1x!tpu.dma_semaphore, #tpu.memory_space<semaphore_mem>>
    %dma_wait3A_830 = tpu.memref_squeeze %dma_wait3A_829 : memref<1x!tpu.dma_semaphore, #tpu.memory_space<semaphore_mem>> -> memref<!tpu.dma_semaphore, #tpu.memory_space<semaphore_mem>>
    %dma_wait3A_831 = arith.constant 0 : i32
    %dma_wait3A_832 = arith.constant 0 : i32
    %dma_wait3A_833 = tpu.memref_slice %arg4[%add3A_818, %dma_wait3A_831, %dma_wait3A_832] : memref<16384x50x128xf32, #tpu.memory_space<hbm>> -> memref<1x50x128xf32, #tpu.memory_space<hbm>>
    %dma_wait3A_834 = tpu.memref_squeeze %dma_wait3A_833 : memref<1x50x128xf32, #tpu.memory_space<hbm>> -> memref<50x128xf32, #tpu.memory_space<hbm>>
    %dma_wait3A_835 = arith.constant 50 : i32
    %dma_wait3A_836 = arith.constant 0 : i32
    %dma_wait3A_837 = tpu.memref_slice %arg6[%dma_wait3A_819, %dma_wait3A_835, %dma_wait3A_836] : memref<4x200x128xf32, #tpu.memory_space<vmem>> -> memref<1x50x128xf32, #tpu.memory_space<vmem>>
    %dma_wait3A_838 = tpu.memref_squeeze %dma_wait3A_837 : memref<1x50x128xf32, #tpu.memory_space<vmem>> -> memref<50x128xf32, #tpu.memory_space<vmem>>
    tpu.wait_dma2 semaphore(%dma_wait3A_830 : memref<!tpu.dma_semaphore, #tpu.memory_space<semaphore_mem>>) src(%dma_wait3A_838 : memref<50x128xf32, #tpu.memory_space<vmem>>) dst(%dma_wait3A_834 : memref<50x128xf32, #tpu.memory_space<hbm>>)
    %add3A_839 = arith.constant 504 : i32
    %add3A_840 = arith.addi %mul3A_2, %add3A_839 : i32
    %add3A_841 = arith.constant 2 : i32
    %add3A_842 = arith.addi %add3A_840, %add3A_841 : i32
    %dma_wait3A_843 = arith.constant 2 : i32
    %dma_wait3A_844 = arith.constant 2 : i32
    %dma_wait3A_845 = arith.constant 100 : i32
    %dma_wait3A_846 = arith.constant 0 : i32
    %dma_wait3A_847 = tpu.memref_slice %arg6[%dma_wait3A_843, %dma_wait3A_845, %dma_wait3A_846] : memref<4x200x128xf32, #tpu.memory_space<vmem>> -> memref<1x50x128xf32, #tpu.memory_space<vmem>>
    %dma_wait3A_848 = tpu.memref_squeeze %dma_wait3A_847 : memref<1x50x128xf32, #tpu.memory_space<vmem>> -> memref<50x128xf32, #tpu.memory_space<vmem>>
    %dma_wait3A_849 = arith.constant 0 : i32
    %dma_wait3A_850 = arith.constant 0 : i32
    %dma_wait3A_851 = tpu.memref_slice %arg4[%add3A_842, %dma_wait3A_849, %dma_wait3A_850] : memref<16384x50x128xf32, #tpu.memory_space<hbm>> -> memref<1x50x128xf32, #tpu.memory_space<hbm>>
    %dma_wait3A_852 = tpu.memref_squeeze %dma_wait3A_851 : memref<1x50x128xf32, #tpu.memory_space<hbm>> -> memref<50x128xf32, #tpu.memory_space<hbm>>
    %dma_wait3A_853 = tpu.memref_slice %arg8[%dma_wait3A_844] : memref<4x!tpu.dma_semaphore, #tpu.memory_space<semaphore_mem>> -> memref<1x!tpu.dma_semaphore, #tpu.memory_space<semaphore_mem>>
    %dma_wait3A_854 = tpu.memref_squeeze %dma_wait3A_853 : memref<1x!tpu.dma_semaphore, #tpu.memory_space<semaphore_mem>> -> memref<!tpu.dma_semaphore, #tpu.memory_space<semaphore_mem>>
    %dma_wait3A_855 = arith.constant 0 : i32
    %dma_wait3A_856 = arith.constant 0 : i32
    %dma_wait3A_857 = tpu.memref_slice %arg4[%add3A_842, %dma_wait3A_855, %dma_wait3A_856] : memref<16384x50x128xf32, #tpu.memory_space<hbm>> -> memref<1x50x128xf32, #tpu.memory_space<hbm>>
    %dma_wait3A_858 = tpu.memref_squeeze %dma_wait3A_857 : memref<1x50x128xf32, #tpu.memory_space<hbm>> -> memref<50x128xf32, #tpu.memory_space<hbm>>
    %dma_wait3A_859 = arith.constant 100 : i32
    %dma_wait3A_860 = arith.constant 0 : i32
    %dma_wait3A_861 = tpu.memref_slice %arg6[%dma_wait3A_843, %dma_wait3A_859, %dma_wait3A_860] : memref<4x200x128xf32, #tpu.memory_space<vmem>> -> memref<1x50x128xf32, #tpu.memory_space<vmem>>
    %dma_wait3A_862 = tpu.memref_squeeze %dma_wait3A_861 : memref<1x50x128xf32, #tpu.memory_space<vmem>> -> memref<50x128xf32, #tpu.memory_space<vmem>>
    tpu.wait_dma2 semaphore(%dma_wait3A_854 : memref<!tpu.dma_semaphore, #tpu.memory_space<semaphore_mem>>) src(%dma_wait3A_862 : memref<50x128xf32, #tpu.memory_space<vmem>>) dst(%dma_wait3A_858 : memref<50x128xf32, #tpu.memory_space<hbm>>)
    %add3A_863 = arith.constant 504 : i32
    %add3A_864 = arith.addi %mul3A_2, %add3A_863 : i32
    %add3A_865 = arith.constant 3 : i32
    %add3A_866 = arith.addi %add3A_864, %add3A_865 : i32
    %dma_wait3A_867 = arith.constant 2 : i32
    %dma_wait3A_868 = arith.constant 2 : i32
    %dma_wait3A_869 = arith.constant 150 : i32
    %dma_wait3A_870 = arith.constant 0 : i32
    %dma_wait3A_871 = tpu.memref_slice %arg6[%dma_wait3A_867, %dma_wait3A_869, %dma_wait3A_870] : memref<4x200x128xf32, #tpu.memory_space<vmem>> -> memref<1x50x128xf32, #tpu.memory_space<vmem>>
    %dma_wait3A_872 = tpu.memref_squeeze %dma_wait3A_871 : memref<1x50x128xf32, #tpu.memory_space<vmem>> -> memref<50x128xf32, #tpu.memory_space<vmem>>
    %dma_wait3A_873 = arith.constant 0 : i32
    %dma_wait3A_874 = arith.constant 0 : i32
    %dma_wait3A_875 = tpu.memref_slice %arg4[%add3A_866, %dma_wait3A_873, %dma_wait3A_874] : memref<16384x50x128xf32, #tpu.memory_space<hbm>> -> memref<1x50x128xf32, #tpu.memory_space<hbm>>
    %dma_wait3A_876 = tpu.memref_squeeze %dma_wait3A_875 : memref<1x50x128xf32, #tpu.memory_space<hbm>> -> memref<50x128xf32, #tpu.memory_space<hbm>>
    %dma_wait3A_877 = tpu.memref_slice %arg8[%dma_wait3A_868] : memref<4x!tpu.dma_semaphore, #tpu.memory_space<semaphore_mem>> -> memref<1x!tpu.dma_semaphore, #tpu.memory_space<semaphore_mem>>
    %dma_wait3A_878 = tpu.memref_squeeze %dma_wait3A_877 : memref<1x!tpu.dma_semaphore, #tpu.memory_space<semaphore_mem>> -> memref<!tpu.dma_semaphore, #tpu.memory_space<semaphore_mem>>
    %dma_wait3A_879 = arith.constant 0 : i32
    %dma_wait3A_880 = arith.constant 0 : i32
    %dma_wait3A_881 = tpu.memref_slice %arg4[%add3A_866, %dma_wait3A_879, %dma_wait3A_880] : memref<16384x50x128xf32, #tpu.memory_space<hbm>> -> memref<1x50x128xf32, #tpu.memory_space<hbm>>
    %dma_wait3A_882 = tpu.memref_squeeze %dma_wait3A_881 : memref<1x50x128xf32, #tpu.memory_space<hbm>> -> memref<50x128xf32, #tpu.memory_space<hbm>>
    %dma_wait3A_883 = arith.constant 150 : i32
    %dma_wait3A_884 = arith.constant 0 : i32
    %dma_wait3A_885 = tpu.memref_slice %arg6[%dma_wait3A_867, %dma_wait3A_883, %dma_wait3A_884] : memref<4x200x128xf32, #tpu.memory_space<vmem>> -> memref<1x50x128xf32, #tpu.memory_space<vmem>>
    %dma_wait3A_886 = tpu.memref_squeeze %dma_wait3A_885 : memref<1x50x128xf32, #tpu.memory_space<vmem>> -> memref<50x128xf32, #tpu.memory_space<vmem>>
    tpu.wait_dma2 semaphore(%dma_wait3A_878 : memref<!tpu.dma_semaphore, #tpu.memory_space<semaphore_mem>>) src(%dma_wait3A_886 : memref<50x128xf32, #tpu.memory_space<vmem>>) dst(%dma_wait3A_882 : memref<50x128xf32, #tpu.memory_space<hbm>>)
    %add3A_887 = arith.constant 508 : i32
    %add3A_888 = arith.addi %mul3A_2, %add3A_887 : i32
    %add3A_889 = arith.constant 0 : i32
    %add3A_890 = arith.addi %add3A_888, %add3A_889 : i32
    %dma_wait3A_891 = arith.constant 3 : i32
    %dma_wait3A_892 = arith.constant 3 : i32
    %dma_wait3A_893 = arith.constant 0 : i32
    %dma_wait3A_894 = arith.constant 0 : i32
    %dma_wait3A_895 = tpu.memref_slice %arg6[%dma_wait3A_891, %dma_wait3A_893, %dma_wait3A_894] : memref<4x200x128xf32, #tpu.memory_space<vmem>> -> memref<1x50x128xf32, #tpu.memory_space<vmem>>
    %dma_wait3A_896 = tpu.memref_squeeze %dma_wait3A_895 : memref<1x50x128xf32, #tpu.memory_space<vmem>> -> memref<50x128xf32, #tpu.memory_space<vmem>>
    %dma_wait3A_897 = arith.constant 0 : i32
    %dma_wait3A_898 = arith.constant 0 : i32
    %dma_wait3A_899 = tpu.memref_slice %arg4[%add3A_890, %dma_wait3A_897, %dma_wait3A_898] : memref<16384x50x128xf32, #tpu.memory_space<hbm>> -> memref<1x50x128xf32, #tpu.memory_space<hbm>>
    %dma_wait3A_900 = tpu.memref_squeeze %dma_wait3A_899 : memref<1x50x128xf32, #tpu.memory_space<hbm>> -> memref<50x128xf32, #tpu.memory_space<hbm>>
    %dma_wait3A_901 = tpu.memref_slice %arg8[%dma_wait3A_892] : memref<4x!tpu.dma_semaphore, #tpu.memory_space<semaphore_mem>> -> memref<1x!tpu.dma_semaphore, #tpu.memory_space<semaphore_mem>>
    %dma_wait3A_902 = tpu.memref_squeeze %dma_wait3A_901 : memref<1x!tpu.dma_semaphore, #tpu.memory_space<semaphore_mem>> -> memref<!tpu.dma_semaphore, #tpu.memory_space<semaphore_mem>>
    %dma_wait3A_903 = arith.constant 0 : i32
    %dma_wait3A_904 = arith.constant 0 : i32
    %dma_wait3A_905 = tpu.memref_slice %arg4[%add3A_890, %dma_wait3A_903, %dma_wait3A_904] : memref<16384x50x128xf32, #tpu.memory_space<hbm>> -> memref<1x50x128xf32, #tpu.memory_space<hbm>>
    %dma_wait3A_906 = tpu.memref_squeeze %dma_wait3A_905 : memref<1x50x128xf32, #tpu.memory_space<hbm>> -> memref<50x128xf32, #tpu.memory_space<hbm>>
    %dma_wait3A_907 = arith.constant 0 : i32
    %dma_wait3A_908 = arith.constant 0 : i32
    %dma_wait3A_909 = tpu.memref_slice %arg6[%dma_wait3A_891, %dma_wait3A_907, %dma_wait3A_908] : memref<4x200x128xf32, #tpu.memory_space<vmem>> -> memref<1x50x128xf32, #tpu.memory_space<vmem>>
    %dma_wait3A_910 = tpu.memref_squeeze %dma_wait3A_909 : memref<1x50x128xf32, #tpu.memory_space<vmem>> -> memref<50x128xf32, #tpu.memory_space<vmem>>
    tpu.wait_dma2 semaphore(%dma_wait3A_902 : memref<!tpu.dma_semaphore, #tpu.memory_space<semaphore_mem>>) src(%dma_wait3A_910 : memref<50x128xf32, #tpu.memory_space<vmem>>) dst(%dma_wait3A_906 : memref<50x128xf32, #tpu.memory_space<hbm>>)
    %add3A_911 = arith.constant 508 : i32
    %add3A_912 = arith.addi %mul3A_2, %add3A_911 : i32
    %add3A_913 = arith.constant 1 : i32
    %add3A_914 = arith.addi %add3A_912, %add3A_913 : i32
    %dma_wait3A_915 = arith.constant 3 : i32
    %dma_wait3A_916 = arith.constant 3 : i32
    %dma_wait3A_917 = arith.constant 50 : i32
    %dma_wait3A_918 = arith.constant 0 : i32
    %dma_wait3A_919 = tpu.memref_slice %arg6[%dma_wait3A_915, %dma_wait3A_917, %dma_wait3A_918] : memref<4x200x128xf32, #tpu.memory_space<vmem>> -> memref<1x50x128xf32, #tpu.memory_space<vmem>>
    %dma_wait3A_920 = tpu.memref_squeeze %dma_wait3A_919 : memref<1x50x128xf32, #tpu.memory_space<vmem>> -> memref<50x128xf32, #tpu.memory_space<vmem>>
    %dma_wait3A_921 = arith.constant 0 : i32
    %dma_wait3A_922 = arith.constant 0 : i32
    %dma_wait3A_923 = tpu.memref_slice %arg4[%add3A_914, %dma_wait3A_921, %dma_wait3A_922] : memref<16384x50x128xf32, #tpu.memory_space<hbm>> -> memref<1x50x128xf32, #tpu.memory_space<hbm>>
    %dma_wait3A_924 = tpu.memref_squeeze %dma_wait3A_923 : memref<1x50x128xf32, #tpu.memory_space<hbm>> -> memref<50x128xf32, #tpu.memory_space<hbm>>
    %dma_wait3A_925 = tpu.memref_slice %arg8[%dma_wait3A_916] : memref<4x!tpu.dma_semaphore, #tpu.memory_space<semaphore_mem>> -> memref<1x!tpu.dma_semaphore, #tpu.memory_space<semaphore_mem>>
    %dma_wait3A_926 = tpu.memref_squeeze %dma_wait3A_925 : memref<1x!tpu.dma_semaphore, #tpu.memory_space<semaphore_mem>> -> memref<!tpu.dma_semaphore, #tpu.memory_space<semaphore_mem>>
    %dma_wait3A_927 = arith.constant 0 : i32
    %dma_wait3A_928 = arith.constant 0 : i32
    %dma_wait3A_929 = tpu.memref_slice %arg4[%add3A_914, %dma_wait3A_927, %dma_wait3A_928] : memref<16384x50x128xf32, #tpu.memory_space<hbm>> -> memref<1x50x128xf32, #tpu.memory_space<hbm>>
    %dma_wait3A_930 = tpu.memref_squeeze %dma_wait3A_929 : memref<1x50x128xf32, #tpu.memory_space<hbm>> -> memref<50x128xf32, #tpu.memory_space<hbm>>
    %dma_wait3A_931 = arith.constant 50 : i32
    %dma_wait3A_932 = arith.constant 0 : i32
    %dma_wait3A_933 = tpu.memref_slice %arg6[%dma_wait3A_915, %dma_wait3A_931, %dma_wait3A_932] : memref<4x200x128xf32, #tpu.memory_space<vmem>> -> memref<1x50x128xf32, #tpu.memory_space<vmem>>
    %dma_wait3A_934 = tpu.memref_squeeze %dma_wait3A_933 : memref<1x50x128xf32, #tpu.memory_space<vmem>> -> memref<50x128xf32, #tpu.memory_space<vmem>>
    tpu.wait_dma2 semaphore(%dma_wait3A_926 : memref<!tpu.dma_semaphore, #tpu.memory_space<semaphore_mem>>) src(%dma_wait3A_934 : memref<50x128xf32, #tpu.memory_space<vmem>>) dst(%dma_wait3A_930 : memref<50x128xf32, #tpu.memory_space<hbm>>)
    %add3A_935 = arith.constant 508 : i32
    %add3A_936 = arith.addi %mul3A_2, %add3A_935 : i32
    %add3A_937 = arith.constant 2 : i32
    %add3A_938 = arith.addi %add3A_936, %add3A_937 : i32
    %dma_wait3A_939 = arith.constant 3 : i32
    %dma_wait3A_940 = arith.constant 3 : i32
    %dma_wait3A_941 = arith.constant 100 : i32
    %dma_wait3A_942 = arith.constant 0 : i32
    %dma_wait3A_943 = tpu.memref_slice %arg6[%dma_wait3A_939, %dma_wait3A_941, %dma_wait3A_942] : memref<4x200x128xf32, #tpu.memory_space<vmem>> -> memref<1x50x128xf32, #tpu.memory_space<vmem>>
    %dma_wait3A_944 = tpu.memref_squeeze %dma_wait3A_943 : memref<1x50x128xf32, #tpu.memory_space<vmem>> -> memref<50x128xf32, #tpu.memory_space<vmem>>
    %dma_wait3A_945 = arith.constant 0 : i32
    %dma_wait3A_946 = arith.constant 0 : i32
    %dma_wait3A_947 = tpu.memref_slice %arg4[%add3A_938, %dma_wait3A_945, %dma_wait3A_946] : memref<16384x50x128xf32, #tpu.memory_space<hbm>> -> memref<1x50x128xf32, #tpu.memory_space<hbm>>
    %dma_wait3A_948 = tpu.memref_squeeze %dma_wait3A_947 : memref<1x50x128xf32, #tpu.memory_space<hbm>> -> memref<50x128xf32, #tpu.memory_space<hbm>>
    %dma_wait3A_949 = tpu.memref_slice %arg8[%dma_wait3A_940] : memref<4x!tpu.dma_semaphore, #tpu.memory_space<semaphore_mem>> -> memref<1x!tpu.dma_semaphore, #tpu.memory_space<semaphore_mem>>
    %dma_wait3A_950 = tpu.memref_squeeze %dma_wait3A_949 : memref<1x!tpu.dma_semaphore, #tpu.memory_space<semaphore_mem>> -> memref<!tpu.dma_semaphore, #tpu.memory_space<semaphore_mem>>
    %dma_wait3A_951 = arith.constant 0 : i32
    %dma_wait3A_952 = arith.constant 0 : i32
    %dma_wait3A_953 = tpu.memref_slice %arg4[%add3A_938, %dma_wait3A_951, %dma_wait3A_952] : memref<16384x50x128xf32, #tpu.memory_space<hbm>> -> memref<1x50x128xf32, #tpu.memory_space<hbm>>
    %dma_wait3A_954 = tpu.memref_squeeze %dma_wait3A_953 : memref<1x50x128xf32, #tpu.memory_space<hbm>> -> memref<50x128xf32, #tpu.memory_space<hbm>>
    %dma_wait3A_955 = arith.constant 100 : i32
    %dma_wait3A_956 = arith.constant 0 : i32
    %dma_wait3A_957 = tpu.memref_slice %arg6[%dma_wait3A_939, %dma_wait3A_955, %dma_wait3A_956] : memref<4x200x128xf32, #tpu.memory_space<vmem>> -> memref<1x50x128xf32, #tpu.memory_space<vmem>>
    %dma_wait3A_958 = tpu.memref_squeeze %dma_wait3A_957 : memref<1x50x128xf32, #tpu.memory_space<vmem>> -> memref<50x128xf32, #tpu.memory_space<vmem>>
    tpu.wait_dma2 semaphore(%dma_wait3A_950 : memref<!tpu.dma_semaphore, #tpu.memory_space<semaphore_mem>>) src(%dma_wait3A_958 : memref<50x128xf32, #tpu.memory_space<vmem>>) dst(%dma_wait3A_954 : memref<50x128xf32, #tpu.memory_space<hbm>>)
    %add3A_959 = arith.constant 508 : i32
    %add3A_960 = arith.addi %mul3A_2, %add3A_959 : i32
    %add3A_961 = arith.constant 3 : i32
    %add3A_962 = arith.addi %add3A_960, %add3A_961 : i32
    %dma_wait3A_963 = arith.constant 3 : i32
    %dma_wait3A_964 = arith.constant 3 : i32
    %dma_wait3A_965 = arith.constant 150 : i32
    %dma_wait3A_966 = arith.constant 0 : i32
    %dma_wait3A_967 = tpu.memref_slice %arg6[%dma_wait3A_963, %dma_wait3A_965, %dma_wait3A_966] : memref<4x200x128xf32, #tpu.memory_space<vmem>> -> memref<1x50x128xf32, #tpu.memory_space<vmem>>
    %dma_wait3A_968 = tpu.memref_squeeze %dma_wait3A_967 : memref<1x50x128xf32, #tpu.memory_space<vmem>> -> memref<50x128xf32, #tpu.memory_space<vmem>>
    %dma_wait3A_969 = arith.constant 0 : i32
    %dma_wait3A_970 = arith.constant 0 : i32
    %dma_wait3A_971 = tpu.memref_slice %arg4[%add3A_962, %dma_wait3A_969, %dma_wait3A_970] : memref<16384x50x128xf32, #tpu.memory_space<hbm>> -> memref<1x50x128xf32, #tpu.memory_space<hbm>>
    %dma_wait3A_972 = tpu.memref_squeeze %dma_wait3A_971 : memref<1x50x128xf32, #tpu.memory_space<hbm>> -> memref<50x128xf32, #tpu.memory_space<hbm>>
    %dma_wait3A_973 = tpu.memref_slice %arg8[%dma_wait3A_964] : memref<4x!tpu.dma_semaphore, #tpu.memory_space<semaphore_mem>> -> memref<1x!tpu.dma_semaphore, #tpu.memory_space<semaphore_mem>>
    %dma_wait3A_974 = tpu.memref_squeeze %dma_wait3A_973 : memref<1x!tpu.dma_semaphore, #tpu.memory_space<semaphore_mem>> -> memref<!tpu.dma_semaphore, #tpu.memory_space<semaphore_mem>>
    %dma_wait3A_975 = arith.constant 0 : i32
    %dma_wait3A_976 = arith.constant 0 : i32
    %dma_wait3A_977 = tpu.memref_slice %arg4[%add3A_962, %dma_wait3A_975, %dma_wait3A_976] : memref<16384x50x128xf32, #tpu.memory_space<hbm>> -> memref<1x50x128xf32, #tpu.memory_space<hbm>>
    %dma_wait3A_978 = tpu.memref_squeeze %dma_wait3A_977 : memref<1x50x128xf32, #tpu.memory_space<hbm>> -> memref<50x128xf32, #tpu.memory_space<hbm>>
    %dma_wait3A_979 = arith.constant 150 : i32
    %dma_wait3A_980 = arith.constant 0 : i32
    %dma_wait3A_981 = tpu.memref_slice %arg6[%dma_wait3A_963, %dma_wait3A_979, %dma_wait3A_980] : memref<4x200x128xf32, #tpu.memory_space<vmem>> -> memref<1x50x128xf32, #tpu.memory_space<vmem>>
    %dma_wait3A_982 = tpu.memref_squeeze %dma_wait3A_981 : memref<1x50x128xf32, #tpu.memory_space<vmem>> -> memref<50x128xf32, #tpu.memory_space<vmem>>
    tpu.wait_dma2 semaphore(%dma_wait3A_974 : memref<!tpu.dma_semaphore, #tpu.memory_space<semaphore_mem>>) src(%dma_wait3A_982 : memref<50x128xf32, #tpu.memory_space<vmem>>) dst(%dma_wait3A_978 : memref<50x128xf32, #tpu.memory_space<hbm>>)
    return
  }
}

module attributes {stable_mosaic.version = 14 : i64} {
  func.func @_proj_body(%arg0: i32, %arg1: memref<1024x50xf32, #tpu.memory_space<vmem>>, %arg2: memref<50x128xf32, #tpu.memory_space<vmem>>, %arg3: memref<1x128xf32, #tpu.memory_space<vmem>>, %arg4: memref<1024x128xf32, #tpu.memory_space<vmem>>) attributes {dimension_semantics = [#tpu.dimension_semantics<arbitrary>], iteration_bounds = array<i64: 29>, scalar_prefetch = 0 : i64, scratch_operands = 0 : i64, tpu.core_type = #tpu.core_type<tc>, window_params = [{transform_indices = @transform_0, window_bounds = array<i64: 1024, 50>}, {pipeline_mode = #tpu.pipeline_mode<synchronous>, transform_indices = @transform_1, window_bounds = array<i64: 50, 128>}, {pipeline_mode = #tpu.pipeline_mode<synchronous>, transform_indices = @transform_2, window_bounds = array<i64: 1, 128>}, {transform_indices = @transform_3, window_bounds = array<i64: 1024, 128>}]} {
    %get3A = arith.constant 0 : index
    %get3A_0 = arith.constant 0 : index
    %get3A_1 = vector.load %arg1[%get3A, %get3A_0] : memref<1024x50xf32, #tpu.memory_space<vmem>>, vector<1024x50xf32>
    %get3A_2 = arith.constant 0 : index
    %get3A_3 = arith.constant 0 : index
    %get3A_4 = vector.load %arg2[%get3A_2, %get3A_3] : memref<50x128xf32, #tpu.memory_space<vmem>>, vector<50x128xf32>
    %dot_general3A = arith.constant dense<0.000000e+00> : vector<1024x128xf32>
    %dot_general3A_5 = tpu.matmul %get3A_1, %get3A_4, %dot_general3A {dimension_numbers = #tpu.dot_dimension_numbers<[1], [0], [0], [1], [0, 0, 1, 1], [], []>, transpose_lhs_hint = false} : vector<1024x50xf32>, vector<50x128xf32>, vector<1024x128xf32> -> vector<1024x128xf32>
    %get3A_6 = arith.constant 0 : index
    %get3A_7 = arith.constant 0 : index
    %get3A_8 = vector.load %arg3[%get3A_6, %get3A_7] : memref<1x128xf32, #tpu.memory_space<vmem>>, vector<1x128xf32>
    %add3A = vector.broadcast %get3A_8 : vector<1x128xf32> to vector<1024x128xf32>
    %add3A_9 = arith.addf %dot_general3A_5, %add3A : vector<1024x128xf32>
    %swap3A = arith.constant 0 : index
    %swap3A_10 = arith.constant 0 : index
    %swap3A_11 = vector.load %arg4[%swap3A, %swap3A_10] : memref<1024x128xf32, #tpu.memory_space<vmem>>, vector<1024x128xf32>
    tpu.vector_store %arg4[%swap3A, %swap3A_10], %add3A_9 {strides = array<i32>} : memref<1024x128xf32, #tpu.memory_space<vmem>>, vector<1024x128xf32>,
    return
  }
  func.func @transform_0(%arg0: i32) -> (i32, i32) {
    %c0_i32 = arith.constant 0 : i32
    %c0_i32_0 = arith.constant 0 : i32
    return %arg0, %c0_i32 : i32, i32
  }
  func.func @transform_1(%arg0: i32) -> (i32, i32) {
    %c0_i32 = arith.constant 0 : i32
    %c0_i32_0 = arith.constant 0 : i32
    %c0_i32_1 = arith.constant 0 : i32
    return %c0_i32, %c0_i32_0 : i32, i32
  }
  func.func @transform_2(%arg0: i32) -> (i32, i32) {
    %c0_i32 = arith.constant 0 : i32
    %c0_i32_0 = arith.constant 0 : i32
    %c0_i32_1 = arith.constant 0 : i32
    return %c0_i32, %c0_i32_0 : i32, i32
  }
  func.func @transform_3(%arg0: i32) -> (i32, i32) {
    %c0_i32 = arith.constant 0 : i32
    %c0_i32_0 = arith.constant 0 : i32
    return %arg0, %c0_i32 : i32, i32
  }
}

</mosaic_0001>

<sc_bundles>
// kernel: kernel.4.cloned.1.call-start
scs
__scs_entry_jumppad:
0x0: {  	(pc) =	sbr.rel $0x88, $3  }
0x1: {  	(tag) =	ssettag $0x0;
	lr =	simm.s32 $0x1  }
0x2: {  	[smem:$0x3F9D] =	sst lr;
	_ =	strace $0xD0000000  }
0x3: {  	_ = 	snop  }
0x4: {  	_ = 	snop  }
0x5: {  	_ = 	snop  }
0x6: {  	_ = 	snop  }
0x7: {  	_ = 	snop  }
__scs_overlays_trampoline_lowered:
0x8: {  	[smem:$0x3FAC] =	sst s0  }
0x9: {  	[smem:$0x3FAD] =	sst s1  }
0xa: {  	[smem:$0x3FAE] =	sst s2  }
0xb: {  	[smem:$0x3FAF] =	sst s3  }
0xc: {  	[smem:$0x3FB0] =	sst s4  }
0xd: {  	[smem:$0x3FB1] =	sst s5  }
0xe: {  	[smem:$0x3FB2] =	sst s6  }
0xf: {  	[smem:$0x3FB3] =	sst s7  }
0x10: {  	[smem:$0x3FB4] =	sst s8  }
0x11: {  	[smem:$0x3FB5] =	sst s9;
	s0 =	simm.s32 @!p0 $0x0  }
0x12: {  	s1 =	sld [smem:$0x3F9B];
	s0 =	simm.s32 @p0 $0x1  }
0x13: {  	[smem:$0x3FB6] =	sst s0;
	s0 =	simm.s32 @!p1 $0x0  }
0x14: {  	s2 =	sld [smem:$0x3F9A];
	s0 =	simm.s32 @p1 $0x1  }
0x15: {  	[smem:$0x3FB7] =	sst s0;
	s0 =	simm.s32 @!p2 $0x0  }
0x16: {  	s3 =	sld [smem:$0x3FDB];
	s0 =	simm.s32 @p2 $0x1  }
0x17: {  	s4 =	simm.s32 $0x1BF5;
	[smem:$0x3FB9] =	sst s0  }
0x18: {  	s0 =	sld [smem:$0x3F9C];
	_ =	swait.ge [sflag:s4], $0x0  }
0x19: {  	s7 =	sld [smem:$0x3F9D]  }
0x1a: {  	s8 =	sadd.s32 $0xFFFFE003, lr  }
0x1b: {  	s9 =	sadd.s32 $0xFFFFFEF7, lr;
	s5 =	simm.s32 $0xFFFFFFFF;
	p2 =	slt.u32 s8, $0xFFFFF086  }
0x1c: {  	p1 =	slt.u32 s9, $0xF7A;
	s5 =	simm.s32 @!p2 $0x0  }
0x1d: {  	s5 =	simm.s32 @p1 $0x1;
	p0 =	seq.s32 s7, s2  }
0x1e: {  	s7 =	smul.u32 @!p0 $0xF7A, s2;
	p2 =	seq.s32 @!p0 s5, $0x0  }
0x1f: {  	s9 =	smul.u32 $0xF7A, s1;
	s8 =	simm.s32 @!p0 $0x1BF5;
	p2 =	por !p2, p0  }
0x20: {  	[sflag:s8] =	ssyncset.s32 @!p0 $0xFFFFF086;
	s6 =	sadd.s32 @!p0 s3, s7;
	s7 =	simm.s32 @!p0 $0x108  }
0x21: {  	s3 =	sadd.s32 s3, s9;
	s6 =	sadd.s32 @!p0 $0x88, s6;
	s7 =	simm.s32 @p2 $0x1082  }
0x22: {  	[simem:s7], [sflag:s8] =	dma.local @!p0 [hbm:s6], $0xF7A  }
0x23: {  	s9 =	sor.u32 $0xD0000000, s2;
	s6 =	simm.s32 $0x108;
	_ =	swait.ge @!p0 [sflag:s8], $0x0  }
0x24: {  	s3 =	sadd.s32 $0x88, s3;
	s6 =	simm.s32 @!p1 $0x1082;
	[sflag:s4] =	ssyncset.s32 $0xFFFFF086  }
0x25: {  	[simem:s6], [sflag:s4] =	dma.local [hbm:s3], $0xF7A  }
0x26: {  	[smem:$0x3F9D] =	sst s1;
	(tag) =	ssettag s2;
	_ =	strace s9  }
0x27: {  	s1 =	sld [smem:$0x3FAD]  }
0x28: {  	s2 =	sld [smem:$0x3FAE]  }
0x29: {  	s4 =	sld [smem:$0x3FB0]  }
0x2a: {  	p0 =	seq.s32 s5, $0x0;
	s5 =	sld [smem:$0x3FB1]  }
0x2b: {  	s6 =	sld [smem:$0x3FB2]  }
0x2c: {  	s7 =	sld [smem:$0x3FB3]  }
0x2d: {  	s3 =	simm.s32 $0x108;
	s8 =	sld [smem:$0x3FB4]  }
0x2e: {  	s3 =	simm.s32 @!p0 $0x1082;
	s9 =	sld [smem:$0x3FB5]  }
0x2f: {  	lr =	sadd.s32 s0, s3;
	s0 =	sld [smem:$0x3FAC]  }
0x30: {  	s3 =	sld [smem:$0x3FAF]  }
0x31: {  	[smem:$0x3FB8] =	sst s10  }
0x32: {  	s10 =	sld [smem:$0x3FB6];
	_ =	sdelay $0x3  }
0x33: {  	p0 =	seq.s32 s10, $0x1;
	s10 =	sld [smem:$0x3FB8];
	_ =	sdelay $0x3  }
0x34: {  	[smem:$0x3FB8] =	sst s10  }
0x35: {  	s10 =	sld [smem:$0x3FB7];
	_ =	sdelay $0x3  }
0x36: {  	p1 =	seq.s32 s10, $0x1;
	s10 =	sld [smem:$0x3FB8];
	_ =	sdelay $0x3  }
0x37: {  	[smem:$0x3FB8] =	sst s10  }
0x38: {  	s10 =	sld [smem:$0x3FB9]  }
0x39: {  	_ = 	snop;
	(pc) =	sbr.ind lr, $3  }
0x3a: {  	_ = 	snop  }
0x3b: {  	_ = 	snop  }
0x3c: {  	p2 =	seq.s32 s10, $0x1;
	s10 =	sld [smem:$0x3FB8]  }
0x3d: {  	_ =	shalt  }
0x3e: {  	_ =	shalt  }
0x3f: {  	_ =	shalt  }
0x40: {  	_ =	shalt  }
0x41: {  	_ =	shalt  }
0x42: {  	_ =	shalt  }
0x43: {  	_ =	shalt  }
0x44: {  	_ =	shalt  }
0x45: {  	_ =	shalt  }
0x46: {  	_ =	shalt  }
0x47: {  	_ =	shalt  }
0x48: {  	_ =	shalt  }
0x49: {  	_ =	shalt  }
0x4a: {  	_ =	shalt  }
0x4b: {  	_ =	shalt  }
0x4c: {  	_ =	shalt  }
0x4d: {  	_ =	shalt  }
0x4e: {  	_ =	shalt  }
0x4f: {  	_ =	shalt  }
0x50: {  	_ =	shalt  }
0x51: {  	_ =	shalt  }
0x52: {  	_ =	shalt  }
0x53: {  	_ =	shalt  }
0x54: {  	_ =	shalt  }
0x55: {  	_ =	shalt  }
0x56: {  	_ =	shalt  }
0x57: {  	_ =	shalt  }
0x58: {  	_ =	shalt  }
0x59: {  	_ =	shalt  }
0x5a: {  	_ =	shalt  }
0x5b: {  	_ =	shalt  }
0x5c: {  	_ =	shalt  }
0x5d: {  	_ =	shalt  }
0x5e: {  	_ =	shalt  }
0x5f: {  	_ =	shalt  }
0x60: {  	_ =	shalt  }
0x61: {  	_ =	shalt  }
0x62: {  	_ =	shalt  }
0x63: {  	_ =	shalt  }
0x64: {  	_ =	shalt  }
0x65: {  	_ =	shalt  }
0x66: {  	_ =	shalt  }
0x67: {  	_ =	shalt  }
0x68: {  	_ =	shalt  }
0x69: {  	_ =	shalt  }
0x6a: {  	_ =	shalt  }
0x6b: {  	_ =	shalt  }
0x6c: {  	_ =	shalt  }
0x6d: {  	_ =	shalt  }
0x6e: {  	_ =	shalt  }
0x6f: {  	_ =	shalt  }
0x70: {  	_ =	shalt  }
0x71: {  	_ =	shalt  }
0x72: {  	_ =	shalt  }
0x73: {  	_ =	shalt  }
0x74: {  	_ =	shalt  }
0x75: {  	_ =	shalt  }
0x76: {  	_ =	shalt  }
0x77: {  	_ =	shalt  }
0x78: {  	_ =	shalt  }
0x79: {  	_ =	shalt  }
0x7a: {  	_ =	shalt  }
0x7b: {  	_ =	shalt  }
0x7c: {  	_ =	shalt  }
0x7d: {  	_ =	shalt  }
0x7e: {  	_ =	shalt  }
0x7f: {  	_ =	shalt  }
0x80: {  	_ =	shalt  }
0x81: {  	_ =	shalt  }
0x82: {  	_ =	shalt  }
0x83: {  	_ =	shalt  }
0x84: {  	_ =	shalt  }
0x85: {  	_ =	shalt  }
0x86: {  	_ =	shalt  }
0x87: {  	_ =	shalt  }
.Lfunc_end0:
.L_simem_size_0:
called_computation_lowered:
.L_overlay_start_0:
0x88: {  	s2 =	sld [smem:$0x3FD9]  }
0x89: {  	s3 =	sld [smem:$0x3FFE];
	_ =	sdelay $0x1  }
0x8a: {  	s1 =	srdreg.scid  }
0x8b: {  	s0 =	sand.u32 $0x1, s1  }
0x8c: {  	s17 =	sshll.u32 s0, $0xA;
	s2 =	sadd.s32 s3, s2  }
0x8d: {  	s2 =	sadd.s32 s2, s17  }
0x8e: {  	[smem:$0x3FC4] =	sst s2  }
0x8f: {  	_ = 	snop  }
0x90: {  	s2 =	sld [smem:$0x3FD0];
	(tm) =	ssettm $0x1  }
0x91: {  	s18 =	sld [smem:$0x3FFB];
	_ =	sdelay $0x3  }
0x92: {  	_ =	strace s18  }
0x93: {  	s3 =	sld [smem:$0x3FFC];
	_ =	sdelay $0x3  }
0x94: {  	_ =	strace s3  }
0x95: {  	s3 =	sld [smem:$0x3FFD];
	_ =	sdelay $0x3  }
0x96: {  	_ =	strace s3  }
0x97: {  	_ =	strace $0x8FFFFFFF  }
0x98: {  	s19 =	sld [smem:$0x3FDB];
	_ =	sdelay $0x1  }
0x99: {  	s4 =	simm.s32 $_scs_section_size  }
0x9a: {  	s5 =	simm.s32 $_size__tile_overlayer_lowered;
	s6 =	simm.s32 $_tile_overlayer_lowered  }
0x9b: {  	s22 =	simm.s32 $0x1BFF;
	s21 =	sshll.u32 s6, $0x1;
	s3 =	sadd.s32 s4, s19  }
0x9c: {  	s7 =	simm.s32 $0x0;
	s20 =	sshll.u32 s5, $0x1;
	s5 =	sadd.s32 s21, s3  }
0x9d: {  	[timem:s7], [sflag:s22] =	dma.local [hbm:s5], s20  }
0x9e: {  	_ =	swait.ge [sflag:s22], s20  }
0x9f: {  	s4 =	ssub.s32 $0x0, s20;
	[sflag:s22] =	ssyncset.done $0x0  }
0xa0: {  	[sflag:s22] =	ssyncadd.s32 s4;
	_ =	sdelay $0x1  }
0xa1: {  	s23 =	simm.s32 $0x1B8B  }
0xa2: {  	_ =	swait.ge [sflag:s23], $0x1  }
0xa3: {  	[sflag:s23] =	ssyncset.done $0x0  }
0xa4: {  	s25 =	simm.s32 $0x1B8E;
	s24 =	sld [smem:$0x3FFE];
	[sflag:s23] =	ssyncadd.s32 $0xFFFFFFFF  }
0xa5: {  	s26 =	simm.s32 $execute0_lowered;
	[smem:$0x3FD2] =	sst s25  }
0xa6: {  	s5 =	sshll.u32 s26, $0x1;
	_ =	strace $0x80000046;
	[dreg:$0x1] =	wrdreg $0xFFFFFFFF  }
0xa7: {  	s28 =	simm.s32 $_size_execute0_lowered;
	s3 =	sadd.s32 s3, s5;
	[dreg:$0x0] =	wrdreg $0x0  }
0xa8: {  	s5 =	sshll.u32 s28, $0x1;
	[dreg:$0x2] =	wrdreg s3  }
0xa9: {  	[dreg:$0x3] =	wrdreg s5  }
0xaa: {  	[dreg:$0x4] =	wrdreg $0xC0  }
0xab: {  	_ =	task [dreg:s7], $0x5FFFF  }
0xac: {  	[dreg:$0x1] =	wrdreg $0xFFFFFFFF  }
0xad: {  	[dreg:$0x0] =	wrdreg $0x60  }
0xae: {  	[dreg:$0x2] =	wrdreg s2  }
0xaf: {  	[dreg:$0x3] =	wrdreg s24  }
0xb0: {  	[dreg:$0x4] =	wrdreg $0x9  }
0xb1: {  	_ =	task.clear_ibuf [dreg:s7], $0x5FFFF;
	_ =	strace $0x90000046  }
0xb2: {  	s29 =	simm.s32 $0x9;
	_ =	strace $0x80000048  }
0xb3: {  	_ =	swait.ge [sflag:s29], $0x1  }
0xb4: {  	[sflag:s29] =	ssyncadd.s32 $0xFFFFFFFF  }
0xb5: {  	_ =	strace $0x90000048  }
0xb6: {  	_ =	sfence  }
0xb7: {  	s30 =	sld [smem:$0x0];
	_ =	sdelay $0x2  }
0xb8: {  	s31 =	sshll.u32 s1, $0xD;
	s1 =	sshrl.u32 s1, $0x2  }
0xb9: {  	s3 =	sand.u32 $0x4000, s31;
	s1 =	sadd.s32 s1, s30  }
0xba: {  	s0 =	sor.u32 s3, s0;
	s1 =	sshll.u32 s1, $0x11  }
0xbb: {  	s0 =	sor.u32 s1, s0  }
0xbc: {  	s0 =	sadd.s32 $0x8F2B, s0  }
0xbd: {  	[sflag:s0] =	ssyncadd.remote.s32 $0x1  }
0xbe: {  	_ =	sfence.sel $0xFFFF  }
0xbf: {  	[dreg:$0x0] =	wrdreg $0xFFFFFFFF;
	(pc) =	sbr.abs _section_cstart, $3  }
0xc0: {  	[dreg:$0x1] =	wrdreg $0xFFFFFFFF  }
0xc1: {  	_ =	task.clear_ibuf [dreg:s7], $0x2FFFF;
	_ =	strace $0x9FFFFFFF  }
0xc2: {  	(tm) =	ssettm $0x7FFFFFFF  }
0xc3: {  	_ =	shalt  }
tec
execute0_lowered:
.L_overlay_start_1:
0x0: {  	(tag) =	ssettag $0x1  }
0x1: {  	s9 =	stileid.u32  }
0x2: {  	s0 =	srdreg.scid;
	s13 =	smul.u32 $0x700000, s9  }
0x3: {  	s8 =	sshll.u32 s9, $0x1;
	s3 =	sshrl.u32 s9, $0x2;
	s9 =	smul.u32 $0xE0000, s9  }
0x4: {  	s2 =	rddreg [dreg:$0x0];
	s1 =	sand.u32 $0x1, s0;
	s5 =	smul.u32 $0x32000, s3  }
0x5: {  	s4 =	rddreg [dreg:$0x1];
	s0 =	sor.u32 s1, s8;
	s16 =	smul.u32 $0x380000, s1  }
0x6: {  	s3 =	simm.s32 $0x0;
	s10 =	ssub.s32 $0x2, s1;
	s1 =	smul.u32 $0x70000, s1  }
0x7: {  	s6 =	sshll.u32 s0, $0x7;
	[smem:$0x7FF] =	sst s3;
	s7 =	smul.u32 $0x380000, s0  }
0x8: {  	s11 =	sshrl.u32 s10, $0x1;
	s6 =	sand.u32 $0x380, s6;
	_ =	strace $0x80000047  }
0x9: {  	s0 =	ssub.s32 s10, s11;
	s5 =	sor.u32 s5, s6;
	s12 =	sshrl.u32 s7, $0x3  }
0xa: {  	s6 =	sadd.s32 s16, s13;
	s0 =	smax.u32 s0, $0x1;
	s5 =	sshrl.u32 s5, $0x3  }
0xb: {  	s23 =	sor.u32 $0x1A400, s6;
	[dreg:$0x1e] =	wrdreg s0;
	s5 =	sadd.s32 s5, s4  }
0xc: {  	s4 =	sadd.s32 $0x1A200, s4;
	s7 =	sshrl.u32 s23, $0x3;
	s5 =	sadd.s32 $0x1200, s5  }
0xd: {  	s7 =	sadd.s32 s7, s4;
	s13 =	sadd.s32 s9, s4;
	[dreg:$0xd] =	wrdreg s5  }
0xe: {  	s5 =	sadd.s32 s4, s12;
	[dreg:$0x3] =	wrdreg s7;
	s1 =	sadd.s32 s1, s13  }
0xf: {  	s14 =	sadd.s32 $0x6C800, s5;
	[dreg:$0x6] =	wrdreg s1  }
0x10: {  	s15 =	sadd.s32 $0x6CB80, s5;
	[dreg:$0xe] =	wrdreg s14  }
0x11: {  	s8 =	sadd.s32 $0x6CF00, s5;
	[dreg:$0xf] =	wrdreg s15  }
0x12: {  	s17 =	sadd.s32 $0x6D280, s5;
	[dreg:$0x10] =	wrdreg s8  }
0x13: {  	s18 =	sadd.s32 $0x6D600, s5;
	[dreg:$0x11] =	wrdreg s17  }
0x14: {  	s19 =	sadd.s32 $0x6D980, s5;
	[dreg:$0x12] =	wrdreg s18  }
0x15: {  	s30 =	simm.s32 $0xC800;
	s20 =	sadd.s32 $0x6DD00, s5;
	[dreg:$0x13] =	wrdreg s19  }
0x16: {  	s29 =	simm.s32 $0x19000;
	s21 =	sadd.s32 $0x6E080, s5;
	[dreg:$0x14] =	wrdreg s20  }
0x17: {  	s28 =	simm.s32 $0x8;
	s22 =	sadd.s32 $0x6E400, s5;
	[dreg:$0x15] =	wrdreg s21  }
0x18: {  	s31 =	sor.u32 $0x18800, s6;
	s24 =	sadd.s32 $0x6E780, s5;
	[dreg:$0x16] =	wrdreg s22  }
0x19: {  	s16 =	sor.u32 $0x11800, s6;
	s25 =	sadd.s32 $0x6EB00, s5;
	[dreg:$0x17] =	wrdreg s24  }
0x1a: {  	s23 =	sor.u32 $0x8C00, s6;
	s26 =	sadd.s32 $0x6EE80, s5;
	[dreg:$0x18] =	wrdreg s25  }
0x1b: {  	s9 =	simm.s32 $0x16C00;
	s10 =	sadd.s32 $0x6F200, s5;
	[dreg:$0x19] =	wrdreg s26  }
0x1c: {  	s13 =	simm.s32 $0x14500;
	s12 =	sadd.s32 $0x6F580, s5;
	[dreg:$0x1a] =	wrdreg s10  }
0x1d: {  	s8 =	sshrl.u32 s31, $0x3;
	s10 =	sor.u32 $0x16C00, s6;
	[dreg:$0x1b] =	wrdreg s12  }
0x1e: {  	s14 =	sor.u32 $0x13400, s6;
	s17 =	sor.u32 $0xC400, s6;
	s21 =	sor.u32 $0xA800, s6  }
0x1f: {  	s6 =	sor.u32 $0x5400, s6;
	s25 =	sadd.s32 $0x6F900, s5;
	s31 =	sadd.s32 $0x6FC80, s5  }
0x20: {  	s12 =	simm.s32 $0x3;
	s7 =	sadd.s32 s8, s4;
	s11 =	sshrl.u32 s10, $0x3  }
0x21: {  	s15 =	sshrl.u32 s14, $0x3;
	s19 =	sshrl.u32 s17, $0x3;
	[dreg:$0x1c] =	wrdreg s25  }
0x22: {  	s22 =	sshrl.u32 s21, $0x3;
	s6 =	sshrl.u32 s6, $0x3;
	[dreg:$0x1d] =	wrdreg s31  }
0x23: {  	s25 =	simm.s32 $0x6400;
	s8 =	simm.s32 $0x2;
	s14 =	simm.s32 $0x15E00  }
0x24: {  	s17 =	simm.s32 $0x1A900;
	s21 =	simm.s32 $0x6;
	[dreg:$0x4] =	wrdreg s7  }
0x25: {  	s7 =	sadd.s32 s11, s4;
	s1 =	sadd.s32 s15, s4;
	s20 =	sadd.s32 s19, s4  }
0x26: {  	s26 =	sadd.s32 s6, s4;
	s6 =	simm.s32 $0xA400;
	[dreg:$0x5] =	wrdreg s7  }
0x27: {  	s11 =	simm.s32 $0x11300;
	s15 =	simm.s32 $0x17700;
	[dreg:$0x7] =	wrdreg s1  }
0x28: {  	s19 =	simm.s32 $0x1DB00;
	s7 =	sshrl.u32 s16, $0x3;
	[dreg:$0x9] =	wrdreg s20  }
0x29: {  	s1 =	sadd.s32 s22, s4;
	[dreg:$0xc] =	wrdreg s26;
	s22 =	simm.s32 $0x80  }
0x2a: {  	s26 =	simm.s32 $0x48;
	s16 =	simm.s32 $0x4;
	s20 =	simm.s32 $0x5  }
0x2b: {  	s18 =	sadd.s32 s7, s4;
	s7 =	sshrl.u32 s23, $0x3;
	[dreg:$0xa] =	wrdreg s1  }
0x2c: {  	s23 =	simm.s32 $0x12C00;
	s1 =	simm.s32 $0x0;
	[dreg:$0x8] =	wrdreg s18  }
0x2d: {  	s24 =	sadd.s32 s7, s4;
	s7 =	simm.s32 $0x10800;
	s4 =	simm.s32 $0x1  }
0x2e: {  	s18 =	simm.s32 $0x1C200;
	[dreg:$0xb] =	wrdreg s24;
	s24 =	simm.s32 $0x7  }
.LBB2_1:
0x2f: {  	[dreg:$0x1f] =	wrdreg s1  }
0x30: {  	s0 =	rddreg [dreg:$0xd];
	s10 =	simm.s32 $0x400;
	s5 =	simm.s32 $0x9  }
0x31: {  	[tilespmem:s3], [sflag:$0x9] =	stream.strided.gather [hbm4b:s0+s22], $0x6400, s10, s22, $0x38;
	[tilespmem:$0x1F400] =	vst v63  }
0x32: {  	_ =	swait.ge [sflag:s5], $0x6400  }
0x33: {  	[sflag:s5] =	ssyncset.done $0x0  }
0x34: {  	[sflag:s5] =	ssyncadd.s32 $0xFFFF9C00  }
0x35: {  	[tilespmem:s25], [sflag:$0x1] =	stream.indirect.gather [hbm4b:s2+s22], $0x80, s3, s22, $0xb8;
	[tilespmem:$0x1F400] =	vst v63  }
0x36: {  	_ = 	snop  }
0x37: {  	[tilespmem:s6], [sflag:$0x1] =	stream.indirect.gather [hbm4b:s2+s26], $0x80, s22, s26, $0xb8;
	[tilespmem:$0x1F400] =	vst v63  }
0x38: {  	s10 =	simm.s32 $0xC8  }
0x39: {  	[tilespmem:s30], [sflag:$0x2] =	stream.indirect.gather [hbm4b:s2+s22], $0x80, s10, s22, $0xb8;
	[tilespmem:$0x1F400] =	vst v63  }
0x3a: {  	s1 =	simm.s32 $0x148  }
0x3b: {  	[tilespmem:s7], [sflag:$0x2] =	stream.indirect.gather [hbm4b:s2+s26], $0x80, s1, s26, $0xb8;
	[tilespmem:$0x1F400] =	vst v63  }
0x3c: {  	s5 =	simm.s32 $0x190  }
0x3d: {  	[tilespmem:s23], [sflag:$0x3] =	stream.indirect.gather [hbm4b:s2+s22], $0x80, s5, s22, $0xb8;
	[tilespmem:$0x1F400] =	vst v63  }
0x3e: {  	s10 =	simm.s32 $0x210  }
0x3f: {  	[tilespmem:s9], [sflag:$0x3] =	stream.indirect.gather [hbm4b:s2+s26], $0x80, s10, s26, $0xb8;
	[tilespmem:$0x1F400] =	vst v63  }
0x40: {  	s1 =	simm.s32 $0x258  }
0x41: {  	[tilespmem:s29], [sflag:$0x4] =	stream.indirect.gather [hbm4b:s2+s22], $0x80, s1, s22, $0xb8;
	[tilespmem:$0x1F400] =	vst v63  }
0x42: {  	s5 =	simm.s32 $0x2D8;
	s10 =	simm.s32 $0x1D000  }
0x43: {  	[tilespmem:s10], [sflag:$0x4] =	stream.indirect.gather [hbm4b:s2+s26], $0x80, s5, s26, $0xb8;
	[tilespmem:$0x1F400] =	vst v63  }
0x44: {  	_ =	swait.ge [sflag:s4], $0x4000  }
0x45: {  	[sflag:s4] =	ssyncset.done $0x0  }
0x46: {  	[sflag:s4] =	ssyncadd.s32 $0xFFFFC000  }
0x47: {  	_ =	swait.ge [sflag:s4], $0x2400  }
0x48: {  	s5 =	rddreg [dreg:$0x6];
	[sflag:s4] =	ssyncset.done $0x0  }
0x49: {  	[sflag:s4] =	ssyncadd.s32 $0xFFFFDC00;
	s0 =	sadd.s32 $0x0, s5  }
0x4a: {  	[hbm4b:s0+s3] =	stream.linear.scatter [tilespmem:s25], [sflag:$0x5], $0x1900, $0x38;
	[tilespmem:$0x1F400] =	vst v63  }
0x4b: {  	s31 =	simm.s32 $0x7D00;
	s10 =	sadd.s32 $0x380, s0  }
0x4c: {  	[hbm4b:s10+s3] =	stream.linear.scatter [tilespmem:s31], [sflag:$0x5], $0x1900, $0x38;
	[tilespmem:$0x1F400] =	vst v63  }
0x4d: {  	s5 =	rddreg [dreg:$0xc];
	s10 =	sadd.s32 $0x700, s0;
	s31 =	simm.s32 $0x9600  }
0x4e: {  	[hbm4b:s10+s3] =	stream.linear.scatter [tilespmem:s31], [sflag:$0x5], $0x1900, $0x38;
	[tilespmem:$0x1F400] =	vst v63  }
0x4f: {  	s5 =	sadd.s32 $0x0, s5;
	s10 =	simm.s32 $0xAF00  }
0x50: {  	[hbm4b:s5+s3] =	stream.linear.scatter [tilespmem:s10], [sflag:$0x5], $0x1900, $0x38;
	[tilespmem:$0x1F400] =	vst v63  }
0x51: {  	_ =	swait.ge [sflag:s8], $0x4000  }
0x52: {  	[sflag:s8] =	ssyncset.done $0x0  }
0x53: {  	[sflag:s8] =	ssyncadd.s32 $0xFFFFC000  }
0x54: {  	_ =	swait.ge [sflag:s8], $0x2400  }
0x55: {  	[sflag:s8] =	ssyncset.done $0x0  }
0x56: {  	s10 =	sadd.s32 $0xE00, s0;
	s1 =	rddreg [dreg:$0xb];
	[sflag:s8] =	ssyncadd.s32 $0xFFFFDC00  }
0x57: {  	[hbm4b:s10+s3] =	stream.linear.scatter [tilespmem:s30], [sflag:$0x6], $0x1900, $0x38;
	[tilespmem:$0x1F400] =	vst v63  }
0x58: {  	s5 =	rddreg [dreg:$0xa];
	s1 =	sadd.s32 $0x0, s1;
	s10 =	simm.s32 $0xE100  }
0x59: {  	[hbm4b:s1+s3] =	stream.linear.scatter [tilespmem:s10], [sflag:$0x6], $0x1900, $0x38;
	[tilespmem:$0x1F400] =	vst v63  }
0x5a: {  	s5 =	sadd.s32 $0x0, s5;
	s1 =	rddreg [dreg:$0x9];
	s10 =	simm.s32 $0xFA00  }
0x5b: {  	[hbm4b:s5+s3] =	stream.linear.scatter [tilespmem:s10], [sflag:$0x6], $0x1900, $0x38;
	[tilespmem:$0x1F400] =	vst v63  }
0x5c: {  	s1 =	sadd.s32 $0x0, s1  }
0x5d: {  	[hbm4b:s1+s3] =	stream.linear.scatter [tilespmem:s11], [sflag:$0x6], $0x1900, $0x38;
	[tilespmem:$0x1F400] =	vst v63  }
0x5e: {  	_ =	swait.ge [sflag:s12], $0x4000  }
0x5f: {  	[sflag:s12] =	ssyncset.done $0x0  }
0x60: {  	[sflag:s12] =	ssyncadd.s32 $0xFFFFC000  }
0x61: {  	_ =	swait.ge [sflag:s12], $0x2400  }
0x62: {  	[sflag:s12] =	ssyncset.done $0x0  }
0x63: {  	s5 =	sadd.s32 $0x1C00, s0;
	[sflag:s12] =	ssyncadd.s32 $0xFFFFDC00  }
0x64: {  	[hbm4b:s5+s3] =	stream.linear.scatter [tilespmem:s23], [sflag:$0x7], $0x1900, $0x38;
	[tilespmem:$0x1F400] =	vst v63  }
0x65: {  	s10 =	sadd.s32 $0x1F80, s0;
	s1 =	rddreg [dreg:$0x8]  }
0x66: {  	[hbm4b:s10+s3] =	stream.linear.scatter [tilespmem:s13], [sflag:$0x7], $0x1900, $0x38;
	[tilespmem:$0x1F400] =	vst v63  }
0x67: {  	s1 =	sadd.s32 $0x0, s1;
	s10 =	rddreg [dreg:$0x7]  }
0x68: {  	[hbm4b:s1+s3] =	stream.linear.scatter [tilespmem:s14], [sflag:$0x7], $0x1900, $0x38;
	[tilespmem:$0x1F400] =	vst v63  }
0x69: {  	s5 =	sadd.s32 $0x0, s10  }
0x6a: {  	[hbm4b:s5+s3] =	stream.linear.scatter [tilespmem:s15], [sflag:$0x7], $0x1900, $0x38;
	[tilespmem:$0x1F400] =	vst v63  }
0x6b: {  	_ =	swait.ge [sflag:s16], $0x4000  }
0x6c: {  	[sflag:s16] =	ssyncset.done $0x0  }
0x6d: {  	[sflag:s16] =	ssyncadd.s32 $0xFFFFC000  }
0x6e: {  	_ =	swait.ge [sflag:s16], $0x2400  }
0x6f: {  	[sflag:s16] =	ssyncset.done $0x0  }
0x70: {  	s0 =	sadd.s32 $0x2A00, s0;
	s10 =	rddreg [dreg:$0x5];
	[sflag:s16] =	ssyncadd.s32 $0xFFFFDC00  }
0x71: {  	[hbm4b:s0+s3] =	stream.linear.scatter [tilespmem:s29], [sflag:$0x8], $0x1900, $0x38;
	[tilespmem:$0x1F400] =	vst v63  }
0x72: {  	s5 =	rddreg [dreg:$0x4];
	s10 =	sadd.s32 $0x0, s10  }
0x73: {  	[hbm4b:s10+s3] =	stream.linear.scatter [tilespmem:s17], [sflag:$0x8], $0x1900, $0x38;
	[tilespmem:$0x1F400] =	vst v63  }
0x74: {  	s1 =	rddreg [dreg:$0x3];
	s10 =	sadd.s32 $0x0, s5  }
0x75: {  	[hbm4b:s10+s3] =	stream.linear.scatter [tilespmem:s18], [sflag:$0x8], $0x1900, $0x38;
	[tilespmem:$0x1F400] =	vst v63  }
0x76: {  	s1 =	sadd.s32 $0x0, s1  }
0x77: {  	[hbm4b:s1+s3] =	stream.linear.scatter [tilespmem:s19], [sflag:$0x8], $0x1900, $0x38;
	[tilespmem:$0x1F400] =	vst v63  }
0x78: {  	_ =	swait.ge [sflag:s20], $0x1900  }
0x79: {  	[sflag:s20] =	ssyncset.done $0x0  }
0x7a: {  	[sflag:s20] =	ssyncadd.s32 $0xFFFFE700  }
0x7b: {  	_ =	swait.ge [sflag:s20], $0x1900  }
0x7c: {  	[sflag:s20] =	ssyncset.done $0x0  }
0x7d: {  	[sflag:s20] =	ssyncadd.s32 $0xFFFFE700  }
0x7e: {  	_ =	swait.ge [sflag:s20], $0x1900  }
0x7f: {  	[sflag:s20] =	ssyncset.done $0x0  }
0x80: {  	[sflag:s20] =	ssyncadd.s32 $0xFFFFE700  }
0x81: {  	_ =	swait.ge [sflag:s20], $0x1900  }
0x82: {  	[sflag:s20] =	ssyncset.done $0x0  }
0x83: {  	s5 =	simm.s32 $0x320;
	[sflag:s20] =	ssyncadd.s32 $0xFFFFE700  }
0x84: {  	[tilespmem:s25], [sflag:$0x1] =	stream.indirect.gather [hbm4b:s2+s22], $0x80, s5, s22, $0xb8;
	[tilespmem:$0x1F400] =	vst v63  }
0x85: {  	s10 =	simm.s32 $0x3A0  }
0x86: {  	[tilespmem:s6], [sflag:$0x1] =	stream.indirect.gather [hbm4b:s2+s26], $0x80, s10, s26, $0xb8;
	[tilespmem:$0x1F400] =	vst v63  }
0x87: {  	_ =	swait.ge [sflag:s21], $0x1900  }
0x88: {  	[sflag:s21] =	ssyncset.done $0x0  }
0x89: {  	[sflag:s21] =	ssyncadd.s32 $0xFFFFE700  }
0x8a: {  	_ =	swait.ge [sflag:s21], $0x1900  }
0x8b: {  	[sflag:s21] =	ssyncset.done $0x0  }
0x8c: {  	[sflag:s21] =	ssyncadd.s32 $0xFFFFE700  }
0x8d: {  	_ =	swait.ge [sflag:s21], $0x1900  }
0x8e: {  	[sflag:s21] =	ssyncset.done $0x0  }
0x8f: {  	[sflag:s21] =	ssyncadd.s32 $0xFFFFE700  }
0x90: {  	_ =	swait.ge [sflag:s21], $0x1900  }
0x91: {  	[sflag:s21] =	ssyncset.done $0x0  }
0x92: {  	s1 =	simm.s32 $0x3E8;
	[sflag:s21] =	ssyncadd.s32 $0xFFFFE700  }
0x93: {  	[tilespmem:s30], [sflag:$0x2] =	stream.indirect.gather [hbm4b:s2+s22], $0x80, s1, s22, $0xb8;
	[tilespmem:$0x1F400] =	vst v63  }
0x94: {  	s5 =	simm.s32 $0x468  }
0x95: {  	[tilespmem:s7], [sflag:$0x2] =	stream.indirect.gather [hbm4b:s2+s26], $0x80, s5, s26, $0xb8;
	[tilespmem:$0x1F400] =	vst v63  }
0x96: {  	_ =	swait.ge [sflag:s24], $0x1900  }
0x97: {  	[sflag:s24] =	ssyncset.done $0x0  }
0x98: {  	[sflag:s24] =	ssyncadd.s32 $0xFFFFE700  }
0x99: {  	_ =	swait.ge [sflag:s24], $0x1900  }
0x9a: {  	[sflag:s24] =	ssyncset.done $0x0  }
0x9b: {  	[sflag:s24] =	ssyncadd.s32 $0xFFFFE700  }
0x9c: {  	_ =	swait.ge [sflag:s24], $0x1900  }
0x9d: {  	[sflag:s24] =	ssyncset.done $0x0  }
0x9e: {  	[sflag:s24] =	ssyncadd.s32 $0xFFFFE700  }
0x9f: {  	_ =	swait.ge [sflag:s24], $0x1900  }
0xa0: {  	[sflag:s24] =	ssyncset.done $0x0  }
0xa1: {  	s6 =	simm.s32 $0x4B0;
	[sflag:s24] =	ssyncadd.s32 $0xFFFFE700  }
0xa2: {  	[tilespmem:s23], [sflag:$0x3] =	stream.indirect.gather [hbm4b:s2+s22], $0x80, s6, s22, $0xb8;
	[tilespmem:$0x1F400] =	vst v63  }
0xa3: {  	s7 =	simm.s32 $0x530  }
0xa4: {  	[tilespmem:s9], [sflag:$0x3] =	stream.indirect.gather [hbm4b:s2+s26], $0x80, s7, s26, $0xb8;
	[tilespmem:$0x1F400] =	vst v63  }
0xa5: {  	_ =	swait.ge [sflag:s28], $0x1900  }
0xa6: {  	[sflag:s28] =	ssyncset.done $0x0  }
0xa7: {  	[sflag:s28] =	ssyncadd.s32 $0xFFFFE700  }
0xa8: {  	_ =	swait.ge [sflag:s28], $0x1900  }
0xa9: {  	[sflag:s28] =	ssyncset.done $0x0  }
0xaa: {  	[sflag:s28] =	ssyncadd.s32 $0xFFFFE700  }
0xab: {  	_ =	swait.ge [sflag:s28], $0x1900  }
0xac: {  	[sflag:s28] =	ssyncset.done $0x0  }
0xad: {  	[sflag:s28] =	ssyncadd.s32 $0xFFFFE700  }
0xae: {  	_ =	swait.ge [sflag:s28], $0x1900  }
0xaf: {  	s31 =	simm.s32 $0x640;
	s0 =	simm.s32 $0x5F8;
	[sflag:s28] =	ssyncset.done $0x0  }
0xb0: {  	s10 =	simm.s32 $0x578;
	s1 =	simm.s32 $0x3800;
	[sflag:s28] =	ssyncadd.s32 $0xFFFFE700  }
0xb1: {  	[tilespmem:s29], [sflag:$0x4] =	stream.indirect.gather [hbm4b:s2+s22], $0x80, s10, s22, $0xb8;
	[tilespmem:$0x1F400] =	vst v63  }
.LBB2_2:
0xb2: {  	s5 =	simm.s32 $0x1D000  }
0xb3: {  	[tilespmem:s5], [sflag:$0x4] =	stream.indirect.gather [hbm4b:s2+s26], $0x80, s0, s26, $0xb8;
	[tilespmem:$0x1F400] =	vst v63  }
0xb4: {  	_ =	swait.ge [sflag:s4], $0x4000  }
0xb5: {  	[sflag:s4] =	ssyncset.done $0x0  }
0xb6: {  	[sflag:s4] =	ssyncadd.s32 $0xFFFFC000  }
0xb7: {  	_ =	swait.ge [sflag:s4], $0x2400  }
0xb8: {  	s0 =	smov.u32 s1;
	s7 =	rddreg [dreg:$0x6];
	[sflag:s4] =	ssyncset.done $0x0  }
0xb9: {  	[sflag:s4] =	ssyncadd.s32 $0xFFFFDC00;
	s5 =	sadd.s32 s0, s7  }
0xba: {  	[hbm4b:s5+s3] =	stream.linear.scatter [tilespmem:s25], [sflag:$0x5], $0x1900, $0x38;
	[tilespmem:$0x1F400] =	vst v63  }
0xbb: {  	s9 =	simm.s32 $0x7D00;
	s6 =	sadd.s32 $0x380, s5  }
0xbc: {  	[hbm4b:s6+s3] =	stream.linear.scatter [tilespmem:s9], [sflag:$0x5], $0x1900, $0x38;
	[tilespmem:$0x1F400] =	vst v63  }
0xbd: {  	s10 =	simm.s32 $0x9600;
	s7 =	rddreg [dreg:$0xc];
	s9 =	sadd.s32 $0x700, s5  }
0xbe: {  	[hbm4b:s9+s3] =	stream.linear.scatter [tilespmem:s10], [sflag:$0x5], $0x1900, $0x38;
	[tilespmem:$0x1F400] =	vst v63  }
0xbf: {  	s7 =	sadd.s32 s0, s7;
	s9 =	simm.s32 $0xAF00  }
0xc0: {  	[hbm4b:s7+s3] =	stream.linear.scatter [tilespmem:s9], [sflag:$0x5], $0x1900, $0x38;
	[tilespmem:$0x1F400] =	vst v63  }
0xc1: {  	_ =	swait.ge [sflag:s8], $0x4000  }
0xc2: {  	[sflag:s8] =	ssyncset.done $0x0  }
0xc3: {  	[sflag:s8] =	ssyncadd.s32 $0xFFFFC000  }
0xc4: {  	_ =	swait.ge [sflag:s8], $0x2400  }
0xc5: {  	[sflag:s8] =	ssyncset.done $0x0  }
0xc6: {  	s10 =	sadd.s32 $0xE00, s5;
	s6 =	rddreg [dreg:$0xb];
	[sflag:s8] =	ssyncadd.s32 $0xFFFFDC00  }
0xc7: {  	[hbm4b:s10+s3] =	stream.linear.scatter [tilespmem:s30], [sflag:$0x6], $0x1900, $0x38;
	[tilespmem:$0x1F400] =	vst v63  }
0xc8: {  	s9 =	rddreg [dreg:$0xa];
	s6 =	sadd.s32 s0, s6;
	s10 =	simm.s32 $0xE100  }
0xc9: {  	[hbm4b:s6+s3] =	stream.linear.scatter [tilespmem:s10], [sflag:$0x6], $0x1900, $0x38;
	[tilespmem:$0x1F400] =	vst v63  }
0xca: {  	s7 =	rddreg [dreg:$0x9];
	s9 =	sadd.s32 s0, s9;
	s10 =	simm.s32 $0xFA00  }
0xcb: {  	[hbm4b:s9+s3] =	stream.linear.scatter [tilespmem:s10], [sflag:$0x6], $0x1900, $0x38;
	[tilespmem:$0x1F400] =	vst v63  }
0xcc: {  	s7 =	sadd.s32 s0, s7  }
0xcd: {  	[hbm4b:s7+s3] =	stream.linear.scatter [tilespmem:s11], [sflag:$0x6], $0x1900, $0x38;
	[tilespmem:$0x1F400] =	vst v63  }
0xce: {  	_ =	swait.ge [sflag:s12], $0x4000  }
0xcf: {  	[sflag:s12] =	ssyncset.done $0x0  }
0xd0: {  	[sflag:s12] =	ssyncadd.s32 $0xFFFFC000  }
0xd1: {  	_ =	swait.ge [sflag:s12], $0x2400  }
0xd2: {  	[sflag:s12] =	ssyncset.done $0x0  }
0xd3: {  	s9 =	sadd.s32 $0x1C00, s5;
	[sflag:s12] =	ssyncadd.s32 $0xFFFFDC00  }
0xd4: {  	[hbm4b:s9+s3] =	stream.linear.scatter [tilespmem:s23], [sflag:$0x7], $0x1900, $0x38;
	[tilespmem:$0x1F400] =	vst v63  }
0xd5: {  	s10 =	sadd.s32 $0x1F80, s5;
	s7 =	rddreg [dreg:$0x8]  }
0xd6: {  	[hbm4b:s10+s3] =	stream.linear.scatter [tilespmem:s13], [sflag:$0x7], $0x1900, $0x38;
	[tilespmem:$0x1F400] =	vst v63  }
0xd7: {  	s9 =	rddreg [dreg:$0x7];
	s10 =	sadd.s32 s0, s7  }
0xd8: {  	[hbm4b:s10+s3] =	stream.linear.scatter [tilespmem:s14], [sflag:$0x7], $0x1900, $0x38;
	[tilespmem:$0x1F400] =	vst v63  }
0xd9: {  	s7 =	sadd.s32 s0, s9  }
0xda: {  	[hbm4b:s7+s3] =	stream.linear.scatter [tilespmem:s15], [sflag:$0x7], $0x1900, $0x38;
	[tilespmem:$0x1F400] =	vst v63  }
0xdb: {  	_ =	swait.ge [sflag:s16], $0x4000  }
0xdc: {  	[sflag:s16] =	ssyncset.done $0x0  }
0xdd: {  	[sflag:s16] =	ssyncadd.s32 $0xFFFFC000  }
0xde: {  	_ =	swait.ge [sflag:s16], $0x2400  }
0xdf: {  	[sflag:s16] =	ssyncset.done $0x0  }
0xe0: {  	s5 =	sadd.s32 $0x2A00, s5;
	s10 =	rddreg [dreg:$0x5];
	[sflag:s16] =	ssyncadd.s32 $0xFFFFDC00  }
0xe1: {  	[hbm4b:s5+s3] =	stream.linear.scatter [tilespmem:s29], [sflag:$0x8], $0x1900, $0x38;
	[tilespmem:$0x1F400] =	vst v63  }
0xe2: {  	s7 =	rddreg [dreg:$0x4];
	s10 =	sadd.s32 s0, s10  }
0xe3: {  	[hbm4b:s10+s3] =	stream.linear.scatter [tilespmem:s17], [sflag:$0x8], $0x1900, $0x38;
	[tilespmem:$0x1F400] =	vst v63  }
0xe4: {  	s6 =	rddreg [dreg:$0x3];
	s10 =	sadd.s32 s0, s7  }
0xe5: {  	[hbm4b:s10+s3] =	stream.linear.scatter [tilespmem:s18], [sflag:$0x8], $0x1900, $0x38;
	[tilespmem:$0x1F400] =	vst v63  }
0xe6: {  	s0 =	sadd.s32 s0, s6  }
0xe7: {  	[hbm4b:s0+s3] =	stream.linear.scatter [tilespmem:s19], [sflag:$0x8], $0x1900, $0x38;
	[tilespmem:$0x1F400] =	vst v63  }
0xe8: {  	_ =	swait.ge [sflag:s20], $0x1900  }
0xe9: {  	[sflag:s20] =	ssyncset.done $0x0  }
0xea: {  	[sflag:s20] =	ssyncadd.s32 $0xFFFFE700  }
0xeb: {  	_ =	swait.ge [sflag:s20], $0x1900  }
0xec: {  	[sflag:s20] =	ssyncset.done $0x0  }
0xed: {  	[sflag:s20] =	ssyncadd.s32 $0xFFFFE700  }
0xee: {  	_ =	swait.ge [sflag:s20], $0x1900  }
0xef: {  	[sflag:s20] =	ssyncset.done $0x0  }
0xf0: {  	[sflag:s20] =	ssyncadd.s32 $0xFFFFE700  }
0xf1: {  	_ =	swait.ge [sflag:s20], $0x1900  }
0xf2: {  	[sflag:s20] =	ssyncset.done $0x0  }
0xf3: {  	[sflag:s20] =	ssyncadd.s32 $0xFFFFE700  }
0xf4: {  	[tilespmem:s25], [sflag:$0x1] =	stream.indirect.gather [hbm4b:s2+s22], $0x80, s31, s22, $0xb8;
	[tilespmem:$0x1F400] =	vst v63  }
0xf5: {  	s5 =	sadd.s32 $0x80, s31;
	s6 =	simm.s32 $0xA400  }
0xf6: {  	[tilespmem:s6], [sflag:$0x1] =	stream.indirect.gather [hbm4b:s2+s26], $0x80, s5, s26, $0xb8;
	[tilespmem:$0x1F400] =	vst v63  }
0xf7: {  	_ =	swait.ge [sflag:s21], $0x1900  }
0xf8: {  	[sflag:s21] =	ssyncset.done $0x0  }
0xf9: {  	[sflag:s21] =	ssyncadd.s32 $0xFFFFE700  }
0xfa: {  	_ =	swait.ge [sflag:s21], $0x1900  }
0xfb: {  	[sflag:s21] =	ssyncset.done $0x0  }
0xfc: {  	[sflag:s21] =	ssyncadd.s32 $0xFFFFE700  }
0xfd: {  	_ =	swait.ge [sflag:s21], $0x1900  }
0xfe: {  	[sflag:s21] =	ssyncset.done $0x0  }
0xff: {  	[sflag:s21] =	ssyncadd.s32 $0xFFFFE700  }
0x100: {  	_ =	swait.ge [sflag:s21], $0x1900  }
0x101: {  	[sflag:s21] =	ssyncset.done $0x0  }
0x102: {  	s10 =	sadd.s32 $0xC8, s31;
	[sflag:s21] =	ssyncadd.s32 $0xFFFFE700  }
0x103: {  	[tilespmem:s30], [sflag:$0x2] =	stream.indirect.gather [hbm4b:s2+s22], $0x80, s10, s22, $0xb8;
	[tilespmem:$0x1F400] =	vst v63  }
0x104: {  	s7 =	simm.s32 $0x10800;
	s5 =	sadd.s32 $0x148, s31  }
0x105: {  	[tilespmem:s7], [sflag:$0x2] =	stream.indirect.gather [hbm4b:s2+s26], $0x80, s5, s26, $0xb8;
	[tilespmem:$0x1F400] =	vst v63  }
0x106: {  	_ =	swait.ge [sflag:s24], $0x1900  }
0x107: {  	[sflag:s24] =	ssyncset.done $0x0  }
0x108: {  	[sflag:s24] =	ssyncadd.s32 $0xFFFFE700  }
0x109: {  	_ =	swait.ge [sflag:s24], $0x1900  }
0x10a: {  	[sflag:s24] =	ssyncset.done $0x0  }
0x10b: {  	[sflag:s24] =	ssyncadd.s32 $0xFFFFE700  }
0x10c: {  	_ =	swait.ge [sflag:s24], $0x1900  }
0x10d: {  	[sflag:s24] =	ssyncset.done $0x0  }
0x10e: {  	[sflag:s24] =	ssyncadd.s32 $0xFFFFE700  }
0x10f: {  	_ =	swait.ge [sflag:s24], $0x1900  }
0x110: {  	[sflag:s24] =	ssyncset.done $0x0  }
0x111: {  	s10 =	sadd.s32 $0x190, s31;
	[sflag:s24] =	ssyncadd.s32 $0xFFFFE700  }
0x112: {  	[tilespmem:s23], [sflag:$0x3] =	stream.indirect.gather [hbm4b:s2+s22], $0x80, s10, s22, $0xb8;
	[tilespmem:$0x1F400] =	vst v63  }
0x113: {  	s9 =	simm.s32 $0x16C00;
	s5 =	sadd.s32 $0x210, s31  }
0x114: {  	[tilespmem:s9], [sflag:$0x3] =	stream.indirect.gather [hbm4b:s2+s26], $0x80, s5, s26, $0xb8;
	[tilespmem:$0x1F400] =	vst v63  }
0x115: {  	_ =	swait.ge [sflag:s28], $0x1900  }
0x116: {  	[sflag:s28] =	ssyncset.done $0x0  }
0x117: {  	[sflag:s28] =	ssyncadd.s32 $0xFFFFE700  }
0x118: {  	_ =	swait.ge [sflag:s28], $0x1900  }
0x119: {  	[sflag:s28] =	ssyncset.done $0x0  }
0x11a: {  	[sflag:s28] =	ssyncadd.s32 $0xFFFFE700  }
0x11b: {  	_ =	swait.ge [sflag:s28], $0x1900  }
0x11c: {  	p0 =	sne.s32 s1, $0x69000;
	[sflag:s28] =	ssyncset.done $0x0  }
.Ltmp0:
0x11d: {  	[sflag:s28] =	ssyncadd.s32 $0xFFFFE700;
	(pc) =	sbr.rel @p0 .LBB2_2-.Ltmp0, $4  }
0x11e: {  	_ =	swait.ge [sflag:s28], $0x1900  }
0x11f: {  	s1 =	sadd.s32 $0x3800, s1;
	s0 =	sadd.s32 $0x2D8, s31;
	[sflag:s28] =	ssyncset.done $0x0  }
0x120: {  	s10 =	sadd.s32 $0x258, s31;
	s31 =	sadd.s32 $0x320, s31;
	[sflag:s28] =	ssyncadd.s32 $0xFFFFE700  }
0x121: {  	[tilespmem:s29], [sflag:$0x4] =	stream.indirect.gather [hbm4b:s2+s22], $0x80, s10, s22, $0xb8;
	[tilespmem:$0x1F400] =	vst v63  }
0x122: {  	s1 =	simm.s32 $0x1D000  }
0x123: {  	[tilespmem:s1], [sflag:$0x4] =	stream.indirect.gather [hbm4b:s2+s26], $0x80, s0, s26, $0xb8;
	[tilespmem:$0x1F400] =	vst v63  }
0x124: {  	_ =	swait.ge [sflag:s4], $0x4000  }
0x125: {  	[sflag:s4] =	ssyncset.done $0x0  }
0x126: {  	[sflag:s4] =	ssyncadd.s32 $0xFFFFC000  }
0x127: {  	_ =	swait.ge [sflag:s4], $0x2400  }
0x128: {  	[sflag:s4] =	ssyncset.done $0x0  }
0x129: {  	s31 =	rddreg [dreg:$0xe];
	[sflag:s4] =	ssyncadd.s32 $0xFFFFDC00  }
0x12a: {  	[hbm4b:s31+s3] =	stream.linear.scatter [tilespmem:s25], [sflag:$0x5], $0x1900, $0x38;
	[tilespmem:$0x1F400] =	vst v63  }
0x12b: {  	s5 =	simm.s32 $0x7D00;
	s1 =	rddreg [dreg:$0xf]  }
0x12c: {  	[hbm4b:s1+s3] =	stream.linear.scatter [tilespmem:s5], [sflag:$0x5], $0x1900, $0x38;
	[tilespmem:$0x1F400] =	vst v63  }
0x12d: {  	s10 =	rddreg [dreg:$0x10];
	s31 =	simm.s32 $0x9600  }
0x12e: {  	[hbm4b:s10+s3] =	stream.linear.scatter [tilespmem:s31], [sflag:$0x5], $0x1900, $0x38;
	[tilespmem:$0x1F400] =	vst v63  }
0x12f: {  	s5 =	rddreg [dreg:$0x11];
	s10 =	simm.s32 $0xAF00  }
0x130: {  	[hbm4b:s5+s3] =	stream.linear.scatter [tilespmem:s10], [sflag:$0x5], $0x1900, $0x38;
	[tilespmem:$0x1F400] =	vst v63  }
0x131: {  	_ =	swait.ge [sflag:s8], $0x4000  }
0x132: {  	[sflag:s8] =	ssyncset.done $0x0  }
0x133: {  	[sflag:s8] =	ssyncadd.s32 $0xFFFFC000  }
0x134: {  	_ =	swait.ge [sflag:s8], $0x2400  }
0x135: {  	[sflag:s8] =	ssyncset.done $0x0  }
0x136: {  	s31 =	rddreg [dreg:$0x12];
	[sflag:s8] =	ssyncadd.s32 $0xFFFFDC00  }
0x137: {  	[hbm4b:s31+s3] =	stream.linear.scatter [tilespmem:s30], [sflag:$0x6], $0x1900, $0x38;
	[tilespmem:$0x1F400] =	vst v63  }
0x138: {  	s5 =	simm.s32 $0xE100;
	s1 =	rddreg [dreg:$0x13]  }
0x139: {  	[hbm4b:s1+s3] =	stream.linear.scatter [tilespmem:s5], [sflag:$0x6], $0x1900, $0x38;
	[tilespmem:$0x1F400] =	vst v63  }
0x13a: {  	s10 =	rddreg [dreg:$0x14];
	s31 =	simm.s32 $0xFA00  }
0x13b: {  	[hbm4b:s10+s3] =	stream.linear.scatter [tilespmem:s31], [sflag:$0x6], $0x1900, $0x38;
	[tilespmem:$0x1F400] =	vst v63  }
0x13c: {  	s5 =	rddreg [dreg:$0x15]  }
0x13d: {  	[hbm4b:s5+s3] =	stream.linear.scatter [tilespmem:s11], [sflag:$0x6], $0x1900, $0x38;
	[tilespmem:$0x1F400] =	vst v63  }
0x13e: {  	_ =	swait.ge [sflag:s12], $0x4000  }
0x13f: {  	[sflag:s12] =	ssyncset.done $0x0  }
0x140: {  	[sflag:s12] =	ssyncadd.s32 $0xFFFFC000  }
0x141: {  	_ =	swait.ge [sflag:s12], $0x2400  }
0x142: {  	[sflag:s12] =	ssyncset.done $0x0  }
0x143: {  	s10 =	rddreg [dreg:$0x16];
	[sflag:s12] =	ssyncadd.s32 $0xFFFFDC00  }
0x144: {  	[hbm4b:s10+s3] =	stream.linear.scatter [tilespmem:s23], [sflag:$0x7], $0x1900, $0x38;
	[tilespmem:$0x1F400] =	vst v63  }
0x145: {  	s31 =	rddreg [dreg:$0x17]  }
0x146: {  	[hbm4b:s31+s3] =	stream.linear.scatter [tilespmem:s13], [sflag:$0x7], $0x1900, $0x38;
	[tilespmem:$0x1F400] =	vst v63  }
0x147: {  	s1 =	rddreg [dreg:$0x18]  }
0x148: {  	[hbm4b:s1+s3] =	stream.linear.scatter [tilespmem:s14], [sflag:$0x7], $0x1900, $0x38;
	[tilespmem:$0x1F400] =	vst v63  }
0x149: {  	s5 =	rddreg [dreg:$0x19]  }
0x14a: {  	[hbm4b:s5+s3] =	stream.linear.scatter [tilespmem:s15], [sflag:$0x7], $0x1900, $0x38;
	[tilespmem:$0x1F400] =	vst v63  }
0x14b: {  	_ =	swait.ge [sflag:s16], $0x4000  }
0x14c: {  	[sflag:s16] =	ssyncset.done $0x0  }
0x14d: {  	[sflag:s16] =	ssyncadd.s32 $0xFFFFC000  }
0x14e: {  	_ =	swait.ge [sflag:s16], $0x2400  }
0x14f: {  	[sflag:s16] =	ssyncset.done $0x0  }
0x150: {  	s10 =	rddreg [dreg:$0x1a];
	[sflag:s16] =	ssyncadd.s32 $0xFFFFDC00  }
0x151: {  	[hbm4b:s10+s3] =	stream.linear.scatter [tilespmem:s29], [sflag:$0x8], $0x1900, $0x38;
	[tilespmem:$0x1F400] =	vst v63  }
0x152: {  	s31 =	rddreg [dreg:$0x1b]  }
0x153: {  	[hbm4b:s31+s3] =	stream.linear.scatter [tilespmem:s17], [sflag:$0x8], $0x1900, $0x38;
	[tilespmem:$0x1F400] =	vst v63  }
0x154: {  	s1 =	rddreg [dreg:$0x1c]  }
0x155: {  	[hbm4b:s1+s3] =	stream.linear.scatter [tilespmem:s18], [sflag:$0x8], $0x1900, $0x38;
	[tilespmem:$0x1F400] =	vst v63  }
0x156: {  	s5 =	rddreg [dreg:$0x1d]  }
0x157: {  	[hbm4b:s5+s3] =	stream.linear.scatter [tilespmem:s19], [sflag:$0x8], $0x1900, $0x38;
	[tilespmem:$0x1F400] =	vst v63  }
0x158: {  	_ =	swait.ge [sflag:s20], $0x1900  }
0x159: {  	[sflag:s20] =	ssyncset.done $0x0  }
0x15a: {  	[sflag:s20] =	ssyncadd.s32 $0xFFFFE700  }
0x15b: {  	_ =	swait.ge [sflag:s20], $0x1900  }
0x15c: {  	[sflag:s20] =	ssyncset.done $0x0  }
0x15d: {  	[sflag:s20] =	ssyncadd.s32 $0xFFFFE700  }
0x15e: {  	_ =	swait.ge [sflag:s20], $0x1900  }
0x15f: {  	[sflag:s20] =	ssyncset.done $0x0  }
0x160: {  	[sflag:s20] =	ssyncadd.s32 $0xFFFFE700  }
0x161: {  	_ =	swait.ge [sflag:s20], $0x1900  }
0x162: {  	[sflag:s20] =	ssyncset.done $0x0  }
0x163: {  	[sflag:s20] =	ssyncadd.s32 $0xFFFFE700  }
0x164: {  	_ =	swait.ge [sflag:s21], $0x1900  }
0x165: {  	[sflag:s21] =	ssyncset.done $0x0  }
0x166: {  	[sflag:s21] =	ssyncadd.s32 $0xFFFFE700  }
0x167: {  	_ =	swait.ge [sflag:s21], $0x1900  }
0x168: {  	[sflag:s21] =	ssyncset.done $0x0  }
0x169: {  	[sflag:s21] =	ssyncadd.s32 $0xFFFFE700  }
0x16a: {  	_ =	swait.ge [sflag:s21], $0x1900  }
0x16b: {  	[sflag:s21] =	ssyncset.done $0x0  }
0x16c: {  	[sflag:s21] =	ssyncadd.s32 $0xFFFFE700  }
0x16d: {  	_ =	swait.ge [sflag:s21], $0x1900  }
0x16e: {  	[sflag:s21] =	ssyncset.done $0x0  }
0x16f: {  	[sflag:s21] =	ssyncadd.s32 $0xFFFFE700  }
0x170: {  	_ =	swait.ge [sflag:s24], $0x1900  }
0x171: {  	[sflag:s24] =	ssyncset.done $0x0  }
0x172: {  	[sflag:s24] =	ssyncadd.s32 $0xFFFFE700  }
0x173: {  	_ =	swait.ge [sflag:s24], $0x1900  }
0x174: {  	[sflag:s24] =	ssyncset.done $0x0  }
0x175: {  	[sflag:s24] =	ssyncadd.s32 $0xFFFFE700  }
0x176: {  	_ =	swait.ge [sflag:s24], $0x1900  }
0x177: {  	[sflag:s24] =	ssyncset.done $0x0  }
0x178: {  	[sflag:s24] =	ssyncadd.s32 $0xFFFFE700  }
0x179: {  	_ =	swait.ge [sflag:s24], $0x1900  }
0x17a: {  	[sflag:s24] =	ssyncset.done $0x0  }
0x17b: {  	[sflag:s24] =	ssyncadd.s32 $0xFFFFE700  }
0x17c: {  	_ =	swait.ge [sflag:s28], $0x1900  }
0x17d: {  	[sflag:s28] =	ssyncset.done $0x0  }
0x17e: {  	[sflag:s28] =	ssyncadd.s32 $0xFFFFE700  }
0x17f: {  	_ =	swait.ge [sflag:s28], $0x1900  }
0x180: {  	[sflag:s28] =	ssyncset.done $0x0  }
0x181: {  	[sflag:s28] =	ssyncadd.s32 $0xFFFFE700  }
0x182: {  	_ =	swait.ge [sflag:s28], $0x1900  }
0x183: {  	[sflag:s28] =	ssyncset.done $0x0  }
0x184: {  	[sflag:s28] =	ssyncadd.s32 $0xFFFFE700  }
0x185: {  	_ =	swait.ge [sflag:s28], $0x1900  }
0x186: {  	s10 =	rddreg [dreg:$0x1f]  }
0x187: {  	s31 =	rddreg [dreg:$0x1e];
	s1 =	sadd.s32 $0x1, s10  }
0x188: {  	p0 =	sne.s32 s1, s31  }
.Ltmp1:
0x189: {  	_ = 	snop;
	(pc) =	sbr.rel @p0 .LBB2_1-.Ltmp1, $3  }
0x18a: {  	_ =	sdelay $0x1  }
0x18b: {  	[sflag:s28] =	ssyncset.done $0x0  }
0x18c: {  	[sflag:s28] =	ssyncadd.s32 $0xFFFFE700  }
0x18d: {  	_ =	sfence.sel $0x180000  }
0x18e: {  	[bflag:$0x0] =	sbarrier.arrive $0xFFFF  }
0x18f: {  	_ =	strace $0x90000047  }
0x190: {  	s0 =	stileid.u32;
	[bflag:$0x2] =	sbarrier.arrive $0xFFFF  }
0x191: {  	p0 =	sne.s32 s0, $0x0;
	s0 =	rddreg [dreg:$0x2]  }
0x192: {  	s0 =	sadd.s32 @!p0 $0x100000, s0  }
0x193: {  	[sflag:s0] =	ssyncadd.tile.s32 @!p0 $0x1;
	_ =	shalt  }
.Lfunc_end2:
_tile_overlayer_lowered:
.L_overlay_start_2:
0x194: {  	(tag) =	ssettag $0x2  }
0x195: {  	s0 =	rddreg [dreg:$0x0];
	s2 =	stileid.u32  }
0x196: {  	s1 =	rddreg [dreg:$0x1];
	p0 =	sne.s32 s2, $0x0  }
0x197: {  	s3 =	rddreg [dreg:$0x2];
	[bflag:$0x3] =	sbarrier.arrive $0xFFFF;
	s2 =	simm.s32 @!p0 $0x1C09  }
0x198: {  	[timem:s3], [sflag:s2] =	dma.local @!p0 [hbm:s0], s1  }
0x199: {  	s0 =	simm.s32 @!p0 $0x9  }
0x19a: {  	_ =	swait.ge @!p0 [sflag:s0], s1  }
0x19b: {  	s1 =	ssub.s32 @!p0 $0x0, s1;
	[sflag:s0] =	ssyncset.done @!p0 $0x0  }
0x19c: {  	[sflag:s0] =	ssyncadd.s32 @!p0 s1  }
0x19d: {  	[bflag:$0x3] =	sbarrier.arrive $0xFFFF  }
0x19e: {  	_ =	shalt  }

</sc_bundles>
